<compile_context>
chip_gen: v7x
topology: tpu7x:2x2x1
jax: 0.10.2.dev20260603
libtpu: 0.0.44.dev20260713+nightly
codegen_flags: <defaults>
</compile_context>

<pallas_src>
import jax
import jax.numpy as jnp
from jax import lax
from jax.experimental import pallas as pl
from jax.experimental.pallas import tpu as pltpu
from jax.experimental.pallas import tpu_sc as plsc

_NCORE = 2
_CH = 32000
_NCH = 5


def _sc_body(B, L, C):
    rows_per_w = B // 32

    def body(s_hbm, e_hbm, dec_hbm, perm_hbm, lam_hbm, wave_hbm, oh_hbm,
             out_w, out_oh,
             sbuf, ebuf, dbuf, pbuf, lambuf, main, evec, ohs, ohd,
             ldsem, stsem, bsem):
        w = lax.axis_index("s") * _NCORE + lax.axis_index("c")
        pltpu.sync_copy(s_hbm, sbuf)
        pltpu.sync_copy(e_hbm, ebuf)
        pltpu.sync_copy(dec_hbm, dbuf)
        pltpu.sync_copy(perm_hbm, pbuf)
        pltpu.sync_copy(lam_hbm, lambuf)
        lanes = lax.iota(jnp.int32, 16)

        def pick(buf, row):
            base = (row // 16) * 16
            v = buf[pl.ds(pl.multiple_of(base, 16), 16)]
            return jnp.sum(jnp.where(lanes == row - base, v,
                                     jnp.zeros_like(v)))

        def do_label(row):
            p = pick(pbuf, row)
            dec = pick(dbuf, row)
            lamv = pick(lambuf, row)
            f = jnp.where(dec == 1, lamv, 1.0)
            pltpu.sync_copy(oh_hbm.at[row], ohs)
            pltpu.sync_copy(oh_hbm.at[p], ohd)

            def lbody(i, _):
                x = ohs[pl.ds(pl.multiple_of(i * 16, 16), 16)]
                y = ohd[pl.ds(pl.multiple_of(i * 16, 16), 16)]
                ohs[pl.ds(pl.multiple_of(i * 16, 16), 16)] = f * x + (1.0 - f) * y
                return 0

            lax.fori_loop(0, C // 16, lbody, 0)
            pltpu.sync_copy(ohs, out_oh.at[row])

        def do_row(row):
            s = pick(sbuf, row)
            e = pick(ebuf, row)
            dec = pick(dbuf, row)
            p = pick(pbuf, row)
            wl = jnp.where(dec == 1, e - s, 0)
            ee = s + wl
            wl_u = wl.astype(jnp.uint32)

            def load_cp(k):
                lo = k * _CH
                full = (s <= lo) & (ee >= lo + _CH)
                src = jnp.where(full, p, row)
                slot = lax.rem(k, 2)
                return pltpu.make_async_copy(
                    wave_hbm.at[src, pl.ds(pl.multiple_of(lo, 16), _CH)],
                    main.at[pl.ds(pl.multiple_of(slot * _CH, 16), _CH)],
                    ldsem.at[slot])

            def store_cp(k):
                lo = k * _CH
                slot = lax.rem(k, 2)
                return pltpu.make_async_copy(
                    main.at[pl.ds(pl.multiple_of(slot * _CH, 16), _CH)],
                    out_w.at[row, pl.ds(pl.multiple_of(lo, 16), _CH)],
                    stsem.at[slot])

            def boundary(k):
                lo = k * _CH
                slot = lax.rem(k, 2)
                full = (s <= lo) & (ee >= lo + _CH)
                inter = (s < lo + _CH) & (ee > lo)
                partial = inter & jnp.logical_not(full) & (wl > 0)

                @pl.when(partial)
                def _():
                    a = jnp.maximum(s, lo)
                    b = jnp.minimum(ee, lo + _CH)
                    a16 = ((a + 15) // 16) * 16
                    b16 = (b // 16) * 16
                    mid = jnp.maximum(b16 - a16, 0)

                    def mid_cps(do_start):
                        cur = a16
                        for bit in range((_CH - 1).bit_length() - 1, 3, -1):
                            sz = 1 << bit
                            take = ((mid >> bit) & 1) == 1

                            @pl.when(take)
                            def _(cur=cur, sz=sz):
                                cp = pltpu.make_async_copy(
                                    wave_hbm.at[p, pl.ds(pl.multiple_of(cur, 16), sz)],
                                    main.at[pl.ds(pl.multiple_of(slot * _CH + cur - lo, 16), sz)],
                                    bsem)
                                if do_start:
                                    cp.start()
                                else:
                                    cp.wait()
                            cur = cur + jnp.where(take, sz, 0)

                    mid_cps(True)
                    mid_cps(False)

                    def edge(v, cond):
                        @pl.when(cond)
                        def _():
                            pltpu.sync_copy(
                                wave_hbm.at[p, pl.ds(pl.multiple_of(v * 16, 16), 16)], evec)
                            pos = lanes + v * 16
                            m = (pos - s).astype(jnp.uint32) < wl_u
                            off = slot * _CH + v * 16 - lo
                            curv = main[pl.ds(pl.multiple_of(off, 16), 16)]
                            main[pl.ds(pl.multiple_of(off, 16), 16)] = jnp.where(m, evec[...],
                                                             curv)

                    va = a // 16
                    vb = (b - 1) // 16
                    edge(va, partial)
                    edge(vb, vb != va)

            load_cp(0).start()
            do_label(row)

            def cb(k, _):
                load_cp(k).wait()
                boundary(k)
                store_cp(k).start()

                @pl.when(k >= 1)
                def _():
                    store_cp(k - 1).wait()

                @pl.when(k + 1 < _NCH)
                def _():
                    load_cp(k + 1).start()

                return 0

            lax.fori_loop(0, _NCH, cb, 0)
            store_cp(_NCH - 1).wait()

        for j in range(rows_per_w):
            row = w * rows_per_w + j
            do_row(row)

    return body


def kernel(wave, onehot_machine, lam, dec, perm, start):
    B, L = wave.shape
    C = onehot_machine.shape[1]

    crop = ((1.0 - lam) * L).astype(jnp.int32)
    max_start = jnp.maximum(1, L - crop)
    s = jnp.mod(start, max_start)
    e = s + crop
    deci = dec.astype(jnp.int32)

    mesh = plsc.VectorSubcoreMesh(core_axis_name="c", subcore_axis_name="s")
    run = pl.kernel(
        _sc_body(B, L, C),
        out_type=[
            jax.ShapeDtypeStruct((B, L), jnp.float32),
            jax.ShapeDtypeStruct((B, C), jnp.float32),
        ],
        mesh=mesh,
        compiler_params=pltpu.CompilerParams(use_tc_tiling_on_sc=False, needs_layout_passes=False),
        scratch_types=[
            pltpu.VMEM((B,), jnp.int32),
            pltpu.VMEM((B,), jnp.int32),
            pltpu.VMEM((B,), jnp.int32),
            pltpu.VMEM((B,), jnp.int32),
            pltpu.VMEM((B,), jnp.float32),
            pltpu.VMEM((2 * _CH,), jnp.float32),
            pltpu.VMEM((16,), jnp.float32),
            pltpu.VMEM((C,), jnp.float32),
            pltpu.VMEM((C,), jnp.float32),
            pltpu.SemaphoreType.DMA((2,)),
            pltpu.SemaphoreType.DMA((2,)),
            pltpu.SemaphoreType.DMA,
        ],
    )
    out_w, out_oh = run(s, e, deci, perm, lam, wave, onehot_machine)
    return out_w, out_oh

# --- scband reference (transcript-rebuilt; emitter-appended) ---
"""Pipeline reference for scband-cutmix-63376537420167 (READ-ONLY COPY).

The authoritative reference and input builder live on the scoring server;
editing this copy changes nothing except your own understanding.
"""

import jax, jax.numpy as jnp
import numpy as np

B = 64
L = 160000
C = 1024
PROB = 0.5

def setup_inputs(seed: int = 0) -> dict:
    key = jax.random.key(seed)
    k1, k2, k3, k4, k5, k6 = jax.random.split(key, 6)
    wave = jax.random.normal(k1, (B, L), dtype=jnp.float32)
    onehot_machine = jax.random.uniform(k2, (B, C), dtype=jnp.float32)
    lam = jax.random.uniform(k3, (B,), dtype=jnp.float32)
    dec = (jax.random.uniform(k4, (B,)) < PROB).astype(jnp.float32)
    perm = jax.random.permutation(k5, B).astype(jnp.int32)
    start = jax.random.randint(k6, (B,), 0, L).astype(jnp.int32)
    return {"wave": wave, "onehot_machine": onehot_machine, "lam": lam,
            "dec": dec, "perm": perm, "start": start}

def reference(wave, onehot_machine, lam, dec, perm, start):
    # process_wave: replace segment [start, start+crop_len) of row i with donor row perm[i] when dec[i]==1
    all_len = wave.shape[1]
    crop_len = ((1.0 - lam) * all_len).astype(jnp.int32)
    max_start = jnp.maximum(1, all_len - crop_len)
    start_c = jnp.mod(start, max_start)  # start in [0, max(1, all_len - crop_len))
    pos = jnp.arange(all_len)[None, :]
    seg_mask = (pos >= start_c[:, None]) & (pos < (start_c + crop_len)[:, None])
    mask = seg_mask & (dec[:, None] == 1.0)
    wave_mix = jnp.where(mask, wave[perm], wave)
    # process_label: lam-weighted mix, applied only where dec==1
    lam_r = lam[:, None]
    dec_r = dec[:, None]
    label_mix = lam_r * onehot_machine + (1.0 - lam_r) * onehot_machine[perm]
    onehot_out = dec_r * label_mix + (1.0 - dec_r) * onehot_machine
    return wave_mix, onehot_out

if __name__ == "__main__":
    import jax
    _d = setup_inputs()
    print(jax.jit(kernel)(*tuple(_d.values())))

</pallas_src>

<mosaic_0001>
#map = affine_map<(d0, d1) -> (0)>
#map1 = affine_map<(d0, d1) -> (0, 0)>
module attributes {stable_mosaic.version = 14 : i64} {
  func.func @body(%arg0: i32, %arg1: i32, %arg2: memref<64xi32, #tpu.memory_space<hbm>>, %arg3: memref<64xi32, #tpu.memory_space<hbm>>, %arg4: memref<64xi32, #tpu.memory_space<hbm>>, %arg5: memref<64xi32, #tpu.memory_space<hbm>>, %arg6: memref<64xf32, #tpu.memory_space<hbm>>, %arg7: memref<64x160000xf32, #tpu.memory_space<hbm>>, %arg8: memref<64x1024xf32, #tpu.memory_space<hbm>>, %arg9: memref<64x160000xf32, #tpu.memory_space<hbm>>, %arg10: memref<64x1024xf32, #tpu.memory_space<hbm>>, %arg11: memref<64xi32, #tpu.memory_space<vmem>>, %arg12: memref<64xi32, #tpu.memory_space<vmem>>, %arg13: memref<64xi32, #tpu.memory_space<vmem>>, %arg14: memref<64xi32, #tpu.memory_space<vmem>>, %arg15: memref<64xf32, #tpu.memory_space<vmem>>, %arg16: memref<64000xf32, #tpu.memory_space<vmem>>, %arg17: memref<16xf32, #tpu.memory_space<vmem>>, %arg18: memref<1024xf32, #tpu.memory_space<vmem>>, %arg19: memref<1024xf32, #tpu.memory_space<vmem>>, %arg20: memref<2x!tpu.dma_semaphore, #tpu.memory_space<semaphore_mem>>, %arg21: memref<2x!tpu.dma_semaphore, #tpu.memory_space<semaphore_mem>>, %arg22: memref<!tpu.dma_semaphore, #tpu.memory_space<semaphore_mem>>) attributes {dimension_semantics = [#tpu.dimension_semantics<core_parallel>, #tpu.dimension_semantics<subcore_parallel>], iteration_bounds = array<i64: 2, 16>, scalar_prefetch = 0 : i64, scratch_operands = 12 : i64, tpu.core_type = #tpu.core_type<sc_vector_subcore>, window_params = [{transform_indices = #map}, {transform_indices = #map}, {transform_indices = #map}, {transform_indices = #map}, {transform_indices = #map}, {transform_indices = #map1}, {transform_indices = #map1}, {transform_indices = #map1}, {transform_indices = #map1}]} {
    %mul3A = arith.constant 2 : i32
    %mul3A_0 = arith.muli %arg1, %mul3A : i32
    %add3A = arith.addi %mul3A_0, %arg0 : i32
    "tpu.region"() ({
      %run_scoped3A = tpu.sem_alloc : memref<!tpu.dma_semaphore, #tpu.memory_space<semaphore_mem>>
      tpu.enqueue_dma source(%arg2 : memref<64xi32, #tpu.memory_space<hbm>>) target(%arg11 : memref<64xi32, #tpu.memory_space<vmem>>) target_semaphore(%run_scoped3A : memref<!tpu.dma_semaphore, #tpu.memory_space<semaphore_mem>>)
      tpu.wait_dma2 semaphore(%run_scoped3A : memref<!tpu.dma_semaphore, #tpu.memory_space<semaphore_mem>>) src(%arg2 : memref<64xi32, #tpu.memory_space<hbm>>) dst(%arg11 : memref<64xi32, #tpu.memory_space<vmem>>)
      tpu.yield
    }) : () -> ()
    "tpu.region"() ({
      %run_scoped3A = tpu.sem_alloc : memref<!tpu.dma_semaphore, #tpu.memory_space<semaphore_mem>>
      tpu.enqueue_dma source(%arg3 : memref<64xi32, #tpu.memory_space<hbm>>) target(%arg12 : memref<64xi32, #tpu.memory_space<vmem>>) target_semaphore(%run_scoped3A : memref<!tpu.dma_semaphore, #tpu.memory_space<semaphore_mem>>)
      tpu.wait_dma2 semaphore(%run_scoped3A : memref<!tpu.dma_semaphore, #tpu.memory_space<semaphore_mem>>) src(%arg3 : memref<64xi32, #tpu.memory_space<hbm>>) dst(%arg12 : memref<64xi32, #tpu.memory_space<vmem>>)
      tpu.yield
    }) : () -> ()
    "tpu.region"() ({
      %run_scoped3A = tpu.sem_alloc : memref<!tpu.dma_semaphore, #tpu.memory_space<semaphore_mem>>
      tpu.enqueue_dma source(%arg4 : memref<64xi32, #tpu.memory_space<hbm>>) target(%arg13 : memref<64xi32, #tpu.memory_space<vmem>>) target_semaphore(%run_scoped3A : memref<!tpu.dma_semaphore, #tpu.memory_space<semaphore_mem>>)
      tpu.wait_dma2 semaphore(%run_scoped3A : memref<!tpu.dma_semaphore, #tpu.memory_space<semaphore_mem>>) src(%arg4 : memref<64xi32, #tpu.memory_space<hbm>>) dst(%arg13 : memref<64xi32, #tpu.memory_space<vmem>>)
      tpu.yield
    }) : () -> ()
    "tpu.region"() ({
      %run_scoped3A = tpu.sem_alloc : memref<!tpu.dma_semaphore, #tpu.memory_space<semaphore_mem>>
      tpu.enqueue_dma source(%arg5 : memref<64xi32, #tpu.memory_space<hbm>>) target(%arg14 : memref<64xi32, #tpu.memory_space<vmem>>) target_semaphore(%run_scoped3A : memref<!tpu.dma_semaphore, #tpu.memory_space<semaphore_mem>>)
      tpu.wait_dma2 semaphore(%run_scoped3A : memref<!tpu.dma_semaphore, #tpu.memory_space<semaphore_mem>>) src(%arg5 : memref<64xi32, #tpu.memory_space<hbm>>) dst(%arg14 : memref<64xi32, #tpu.memory_space<vmem>>)
      tpu.yield
    }) : () -> ()
    "tpu.region"() ({
      %run_scoped3A = tpu.sem_alloc : memref<!tpu.dma_semaphore, #tpu.memory_space<semaphore_mem>>
      tpu.enqueue_dma source(%arg6 : memref<64xf32, #tpu.memory_space<hbm>>) target(%arg15 : memref<64xf32, #tpu.memory_space<vmem>>) target_semaphore(%run_scoped3A : memref<!tpu.dma_semaphore, #tpu.memory_space<semaphore_mem>>)
      tpu.wait_dma2 semaphore(%run_scoped3A : memref<!tpu.dma_semaphore, #tpu.memory_space<semaphore_mem>>) src(%arg6 : memref<64xf32, #tpu.memory_space<hbm>>) dst(%arg15 : memref<64xf32, #tpu.memory_space<vmem>>)
      tpu.yield
    }) : () -> ()
    %iota3A = tpu.iota {dimensions = array<i32: 0>} : vector<16xi32>
    %mul3A_1 = arith.constant 2 : i32
    %mul3A_2 = arith.muli %add3A, %mul3A_1 : i32
    %add3A_3 = arith.constant 0 : i32
    %add3A_4 = arith.addi %mul3A_2, %add3A_3 : i32
    %jit3A = arith.constant 16 : i32
    %div3A = arith.divsi %add3A_4, %jit3A : i32
    %sign3A = arith.constant 0 : i32
    %sign3A_5 = arith.cmpi sgt, %add3A_4, %sign3A : i32
    %sign3A_6 = arith.extui %sign3A_5 : i1 to i32
    %sign3A_7 = arith.constant 0 : i32
    %sign3A_8 = arith.cmpi slt, %add3A_4, %sign3A_7 : i32
    %sign3A_9 = arith.extui %sign3A_8 : i1 to i32
    %sign3A_10 = arith.subi %sign3A_6, %sign3A_9 : i32
    %sign3A_11 = arith.constant 0 : i32
    %sign3A_12 = arith.cmpi sgt, %jit3A, %sign3A_11 : i32
    %sign3A_13 = arith.extui %sign3A_12 : i1 to i32
    %sign3A_14 = arith.constant 0 : i32
    %sign3A_15 = arith.cmpi slt, %jit3A, %sign3A_14 : i32
    %sign3A_16 = arith.extui %sign3A_15 : i1 to i32
    %sign3A_17 = arith.subi %sign3A_13, %sign3A_16 : i32
    %ne3A = arith.cmpi ne, %sign3A_10, %sign3A_17 : i32
    %rem3A = arith.remsi %add3A_4, %jit3A : i32
    %ne3A_18 = arith.constant 0 : i32
    %ne3A_19 = arith.cmpi ne, %rem3A, %ne3A_18 : i32
    %and3A = arith.andi %ne3A, %ne3A_19 : i1
    %sub3A = arith.constant 1 : i32
    %sub3A_20 = arith.subi %div3A, %sub3A : i32
    %select_n3A = arith.select %and3A, %sub3A_20, %div3A : i32
    %mul3A_21 = arith.constant 16 : i32
    %mul3A_22 = arith.muli %select_n3A, %mul3A_21 : i32
    %multiple_of3A = tpu.assume_multiple %mul3A_22, 16 : i32
    %get3A = arith.index_cast %multiple_of3A : i32 to index
    %get3A_23 = tpu.vector_load %arg11[%get3A] {strides = array<i32>} : memref<64xi32, #tpu.memory_space<vmem>>, vector<16xi32>,
    %sub3A_24 = arith.subi %add3A_4, %mul3A_22 : i32
    %eq3A = vector.broadcast %sub3A_24 : i32 to vector<16xi32>
    %eq3A_25 = arith.cmpi eq, %iota3A, %eq3A : vector<16xi32>
    %broadcast_in_dim3A = arith.constant 0 : i32
    %broadcast_in_dim3A_26 = vector.broadcast %broadcast_in_dim3A : i32 to vector<16xi32>
    %select_n3A_27 = arith.select %eq3A_25, %get3A_23, %broadcast_in_dim3A_26 : vector<16xi1>, vector<16xi32>
    %reduce_sum3A = arith.constant true
    %reduce_sum3A_28 = vector.broadcast %reduce_sum3A : i1 to vector<16xi1>
    %reduce_sum3A_29 = tpu.scan <sum>, %select_n3A_27 masked %reduce_sum3A_28 : vector<16xi32>, vector<16xi1> -> vector<16xi32>
    %reduce_sum3A_30 = vector.extract %reduce_sum3A_29[15] : i32 from vector<16xi32>
    %jit3A_31 = arith.constant 16 : i32
    %div3A_32 = arith.divsi %add3A_4, %jit3A_31 : i32
    %sign3A_33 = arith.constant 0 : i32
    %sign3A_34 = arith.cmpi sgt, %add3A_4, %sign3A_33 : i32
    %sign3A_35 = arith.extui %sign3A_34 : i1 to i32
    %sign3A_36 = arith.constant 0 : i32
    %sign3A_37 = arith.cmpi slt, %add3A_4, %sign3A_36 : i32
    %sign3A_38 = arith.extui %sign3A_37 : i1 to i32
    %sign3A_39 = arith.subi %sign3A_35, %sign3A_38 : i32
    %sign3A_40 = arith.constant 0 : i32
    %sign3A_41 = arith.cmpi sgt, %jit3A_31, %sign3A_40 : i32
    %sign3A_42 = arith.extui %sign3A_41 : i1 to i32
    %sign3A_43 = arith.constant 0 : i32
    %sign3A_44 = arith.cmpi slt, %jit3A_31, %sign3A_43 : i32
    %sign3A_45 = arith.extui %sign3A_44 : i1 to i32
    %sign3A_46 = arith.subi %sign3A_42, %sign3A_45 : i32
    %ne3A_47 = arith.cmpi ne, %sign3A_39, %sign3A_46 : i32
    %rem3A_48 = arith.remsi %add3A_4, %jit3A_31 : i32
    %ne3A_49 = arith.constant 0 : i32
    %ne3A_50 = arith.cmpi ne, %rem3A_48, %ne3A_49 : i32
    %and3A_51 = arith.andi %ne3A_47, %ne3A_50 : i1
    %sub3A_52 = arith.constant 1 : i32
    %sub3A_53 = arith.subi %div3A_32, %sub3A_52 : i32
    %select_n3A_54 = arith.select %and3A_51, %sub3A_53, %div3A_32 : i32
    %mul3A_55 = arith.constant 16 : i32
    %mul3A_56 = arith.muli %select_n3A_54, %mul3A_55 : i32
    %multiple_of3A_57 = tpu.assume_multiple %mul3A_56, 16 : i32
    %get3A_58 = arith.index_cast %multiple_of3A_57 : i32 to index
    %get3A_59 = tpu.vector_load %arg12[%get3A_58] {strides = array<i32>} : memref<64xi32, #tpu.memory_space<vmem>>, vector<16xi32>,
    %sub3A_60 = arith.subi %add3A_4, %mul3A_56 : i32
    %eq3A_61 = vector.broadcast %sub3A_60 : i32 to vector<16xi32>
    %eq3A_62 = arith.cmpi eq, %iota3A, %eq3A_61 : vector<16xi32>
    %broadcast_in_dim3A_63 = arith.constant 0 : i32
    %broadcast_in_dim3A_64 = vector.broadcast %broadcast_in_dim3A_63 : i32 to vector<16xi32>
    %select_n3A_65 = arith.select %eq3A_62, %get3A_59, %broadcast_in_dim3A_64 : vector<16xi1>, vector<16xi32>
    %reduce_sum3A_66 = arith.constant true
    %reduce_sum3A_67 = vector.broadcast %reduce_sum3A_66 : i1 to vector<16xi1>
    %reduce_sum3A_68 = tpu.scan <sum>, %select_n3A_65 masked %reduce_sum3A_67 : vector<16xi32>, vector<16xi1> -> vector<16xi32>
    %reduce_sum3A_69 = vector.extract %reduce_sum3A_68[15] : i32 from vector<16xi32>
    %jit3A_70 = arith.constant 16 : i32
    %div3A_71 = arith.divsi %add3A_4, %jit3A_70 : i32
    %sign3A_72 = arith.constant 0 : i32
    %sign3A_73 = arith.cmpi sgt, %add3A_4, %sign3A_72 : i32
    %sign3A_74 = arith.extui %sign3A_73 : i1 to i32
    %sign3A_75 = arith.constant 0 : i32
    %sign3A_76 = arith.cmpi slt, %add3A_4, %sign3A_75 : i32
    %sign3A_77 = arith.extui %sign3A_76 : i1 to i32
    %sign3A_78 = arith.subi %sign3A_74, %sign3A_77 : i32
    %sign3A_79 = arith.constant 0 : i32
    %sign3A_80 = arith.cmpi sgt, %jit3A_70, %sign3A_79 : i32
    %sign3A_81 = arith.extui %sign3A_80 : i1 to i32
    %sign3A_82 = arith.constant 0 : i32
    %sign3A_83 = arith.cmpi slt, %jit3A_70, %sign3A_82 : i32
    %sign3A_84 = arith.extui %sign3A_83 : i1 to i32
    %sign3A_85 = arith.subi %sign3A_81, %sign3A_84 : i32
    %ne3A_86 = arith.cmpi ne, %sign3A_78, %sign3A_85 : i32
    %rem3A_87 = arith.remsi %add3A_4, %jit3A_70 : i32
    %ne3A_88 = arith.constant 0 : i32
    %ne3A_89 = arith.cmpi ne, %rem3A_87, %ne3A_88 : i32
    %and3A_90 = arith.andi %ne3A_86, %ne3A_89 : i1
    %sub3A_91 = arith.constant 1 : i32
    %sub3A_92 = arith.subi %div3A_71, %sub3A_91 : i32
    %select_n3A_93 = arith.select %and3A_90, %sub3A_92, %div3A_71 : i32
    %mul3A_94 = arith.constant 16 : i32
    %mul3A_95 = arith.muli %select_n3A_93, %mul3A_94 : i32
    %multiple_of3A_96 = tpu.assume_multiple %mul3A_95, 16 : i32
    %get3A_97 = arith.index_cast %multiple_of3A_96 : i32 to index
    %get3A_98 = tpu.vector_load %arg13[%get3A_97] {strides = array<i32>} : memref<64xi32, #tpu.memory_space<vmem>>, vector<16xi32>,
    %sub3A_99 = arith.subi %add3A_4, %mul3A_95 : i32
    %eq3A_100 = vector.broadcast %sub3A_99 : i32 to vector<16xi32>
    %eq3A_101 = arith.cmpi eq, %iota3A, %eq3A_100 : vector<16xi32>
    %broadcast_in_dim3A_102 = arith.constant 0 : i32
    %broadcast_in_dim3A_103 = vector.broadcast %broadcast_in_dim3A_102 : i32 to vector<16xi32>
    %select_n3A_104 = arith.select %eq3A_101, %get3A_98, %broadcast_in_dim3A_103 : vector<16xi1>, vector<16xi32>
    %reduce_sum3A_105 = arith.constant true
    %reduce_sum3A_106 = vector.broadcast %reduce_sum3A_105 : i1 to vector<16xi1>
    %reduce_sum3A_107 = tpu.scan <sum>, %select_n3A_104 masked %reduce_sum3A_106 : vector<16xi32>, vector<16xi1> -> vector<16xi32>
    %reduce_sum3A_108 = vector.extract %reduce_sum3A_107[15] : i32 from vector<16xi32>
    %jit3A_109 = arith.constant 16 : i32
    %div3A_110 = arith.divsi %add3A_4, %jit3A_109 : i32
    %sign3A_111 = arith.constant 0 : i32
    %sign3A_112 = arith.cmpi sgt, %add3A_4, %sign3A_111 : i32
    %sign3A_113 = arith.extui %sign3A_112 : i1 to i32
    %sign3A_114 = arith.constant 0 : i32
    %sign3A_115 = arith.cmpi slt, %add3A_4, %sign3A_114 : i32
    %sign3A_116 = arith.extui %sign3A_115 : i1 to i32
    %sign3A_117 = arith.subi %sign3A_113, %sign3A_116 : i32
    %sign3A_118 = arith.constant 0 : i32
    %sign3A_119 = arith.cmpi sgt, %jit3A_109, %sign3A_118 : i32
    %sign3A_120 = arith.extui %sign3A_119 : i1 to i32
    %sign3A_121 = arith.constant 0 : i32
    %sign3A_122 = arith.cmpi slt, %jit3A_109, %sign3A_121 : i32
    %sign3A_123 = arith.extui %sign3A_122 : i1 to i32
    %sign3A_124 = arith.subi %sign3A_120, %sign3A_123 : i32
    %ne3A_125 = arith.cmpi ne, %sign3A_117, %sign3A_124 : i32
    %rem3A_126 = arith.remsi %add3A_4, %jit3A_109 : i32
    %ne3A_127 = arith.constant 0 : i32
    %ne3A_128 = arith.cmpi ne, %rem3A_126, %ne3A_127 : i32
    %and3A_129 = arith.andi %ne3A_125, %ne3A_128 : i1
    %sub3A_130 = arith.constant 1 : i32
    %sub3A_131 = arith.subi %div3A_110, %sub3A_130 : i32
    %select_n3A_132 = arith.select %and3A_129, %sub3A_131, %div3A_110 : i32
    %mul3A_133 = arith.constant 16 : i32
    %mul3A_134 = arith.muli %select_n3A_132, %mul3A_133 : i32
    %multiple_of3A_135 = tpu.assume_multiple %mul3A_134, 16 : i32
    %get3A_136 = arith.index_cast %multiple_of3A_135 : i32 to index
    %get3A_137 = tpu.vector_load %arg14[%get3A_136] {strides = array<i32>} : memref<64xi32, #tpu.memory_space<vmem>>, vector<16xi32>,
    %sub3A_138 = arith.subi %add3A_4, %mul3A_134 : i32
    %eq3A_139 = vector.broadcast %sub3A_138 : i32 to vector<16xi32>
    %eq3A_140 = arith.cmpi eq, %iota3A, %eq3A_139 : vector<16xi32>
    %broadcast_in_dim3A_141 = arith.constant 0 : i32
    %broadcast_in_dim3A_142 = vector.broadcast %broadcast_in_dim3A_141 : i32 to vector<16xi32>
    %select_n3A_143 = arith.select %eq3A_140, %get3A_137, %broadcast_in_dim3A_142 : vector<16xi1>, vector<16xi32>
    %reduce_sum3A_144 = arith.constant true
    %reduce_sum3A_145 = vector.broadcast %reduce_sum3A_144 : i1 to vector<16xi1>
    %reduce_sum3A_146 = tpu.scan <sum>, %select_n3A_143 masked %reduce_sum3A_145 : vector<16xi32>, vector<16xi1> -> vector<16xi32>
    %reduce_sum3A_147 = vector.extract %reduce_sum3A_146[15] : i32 from vector<16xi32>
    %eq3A_148 = arith.constant 1 : i32
    %eq3A_149 = arith.cmpi eq, %reduce_sum3A_108, %eq3A_148 : i32
    %sub3A_150 = arith.subi %reduce_sum3A_69, %reduce_sum3A_30 : i32
    %jit3A_151 = arith.constant 0 : i32
    %select_n3A_152 = arith.select %eq3A_149, %sub3A_150, %jit3A_151 : i32
    %add3A_153 = arith.addi %reduce_sum3A_30, %select_n3A_152 : i32
    %le3A = arith.constant 0 : i32
    %le3A_154 = arith.cmpi sle, %reduce_sum3A_30, %le3A : i32
    %ge3A = arith.constant 32000 : i32
    %ge3A_155 = arith.cmpi sge, %add3A_153, %ge3A : i32
    %and3A_156 = arith.andi %le3A_154, %ge3A_155 : i1
    %select_n3A_157 = arith.select %and3A_156, %reduce_sum3A_147, %add3A_4 : i32
    %rem3A_158 = arith.constant 0 : i32
    %rem3A_159 = arith.constant 2 : i32
    %rem3A_160 = arith.remsi %rem3A_158, %rem3A_159 : i32
    %multiple_of3A_161 = arith.constant 0 : i32
    %multiple_of3A_162 = tpu.assume_multiple %multiple_of3A_161, 16 : i32
    %mul3A_163 = arith.constant 32000 : i32
    %mul3A_164 = arith.muli %rem3A_160, %mul3A_163 : i32
    %multiple_of3A_165 = tpu.assume_multiple %mul3A_164, 16 : i32
    %dma_start3A = tpu.memref_slice %arg16[%multiple_of3A_165] : memref<64000xf32, #tpu.memory_space<vmem>> -> memref<32000xf32, #tpu.memory_space<vmem>>
    %dma_start3A_166 = tpu.memref_slice %arg7[%select_n3A_157, %multiple_of3A_162] : memref<64x160000xf32, #tpu.memory_space<hbm>> -> memref<1x32000xf32, #tpu.memory_space<hbm>>
    %dma_start3A_167 = tpu.memref_squeeze %dma_start3A_166 : memref<1x32000xf32, #tpu.memory_space<hbm>> -> memref<32000xf32, #tpu.memory_space<hbm>>
    %dma_start3A_168 = tpu.memref_slice %arg20[%rem3A_160] : memref<2x!tpu.dma_semaphore, #tpu.memory_space<semaphore_mem>> -> memref<1x!tpu.dma_semaphore, #tpu.memory_space<semaphore_mem>>
    %dma_start3A_169 = tpu.memref_squeeze %dma_start3A_168 : memref<1x!tpu.dma_semaphore, #tpu.memory_space<semaphore_mem>> -> memref<!tpu.dma_semaphore, #tpu.memory_space<semaphore_mem>>
    %dma_start3A_170 = tpu.memref_slice %arg16[%multiple_of3A_165] : memref<64000xf32, #tpu.memory_space<vmem>> -> memref<32000xf32, #tpu.memory_space<vmem>>
    %dma_start3A_171 = tpu.memref_slice %arg7[%select_n3A_157, %multiple_of3A_162] : memref<64x160000xf32, #tpu.memory_space<hbm>> -> memref<1x32000xf32, #tpu.memory_space<hbm>>
    %dma_start3A_172 = tpu.memref_squeeze %dma_start3A_171 : memref<1x32000xf32, #tpu.memory_space<hbm>> -> memref<32000xf32, #tpu.memory_space<hbm>>
    tpu.enqueue_dma source(%dma_start3A_172 : memref<32000xf32, #tpu.memory_space<hbm>>) target(%dma_start3A_170 : memref<32000xf32, #tpu.memory_space<vmem>>) target_semaphore(%dma_start3A_169 : memref<!tpu.dma_semaphore, #tpu.memory_space<semaphore_mem>>)
    %jit3A_173 = arith.constant 16 : i32
    %div3A_174 = arith.divsi %add3A_4, %jit3A_173 : i32
    %sign3A_175 = arith.constant 0 : i32
    %sign3A_176 = arith.cmpi sgt, %add3A_4, %sign3A_175 : i32
    %sign3A_177 = arith.extui %sign3A_176 : i1 to i32
    %sign3A_178 = arith.constant 0 : i32
    %sign3A_179 = arith.cmpi slt, %add3A_4, %sign3A_178 : i32
    %sign3A_180 = arith.extui %sign3A_179 : i1 to i32
    %sign3A_181 = arith.subi %sign3A_177, %sign3A_180 : i32
    %sign3A_182 = arith.constant 0 : i32
    %sign3A_183 = arith.cmpi sgt, %jit3A_173, %sign3A_182 : i32
    %sign3A_184 = arith.extui %sign3A_183 : i1 to i32
    %sign3A_185 = arith.constant 0 : i32
    %sign3A_186 = arith.cmpi slt, %jit3A_173, %sign3A_185 : i32
    %sign3A_187 = arith.extui %sign3A_186 : i1 to i32
    %sign3A_188 = arith.subi %sign3A_184, %sign3A_187 : i32
    %ne3A_189 = arith.cmpi ne, %sign3A_181, %sign3A_188 : i32
    %rem3A_190 = arith.remsi %add3A_4, %jit3A_173 : i32
    %ne3A_191 = arith.constant 0 : i32
    %ne3A_192 = arith.cmpi ne, %rem3A_190, %ne3A_191 : i32
    %and3A_193 = arith.andi %ne3A_189, %ne3A_192 : i1
    %sub3A_194 = arith.constant 1 : i32
    %sub3A_195 = arith.subi %div3A_174, %sub3A_194 : i32
    %select_n3A_196 = arith.select %and3A_193, %sub3A_195, %div3A_174 : i32
    %mul3A_197 = arith.constant 16 : i32
    %mul3A_198 = arith.muli %select_n3A_196, %mul3A_197 : i32
    %multiple_of3A_199 = tpu.assume_multiple %mul3A_198, 16 : i32
    %get3A_200 = arith.index_cast %multiple_of3A_199 : i32 to index
    %get3A_201 = tpu.vector_load %arg14[%get3A_200] {strides = array<i32>} : memref<64xi32, #tpu.memory_space<vmem>>, vector<16xi32>,
    %sub3A_202 = arith.subi %add3A_4, %mul3A_198 : i32
    %eq3A_203 = vector.broadcast %sub3A_202 : i32 to vector<16xi32>
    %eq3A_204 = arith.cmpi eq, %iota3A, %eq3A_203 : vector<16xi32>
    %broadcast_in_dim3A_205 = arith.constant 0 : i32
    %broadcast_in_dim3A_206 = vector.broadcast %broadcast_in_dim3A_205 : i32 to vector<16xi32>
    %select_n3A_207 = arith.select %eq3A_204, %get3A_201, %broadcast_in_dim3A_206 : vector<16xi1>, vector<16xi32>
    %reduce_sum3A_208 = arith.constant true
    %reduce_sum3A_209 = vector.broadcast %reduce_sum3A_208 : i1 to vector<16xi1>
    %reduce_sum3A_210 = tpu.scan <sum>, %select_n3A_207 masked %reduce_sum3A_209 : vector<16xi32>, vector<16xi1> -> vector<16xi32>
    %reduce_sum3A_211 = vector.extract %reduce_sum3A_210[15] : i32 from vector<16xi32>
    %jit3A_212 = arith.constant 16 : i32
    %div3A_213 = arith.divsi %add3A_4, %jit3A_212 : i32
    %sign3A_214 = arith.constant 0 : i32
    %sign3A_215 = arith.cmpi sgt, %add3A_4, %sign3A_214 : i32
    %sign3A_216 = arith.extui %sign3A_215 : i1 to i32
    %sign3A_217 = arith.constant 0 : i32
    %sign3A_218 = arith.cmpi slt, %add3A_4, %sign3A_217 : i32
    %sign3A_219 = arith.extui %sign3A_218 : i1 to i32
    %sign3A_220 = arith.subi %sign3A_216, %sign3A_219 : i32
    %sign3A_221 = arith.constant 0 : i32
    %sign3A_222 = arith.cmpi sgt, %jit3A_212, %sign3A_221 : i32
    %sign3A_223 = arith.extui %sign3A_222 : i1 to i32
    %sign3A_224 = arith.constant 0 : i32
    %sign3A_225 = arith.cmpi slt, %jit3A_212, %sign3A_224 : i32
    %sign3A_226 = arith.extui %sign3A_225 : i1 to i32
    %sign3A_227 = arith.subi %sign3A_223, %sign3A_226 : i32
    %ne3A_228 = arith.cmpi ne, %sign3A_220, %sign3A_227 : i32
    %rem3A_229 = arith.remsi %add3A_4, %jit3A_212 : i32
    %ne3A_230 = arith.constant 0 : i32
    %ne3A_231 = arith.cmpi ne, %rem3A_229, %ne3A_230 : i32
    %and3A_232 = arith.andi %ne3A_228, %ne3A_231 : i1
    %sub3A_233 = arith.constant 1 : i32
    %sub3A_234 = arith.subi %div3A_213, %sub3A_233 : i32
    %select_n3A_235 = arith.select %and3A_232, %sub3A_234, %div3A_213 : i32
    %mul3A_236 = arith.constant 16 : i32
    %mul3A_237 = arith.muli %select_n3A_235, %mul3A_236 : i32
    %multiple_of3A_238 = tpu.assume_multiple %mul3A_237, 16 : i32
    %get3A_239 = arith.index_cast %multiple_of3A_238 : i32 to index
    %get3A_240 = tpu.vector_load %arg13[%get3A_239] {strides = array<i32>} : memref<64xi32, #tpu.memory_space<vmem>>, vector<16xi32>,
    %sub3A_241 = arith.subi %add3A_4, %mul3A_237 : i32
    %eq3A_242 = vector.broadcast %sub3A_241 : i32 to vector<16xi32>
    %eq3A_243 = arith.cmpi eq, %iota3A, %eq3A_242 : vector<16xi32>
    %broadcast_in_dim3A_244 = arith.constant 0 : i32
    %broadcast_in_dim3A_245 = vector.broadcast %broadcast_in_dim3A_244 : i32 to vector<16xi32>
    %select_n3A_246 = arith.select %eq3A_243, %get3A_240, %broadcast_in_dim3A_245 : vector<16xi1>, vector<16xi32>
    %reduce_sum3A_247 = arith.constant true
    %reduce_sum3A_248 = vector.broadcast %reduce_sum3A_247 : i1 to vector<16xi1>
    %reduce_sum3A_249 = tpu.scan <sum>, %select_n3A_246 masked %reduce_sum3A_248 : vector<16xi32>, vector<16xi1> -> vector<16xi32>
    %reduce_sum3A_250 = vector.extract %reduce_sum3A_249[15] : i32 from vector<16xi32>
    %jit3A_251 = arith.constant 16 : i32
    %div3A_252 = arith.divsi %add3A_4, %jit3A_251 : i32
    %sign3A_253 = arith.constant 0 : i32
    %sign3A_254 = arith.cmpi sgt, %add3A_4, %sign3A_253 : i32
    %sign3A_255 = arith.extui %sign3A_254 : i1 to i32
    %sign3A_256 = arith.constant 0 : i32
    %sign3A_257 = arith.cmpi slt, %add3A_4, %sign3A_256 : i32
    %sign3A_258 = arith.extui %sign3A_257 : i1 to i32
    %sign3A_259 = arith.subi %sign3A_255, %sign3A_258 : i32
    %sign3A_260 = arith.constant 0 : i32
    %sign3A_261 = arith.cmpi sgt, %jit3A_251, %sign3A_260 : i32
    %sign3A_262 = arith.extui %sign3A_261 : i1 to i32
    %sign3A_263 = arith.constant 0 : i32
    %sign3A_264 = arith.cmpi slt, %jit3A_251, %sign3A_263 : i32
    %sign3A_265 = arith.extui %sign3A_264 : i1 to i32
    %sign3A_266 = arith.subi %sign3A_262, %sign3A_265 : i32
    %ne3A_267 = arith.cmpi ne, %sign3A_259, %sign3A_266 : i32
    %rem3A_268 = arith.remsi %add3A_4, %jit3A_251 : i32
    %ne3A_269 = arith.constant 0 : i32
    %ne3A_270 = arith.cmpi ne, %rem3A_268, %ne3A_269 : i32
    %and3A_271 = arith.andi %ne3A_267, %ne3A_270 : i1
    %sub3A_272 = arith.constant 1 : i32
    %sub3A_273 = arith.subi %div3A_252, %sub3A_272 : i32
    %select_n3A_274 = arith.select %and3A_271, %sub3A_273, %div3A_252 : i32
    %mul3A_275 = arith.constant 16 : i32
    %mul3A_276 = arith.muli %select_n3A_274, %mul3A_275 : i32
    %multiple_of3A_277 = tpu.assume_multiple %mul3A_276, 16 : i32
    %get3A_278 = arith.index_cast %multiple_of3A_277 : i32 to index
    %get3A_279 = tpu.vector_load %arg15[%get3A_278] {strides = array<i32>} : memref<64xf32, #tpu.memory_space<vmem>>, vector<16xf32>,
    %sub3A_280 = arith.subi %add3A_4, %mul3A_276 : i32
    %eq3A_281 = vector.broadcast %sub3A_280 : i32 to vector<16xi32>
    %eq3A_282 = arith.cmpi eq, %iota3A, %eq3A_281 : vector<16xi32>
    %broadcast_in_dim3A_283 = arith.constant 0.000000e+00 : f32
    %broadcast_in_dim3A_284 = vector.broadcast %broadcast_in_dim3A_283 : f32 to vector<16xf32>
    %select_n3A_285 = arith.select %eq3A_282, %get3A_279, %broadcast_in_dim3A_284 : vector<16xi1>, vector<16xf32>
    %reduce_sum3A_286 = arith.constant true
    %reduce_sum3A_287 = vector.broadcast %reduce_sum3A_286 : i1 to vector<16xi1>
    %reduce_sum3A_288 = tpu.scan <sum>, %select_n3A_285 masked %reduce_sum3A_287 : vector<16xf32>, vector<16xi1> -> vector<16xf32>
    %reduce_sum3A_289 = vector.extract %reduce_sum3A_288[15] : f32 from vector<16xf32>
    %eq3A_290 = arith.constant 1 : i32
    %eq3A_291 = arith.cmpi eq, %reduce_sum3A_250, %eq3A_290 : i32
    %jit3A_292 = arith.constant 1.000000e+00 : f32
    %select_n3A_293 = arith.select %eq3A_291, %reduce_sum3A_289, %jit3A_292 : f32
    "tpu.region"() ({
      %run_scoped3A = tpu.sem_alloc : memref<!tpu.dma_semaphore, #tpu.memory_space<semaphore_mem>>
      %dma_start3A_661 = arith.constant 0 : i32
      %dma_start3A_662 = tpu.memref_slice %arg8[%add3A_4, %dma_start3A_661] : memref<64x1024xf32, #tpu.memory_space<hbm>> -> memref<1x1024xf32, #tpu.memory_space<hbm>>
      %dma_start3A_663 = tpu.memref_squeeze %dma_start3A_662 : memref<1x1024xf32, #tpu.memory_space<hbm>> -> memref<1024xf32, #tpu.memory_space<hbm>>
      %dma_start3A_664 = arith.constant 0 : i32
      %dma_start3A_665 = tpu.memref_slice %arg8[%add3A_4, %dma_start3A_664] : memref<64x1024xf32, #tpu.memory_space<hbm>> -> memref<1x1024xf32, #tpu.memory_space<hbm>>
      %dma_start3A_666 = tpu.memref_squeeze %dma_start3A_665 : memref<1x1024xf32, #tpu.memory_space<hbm>> -> memref<1024xf32, #tpu.memory_space<hbm>>
      tpu.enqueue_dma source(%dma_start3A_666 : memref<1024xf32, #tpu.memory_space<hbm>>) target(%arg18 : memref<1024xf32, #tpu.memory_space<vmem>>) target_semaphore(%run_scoped3A : memref<!tpu.dma_semaphore, #tpu.memory_space<semaphore_mem>>)
      %dma_wait3A_667 = arith.constant 0 : i32
      %dma_wait3A_668 = tpu.memref_slice %arg8[%add3A_4, %dma_wait3A_667] : memref<64x1024xf32, #tpu.memory_space<hbm>> -> memref<1x1024xf32, #tpu.memory_space<hbm>>
      %dma_wait3A_669 = tpu.memref_squeeze %dma_wait3A_668 : memref<1x1024xf32, #tpu.memory_space<hbm>> -> memref<1024xf32, #tpu.memory_space<hbm>>
      %dma_wait3A_670 = arith.constant 0 : i32
      %dma_wait3A_671 = tpu.memref_slice %arg8[%add3A_4, %dma_wait3A_670] : memref<64x1024xf32, #tpu.memory_space<hbm>> -> memref<1x1024xf32, #tpu.memory_space<hbm>>
      %dma_wait3A_672 = tpu.memref_squeeze %dma_wait3A_671 : memref<1x1024xf32, #tpu.memory_space<hbm>> -> memref<1024xf32, #tpu.memory_space<hbm>>
      tpu.wait_dma2 semaphore(%run_scoped3A : memref<!tpu.dma_semaphore, #tpu.memory_space<semaphore_mem>>) src(%dma_wait3A_672 : memref<1024xf32, #tpu.memory_space<hbm>>) dst(%arg18 : memref<1024xf32, #tpu.memory_space<vmem>>)
      tpu.yield
    }) : () -> ()
    "tpu.region"() ({
      %run_scoped3A = tpu.sem_alloc : memref<!tpu.dma_semaphore, #tpu.memory_space<semaphore_mem>>
      %dma_start3A_661 = arith.constant 0 : i32
      %dma_start3A_662 = tpu.memref_slice %arg8[%reduce_sum3A_211, %dma_start3A_661] : memref<64x1024xf32, #tpu.memory_space<hbm>> -> memref<1x1024xf32, #tpu.memory_space<hbm>>
      %dma_start3A_663 = tpu.memref_squeeze %dma_start3A_662 : memref<1x1024xf32, #tpu.memory_space<hbm>> -> memref<1024xf32, #tpu.memory_space<hbm>>
      %dma_start3A_664 = arith.constant 0 : i32
      %dma_start3A_665 = tpu.memref_slice %arg8[%reduce_sum3A_211, %dma_start3A_664] : memref<64x1024xf32, #tpu.memory_space<hbm>> -> memref<1x1024xf32, #tpu.memory_space<hbm>>
      %dma_start3A_666 = tpu.memref_squeeze %dma_start3A_665 : memref<1x1024xf32, #tpu.memory_space<hbm>> -> memref<1024xf32, #tpu.memory_space<hbm>>
      tpu.enqueue_dma source(%dma_start3A_666 : memref<1024xf32, #tpu.memory_space<hbm>>) target(%arg19 : memref<1024xf32, #tpu.memory_space<vmem>>) target_semaphore(%run_scoped3A : memref<!tpu.dma_semaphore, #tpu.memory_space<semaphore_mem>>)
      %dma_wait3A_667 = arith.constant 0 : i32
      %dma_wait3A_668 = tpu.memref_slice %arg8[%reduce_sum3A_211, %dma_wait3A_667] : memref<64x1024xf32, #tpu.memory_space<hbm>> -> memref<1x1024xf32, #tpu.memory_space<hbm>>
      %dma_wait3A_669 = tpu.memref_squeeze %dma_wait3A_668 : memref<1x1024xf32, #tpu.memory_space<hbm>> -> memref<1024xf32, #tpu.memory_space<hbm>>
      %dma_wait3A_670 = arith.constant 0 : i32
      %dma_wait3A_671 = tpu.memref_slice %arg8[%reduce_sum3A_211, %dma_wait3A_670] : memref<64x1024xf32, #tpu.memory_space<hbm>> -> memref<1x1024xf32, #tpu.memory_space<hbm>>
      %dma_wait3A_672 = tpu.memref_squeeze %dma_wait3A_671 : memref<1x1024xf32, #tpu.memory_space<hbm>> -> memref<1024xf32, #tpu.memory_space<hbm>>
      tpu.wait_dma2 semaphore(%run_scoped3A : memref<!tpu.dma_semaphore, #tpu.memory_space<semaphore_mem>>) src(%dma_wait3A_672 : memref<1024xf32, #tpu.memory_space<hbm>>) dst(%arg19 : memref<1024xf32, #tpu.memory_space<vmem>>)
      tpu.yield
    }) : () -> ()
    %scan3A = arith.constant 0 : i32
    %scan3A_294 = arith.constant 0 : i32
    %scan3A_295 = arith.constant 64 : i32
    %scan3A_296 = arith.addi %scan3A_294, %scan3A_295 : i32
    %scan3A_297 = arith.constant 1 : i32
    %scan3A_298 = scf.for %scan3A_661 = %scan3A_294 to %scan3A_296 step %scan3A_297 iter_args(%scan3A_662 = %scan3A) -> (i32)  : i32 {
      %mul3A_663 = arith.constant 16 : i32
      %mul3A_664 = arith.muli %scan3A_661, %mul3A_663 : i32
      %multiple_of3A_665 = tpu.assume_multiple %mul3A_664, 16 : i32
      %get3A_666 = arith.index_cast %multiple_of3A_665 : i32 to index
      %get3A_667 = tpu.vector_load %arg18[%get3A_666] {strides = array<i32>} : memref<1024xf32, #tpu.memory_space<vmem>>, vector<16xf32>,
      %mul3A_668 = arith.constant 16 : i32
      %mul3A_669 = arith.muli %scan3A_661, %mul3A_668 : i32
      %multiple_of3A_670 = tpu.assume_multiple %mul3A_669, 16 : i32
      %get3A_671 = arith.index_cast %multiple_of3A_670 : i32 to index
      %get3A_672 = tpu.vector_load %arg19[%get3A_671] {strides = array<i32>} : memref<1024xf32, #tpu.memory_space<vmem>>, vector<16xf32>,
      %mul3A_673 = vector.broadcast %select_n3A_293 : f32 to vector<16xf32>
      %mul3A_674 = arith.mulf %mul3A_673, %get3A_667 : vector<16xf32>
      %sub3A_675 = arith.constant 1.000000e+00 : f32
      %sub3A_676 = arith.subf %sub3A_675, %select_n3A_293 : f32
      %mul3A_677 = vector.broadcast %sub3A_676 : f32 to vector<16xf32>
      %mul3A_678 = arith.mulf %mul3A_677, %get3A_672 : vector<16xf32>
      %add3A_679 = arith.addf %mul3A_674, %mul3A_678 : vector<16xf32>
      %mul3A_680 = arith.constant 16 : i32
      %mul3A_681 = arith.muli %scan3A_661, %mul3A_680 : i32
      %multiple_of3A_682 = tpu.assume_multiple %mul3A_681, 16 : i32
      %swap3A = arith.index_cast %multiple_of3A_682 : i32 to index
      %swap3A_683 = tpu.vector_load %arg18[%swap3A] {strides = array<i32>} : memref<1024xf32, #tpu.memory_space<vmem>>, vector<16xf32>,
      tpu.vector_store %arg18[%swap3A], %add3A_679 {strides = array<i32>} : memref<1024xf32, #tpu.memory_space<vmem>>, vector<16xf32>,
      %scan3A_684 = arith.constant 0 : i32
      scf.yield %scan3A_684 : i32
    }
    %scan3A_299 = arith.constant 64 : i32
    "tpu.region"() ({
      %run_scoped3A = tpu.sem_alloc : memref<!tpu.dma_semaphore, #tpu.memory_space<semaphore_mem>>
      %dma_start3A_661 = arith.constant 0 : i32
      %dma_start3A_662 = tpu.memref_slice %arg10[%add3A_4, %dma_start3A_661] : memref<64x1024xf32, #tpu.memory_space<hbm>> -> memref<1x1024xf32, #tpu.memory_space<hbm>>
      %dma_start3A_663 = tpu.memref_squeeze %dma_start3A_662 : memref<1x1024xf32, #tpu.memory_space<hbm>> -> memref<1024xf32, #tpu.memory_space<hbm>>
      %dma_start3A_664 = arith.constant 0 : i32
      %dma_start3A_665 = tpu.memref_slice %arg10[%add3A_4, %dma_start3A_664] : memref<64x1024xf32, #tpu.memory_space<hbm>> -> memref<1x1024xf32, #tpu.memory_space<hbm>>
      %dma_start3A_666 = tpu.memref_squeeze %dma_start3A_665 : memref<1x1024xf32, #tpu.memory_space<hbm>> -> memref<1024xf32, #tpu.memory_space<hbm>>
      tpu.enqueue_dma source(%arg18 : memref<1024xf32, #tpu.memory_space<vmem>>) target(%dma_start3A_666 : memref<1024xf32, #tpu.memory_space<hbm>>) target_semaphore(%run_scoped3A : memref<!tpu.dma_semaphore, #tpu.memory_space<semaphore_mem>>)
      %dma_wait3A_667 = arith.constant 0 : i32
      %dma_wait3A_668 = tpu.memref_slice %arg10[%add3A_4, %dma_wait3A_667] : memref<64x1024xf32, #tpu.memory_space<hbm>> -> memref<1x1024xf32, #tpu.memory_space<hbm>>
      %dma_wait3A_669 = tpu.memref_squeeze %dma_wait3A_668 : memref<1x1024xf32, #tpu.memory_space<hbm>> -> memref<1024xf32, #tpu.memory_space<hbm>>
      %dma_wait3A_670 = arith.constant 0 : i32
      %dma_wait3A_671 = tpu.memref_slice %arg10[%add3A_4, %dma_wait3A_670] : memref<64x1024xf32, #tpu.memory_space<hbm>> -> memref<1x1024xf32, #tpu.memory_space<hbm>>
      %dma_wait3A_672 = tpu.memref_squeeze %dma_wait3A_671 : memref<1x1024xf32, #tpu.memory_space<hbm>> -> memref<1024xf32, #tpu.memory_space<hbm>>
      tpu.wait_dma2 semaphore(%run_scoped3A : memref<!tpu.dma_semaphore, #tpu.memory_space<semaphore_mem>>) src(%arg18 : memref<1024xf32, #tpu.memory_space<vmem>>) dst(%dma_wait3A_672 : memref<1024xf32, #tpu.memory_space<hbm>>)
      tpu.yield
    }) : () -> ()
    %scan3A_300 = arith.constant 0 : i32
    %scan3A_301 = arith.constant 0 : i32
    %scan3A_302 = arith.constant 5 : i32
    %scan3A_303 = arith.addi %scan3A_301, %scan3A_302 : i32
    %scan3A_304 = arith.constant 1 : i32
    %scan3A_305 = scf.for %scan3A_661 = %scan3A_301 to %scan3A_303 step %scan3A_304 iter_args(%scan3A_662 = %scan3A_300) -> (i32)  : i32 {
      %mul3A_663 = arith.constant 32000 : i32
      %mul3A_664 = arith.muli %scan3A_661, %mul3A_663 : i32
      %le3A_665 = arith.cmpi sle, %reduce_sum3A_30, %mul3A_664 : i32
      %add3A_666 = arith.constant 32000 : i32
      %add3A_667 = arith.addi %mul3A_664, %add3A_666 : i32
      %ge3A_668 = arith.cmpi sge, %add3A_153, %add3A_667 : i32
      %and3A_669 = arith.andi %le3A_665, %ge3A_668 : i1
      %select_n3A_670 = arith.select %and3A_669, %reduce_sum3A_147, %add3A_4 : i32
      %rem3A_671 = arith.constant 2 : i32
      %rem3A_672 = arith.remsi %scan3A_661, %rem3A_671 : i32
      %multiple_of3A_673 = tpu.assume_multiple %mul3A_664, 16 : i32
      %mul3A_674 = arith.constant 32000 : i32
      %mul3A_675 = arith.muli %rem3A_672, %mul3A_674 : i32
      %multiple_of3A_676 = tpu.assume_multiple %mul3A_675, 16 : i32
      %dma_wait3A_677 = tpu.memref_slice %arg16[%multiple_of3A_676] : memref<64000xf32, #tpu.memory_space<vmem>> -> memref<32000xf32, #tpu.memory_space<vmem>>
      %dma_wait3A_678 = tpu.memref_slice %arg7[%select_n3A_670, %multiple_of3A_673] : memref<64x160000xf32, #tpu.memory_space<hbm>> -> memref<1x32000xf32, #tpu.memory_space<hbm>>
      %dma_wait3A_679 = tpu.memref_squeeze %dma_wait3A_678 : memref<1x32000xf32, #tpu.memory_space<hbm>> -> memref<32000xf32, #tpu.memory_space<hbm>>
      %dma_wait3A_680 = tpu.memref_slice %arg20[%rem3A_672] : memref<2x!tpu.dma_semaphore, #tpu.memory_space<semaphore_mem>> -> memref<1x!tpu.dma_semaphore, #tpu.memory_space<semaphore_mem>>
      %dma_wait3A_681 = tpu.memref_squeeze %dma_wait3A_680 : memref<1x!tpu.dma_semaphore, #tpu.memory_space<semaphore_mem>> -> memref<!tpu.dma_semaphore, #tpu.memory_space<semaphore_mem>>
      %dma_wait3A_682 = tpu.memref_slice %arg16[%multiple_of3A_676] : memref<64000xf32, #tpu.memory_space<vmem>> -> memref<32000xf32, #tpu.memory_space<vmem>>
      %dma_wait3A_683 = tpu.memref_slice %arg7[%select_n3A_670, %multiple_of3A_673] : memref<64x160000xf32, #tpu.memory_space<hbm>> -> memref<1x32000xf32, #tpu.memory_space<hbm>>
      %dma_wait3A_684 = tpu.memref_squeeze %dma_wait3A_683 : memref<1x32000xf32, #tpu.memory_space<hbm>> -> memref<32000xf32, #tpu.memory_space<hbm>>
      tpu.wait_dma2 semaphore(%dma_wait3A_681 : memref<!tpu.dma_semaphore, #tpu.memory_space<semaphore_mem>>) src(%dma_wait3A_684 : memref<32000xf32, #tpu.memory_space<hbm>>) dst(%dma_wait3A_682 : memref<32000xf32, #tpu.memory_space<vmem>>)
      %mul3A_685 = arith.constant 32000 : i32
      %mul3A_686 = arith.muli %scan3A_661, %mul3A_685 : i32
      %rem3A_687 = arith.constant 2 : i32
      %rem3A_688 = arith.remsi %scan3A_661, %rem3A_687 : i32
      %le3A_689 = arith.cmpi sle, %reduce_sum3A_30, %mul3A_686 : i32
      %add3A_690 = arith.constant 32000 : i32
      %add3A_691 = arith.addi %mul3A_686, %add3A_690 : i32
      %ge3A_692 = arith.cmpi sge, %add3A_153, %add3A_691 : i32
      %and3A_693 = arith.andi %le3A_689, %ge3A_692 : i1
      %add3A_694 = arith.constant 32000 : i32
      %add3A_695 = arith.addi %mul3A_686, %add3A_694 : i32
      %lt3A = arith.cmpi slt, %reduce_sum3A_30, %add3A_695 : i32
      %gt3A = arith.cmpi sgt, %add3A_153, %mul3A_686 : i32
      %and3A_696 = arith.andi %lt3A, %gt3A : i1
      %not3A = arith.constant true
      %not3A_697 = arith.xori %and3A_693, %not3A : i1
      %and3A_698 = arith.andi %and3A_696, %not3A_697 : i1
      %gt3A_699 = arith.constant 0 : i32
      %gt3A_700 = arith.cmpi sgt, %select_n3A_152, %gt3A_699 : i32
      %and3A_701 = arith.andi %and3A_698, %gt3A_700 : i1
      %convert_element_type3A = arith.extui %and3A_701 : i1 to i32
      %cond3A = arith.constant 0 : i32
      %cond3A_702 = arith.cmpi ne, %convert_element_type3A, %cond3A : i32
      scf.if %cond3A_702 {
        %max3A = arith.maxsi %reduce_sum3A_30, %mul3A_686 : i32
        %add3A_732 = arith.constant 32000 : i32
        %add3A_733 = arith.addi %mul3A_686, %add3A_732 : i32
        %min3A = arith.minsi %add3A_153, %add3A_733 : i32
        %add3A_734 = arith.constant 15 : i32
        %add3A_735 = arith.addi %max3A, %add3A_734 : i32
        %jit3A_736 = arith.constant 16 : i32
        %div3A_737 = arith.divsi %add3A_735, %jit3A_736 : i32
        %sign3A_738 = arith.constant 0 : i32
        %sign3A_739 = arith.cmpi sgt, %add3A_735, %sign3A_738 : i32
        %sign3A_740 = arith.extui %sign3A_739 : i1 to i32
        %sign3A_741 = arith.constant 0 : i32
        %sign3A_742 = arith.cmpi slt, %add3A_735, %sign3A_741 : i32
        %sign3A_743 = arith.extui %sign3A_742 : i1 to i32
        %sign3A_744 = arith.subi %sign3A_740, %sign3A_743 : i32
        %sign3A_745 = arith.constant 0 : i32
        %sign3A_746 = arith.cmpi sgt, %jit3A_736, %sign3A_745 : i32
        %sign3A_747 = arith.extui %sign3A_746 : i1 to i32
        %sign3A_748 = arith.constant 0 : i32
        %sign3A_749 = arith.cmpi slt, %jit3A_736, %sign3A_748 : i32
        %sign3A_750 = arith.extui %sign3A_749 : i1 to i32
        %sign3A_751 = arith.subi %sign3A_747, %sign3A_750 : i32
        %ne3A_752 = arith.cmpi ne, %sign3A_744, %sign3A_751 : i32
        %rem3A_753 = arith.remsi %add3A_735, %jit3A_736 : i32
        %ne3A_754 = arith.constant 0 : i32
        %ne3A_755 = arith.cmpi ne, %rem3A_753, %ne3A_754 : i32
        %and3A_756 = arith.andi %ne3A_752, %ne3A_755 : i1
        %sub3A_757 = arith.constant 1 : i32
        %sub3A_758 = arith.subi %div3A_737, %sub3A_757 : i32
        %select_n3A_759 = arith.select %and3A_756, %sub3A_758, %div3A_737 : i32
        %mul3A_760 = arith.constant 16 : i32
        %mul3A_761 = arith.muli %select_n3A_759, %mul3A_760 : i32
        %jit3A_762 = arith.constant 16 : i32
        %div3A_763 = arith.divsi %min3A, %jit3A_762 : i32
        %sign3A_764 = arith.constant 0 : i32
        %sign3A_765 = arith.cmpi sgt, %min3A, %sign3A_764 : i32
        %sign3A_766 = arith.extui %sign3A_765 : i1 to i32
        %sign3A_767 = arith.constant 0 : i32
        %sign3A_768 = arith.cmpi slt, %min3A, %sign3A_767 : i32
        %sign3A_769 = arith.extui %sign3A_768 : i1 to i32
        %sign3A_770 = arith.subi %sign3A_766, %sign3A_769 : i32
        %sign3A_771 = arith.constant 0 : i32
        %sign3A_772 = arith.cmpi sgt, %jit3A_762, %sign3A_771 : i32
        %sign3A_773 = arith.extui %sign3A_772 : i1 to i32
        %sign3A_774 = arith.constant 0 : i32
        %sign3A_775 = arith.cmpi slt, %jit3A_762, %sign3A_774 : i32
        %sign3A_776 = arith.extui %sign3A_775 : i1 to i32
        %sign3A_777 = arith.subi %sign3A_773, %sign3A_776 : i32
        %ne3A_778 = arith.cmpi ne, %sign3A_770, %sign3A_777 : i32
        %rem3A_779 = arith.remsi %min3A, %jit3A_762 : i32
        %ne3A_780 = arith.constant 0 : i32
        %ne3A_781 = arith.cmpi ne, %rem3A_779, %ne3A_780 : i32
        %and3A_782 = arith.andi %ne3A_778, %ne3A_781 : i1
        %sub3A_783 = arith.constant 1 : i32
        %sub3A_784 = arith.subi %div3A_763, %sub3A_783 : i32
        %select_n3A_785 = arith.select %and3A_782, %sub3A_784, %div3A_763 : i32
        %mul3A_786 = arith.constant 16 : i32
        %mul3A_787 = arith.muli %select_n3A_785, %mul3A_786 : i32
        %sub3A_788 = arith.subi %mul3A_787, %mul3A_761 : i32
        %max3A_789 = arith.constant 0 : i32
        %max3A_790 = arith.maxsi %sub3A_788, %max3A_789 : i32
        %shift_right_arithmetic3A = arith.constant 14 : i32
        %shift_right_arithmetic3A_791 = arith.shrsi %max3A_790, %shift_right_arithmetic3A : i32
        %and3A_792 = arith.constant 1 : i32
        %and3A_793 = arith.andi %shift_right_arithmetic3A_791, %and3A_792 : i32
        %eq3A_794 = arith.constant 1 : i32
        %eq3A_795 = arith.cmpi eq, %and3A_793, %eq3A_794 : i32
        %convert_element_type3A_796 = arith.extui %eq3A_795 : i1 to i32
        %cond3A_797 = arith.constant 0 : i32
        %cond3A_798 = arith.cmpi ne, %convert_element_type3A_796, %cond3A_797 : i32
        scf.if %cond3A_798 {
          %multiple_of3A_1133 = tpu.assume_multiple %mul3A_761, 16 : i32
          %mul3A_1134 = arith.constant 32000 : i32
          %mul3A_1135 = arith.muli %rem3A_688, %mul3A_1134 : i32
          %add3A_1136 = arith.addi %mul3A_1135, %mul3A_761 : i32
          %sub3A_1137 = arith.subi %add3A_1136, %mul3A_686 : i32
          %multiple_of3A_1138 = tpu.assume_multiple %sub3A_1137, 16 : i32
          %dma_start3A_1139 = tpu.memref_slice %arg16[%multiple_of3A_1138] : memref<64000xf32, #tpu.memory_space<vmem>> -> memref<16384xf32, #tpu.memory_space<vmem>>
          %dma_start3A_1140 = tpu.memref_slice %arg7[%reduce_sum3A_147, %multiple_of3A_1133] : memref<64x160000xf32, #tpu.memory_space<hbm>> -> memref<1x16384xf32, #tpu.memory_space<hbm>>
          %dma_start3A_1141 = tpu.memref_squeeze %dma_start3A_1140 : memref<1x16384xf32, #tpu.memory_space<hbm>> -> memref<16384xf32, #tpu.memory_space<hbm>>
          %dma_start3A_1142 = tpu.memref_slice %arg16[%multiple_of3A_1138] : memref<64000xf32, #tpu.memory_space<vmem>> -> memref<16384xf32, #tpu.memory_space<vmem>>
          %dma_start3A_1143 = tpu.memref_slice %arg7[%reduce_sum3A_147, %multiple_of3A_1133] : memref<64x160000xf32, #tpu.memory_space<hbm>> -> memref<1x16384xf32, #tpu.memory_space<hbm>>
          %dma_start3A_1144 = tpu.memref_squeeze %dma_start3A_1143 : memref<1x16384xf32, #tpu.memory_space<hbm>> -> memref<16384xf32, #tpu.memory_space<hbm>>
          tpu.enqueue_dma source(%dma_start3A_1144 : memref<16384xf32, #tpu.memory_space<hbm>>) target(%dma_start3A_1142 : memref<16384xf32, #tpu.memory_space<vmem>>) target_semaphore(%arg22 : memref<!tpu.dma_semaphore, #tpu.memory_space<semaphore_mem>>)
        } else {
        }
        %jit3A_799 = arith.constant 16384 : i32
        %jit3A_800 = arith.constant 0 : i32
        %select_n3A_801 = arith.select %eq3A_795, %jit3A_799, %jit3A_800 : i32
        %add3A_802 = arith.addi %mul3A_761, %select_n3A_801 : i32
        %shift_right_arithmetic3A_803 = arith.constant 13 : i32
        %shift_right_arithmetic3A_804 = arith.shrsi %max3A_790, %shift_right_arithmetic3A_803 : i32
        %and3A_805 = arith.constant 1 : i32
        %and3A_806 = arith.andi %shift_right_arithmetic3A_804, %and3A_805 : i32
        %eq3A_807 = arith.constant 1 : i32
        %eq3A_808 = arith.cmpi eq, %and3A_806, %eq3A_807 : i32
        %convert_element_type3A_809 = arith.extui %eq3A_808 : i1 to i32
        %cond3A_810 = arith.constant 0 : i32
        %cond3A_811 = arith.cmpi ne, %convert_element_type3A_809, %cond3A_810 : i32
        scf.if %cond3A_811 {
          %multiple_of3A_1133 = tpu.assume_multiple %add3A_802, 16 : i32
          %mul3A_1134 = arith.constant 32000 : i32
          %mul3A_1135 = arith.muli %rem3A_688, %mul3A_1134 : i32
          %add3A_1136 = arith.addi %mul3A_1135, %add3A_802 : i32
          %sub3A_1137 = arith.subi %add3A_1136, %mul3A_686 : i32
          %multiple_of3A_1138 = tpu.assume_multiple %sub3A_1137, 16 : i32
          %dma_start3A_1139 = tpu.memref_slice %arg16[%multiple_of3A_1138] : memref<64000xf32, #tpu.memory_space<vmem>> -> memref<8192xf32, #tpu.memory_space<vmem>>
          %dma_start3A_1140 = tpu.memref_slice %arg7[%reduce_sum3A_147, %multiple_of3A_1133] : memref<64x160000xf32, #tpu.memory_space<hbm>> -> memref<1x8192xf32, #tpu.memory_space<hbm>>
          %dma_start3A_1141 = tpu.memref_squeeze %dma_start3A_1140 : memref<1x8192xf32, #tpu.memory_space<hbm>> -> memref<8192xf32, #tpu.memory_space<hbm>>
          %dma_start3A_1142 = tpu.memref_slice %arg16[%multiple_of3A_1138] : memref<64000xf32, #tpu.memory_space<vmem>> -> memref<8192xf32, #tpu.memory_space<vmem>>
          %dma_start3A_1143 = tpu.memref_slice %arg7[%reduce_sum3A_147, %multiple_of3A_1133] : memref<64x160000xf32, #tpu.memory_space<hbm>> -> memref<1x8192xf32, #tpu.memory_space<hbm>>
          %dma_start3A_1144 = tpu.memref_squeeze %dma_start3A_1143 : memref<1x8192xf32, #tpu.memory_space<hbm>> -> memref<8192xf32, #tpu.memory_space<hbm>>
          tpu.enqueue_dma source(%dma_start3A_1144 : memref<8192xf32, #tpu.memory_space<hbm>>) target(%dma_start3A_1142 : memref<8192xf32, #tpu.memory_space<vmem>>) target_semaphore(%arg22 : memref<!tpu.dma_semaphore, #tpu.memory_space<semaphore_mem>>)
        } else {
        }
        %jit3A_812 = arith.constant 8192 : i32
        %jit3A_813 = arith.constant 0 : i32
        %select_n3A_814 = arith.select %eq3A_808, %jit3A_812, %jit3A_813 : i32
        %add3A_815 = arith.addi %add3A_802, %select_n3A_814 : i32
        %shift_right_arithmetic3A_816 = arith.constant 12 : i32
        %shift_right_arithmetic3A_817 = arith.shrsi %max3A_790, %shift_right_arithmetic3A_816 : i32
        %and3A_818 = arith.constant 1 : i32
        %and3A_819 = arith.andi %shift_right_arithmetic3A_817, %and3A_818 : i32
        %eq3A_820 = arith.constant 1 : i32
        %eq3A_821 = arith.cmpi eq, %and3A_819, %eq3A_820 : i32
        %convert_element_type3A_822 = arith.extui %eq3A_821 : i1 to i32
        %cond3A_823 = arith.constant 0 : i32
        %cond3A_824 = arith.cmpi ne, %convert_element_type3A_822, %cond3A_823 : i32
        scf.if %cond3A_824 {
          %multiple_of3A_1133 = tpu.assume_multiple %add3A_815, 16 : i32
          %mul3A_1134 = arith.constant 32000 : i32
          %mul3A_1135 = arith.muli %rem3A_688, %mul3A_1134 : i32
          %add3A_1136 = arith.addi %mul3A_1135, %add3A_815 : i32
          %sub3A_1137 = arith.subi %add3A_1136, %mul3A_686 : i32
          %multiple_of3A_1138 = tpu.assume_multiple %sub3A_1137, 16 : i32
          %dma_start3A_1139 = tpu.memref_slice %arg16[%multiple_of3A_1138] : memref<64000xf32, #tpu.memory_space<vmem>> -> memref<4096xf32, #tpu.memory_space<vmem>>
          %dma_start3A_1140 = tpu.memref_slice %arg7[%reduce_sum3A_147, %multiple_of3A_1133] : memref<64x160000xf32, #tpu.memory_space<hbm>> -> memref<1x4096xf32, #tpu.memory_space<hbm>>
          %dma_start3A_1141 = tpu.memref_squeeze %dma_start3A_1140 : memref<1x4096xf32, #tpu.memory_space<hbm>> -> memref<4096xf32, #tpu.memory_space<hbm>>
          %dma_start3A_1142 = tpu.memref_slice %arg16[%multiple_of3A_1138] : memref<64000xf32, #tpu.memory_space<vmem>> -> memref<4096xf32, #tpu.memory_space<vmem>>
          %dma_start3A_1143 = tpu.memref_slice %arg7[%reduce_sum3A_147, %multiple_of3A_1133] : memref<64x160000xf32, #tpu.memory_space<hbm>> -> memref<1x4096xf32, #tpu.memory_space<hbm>>
          %dma_start3A_1144 = tpu.memref_squeeze %dma_start3A_1143 : memref<1x4096xf32, #tpu.memory_space<hbm>> -> memref<4096xf32, #tpu.memory_space<hbm>>
          tpu.enqueue_dma source(%dma_start3A_1144 : memref<4096xf32, #tpu.memory_space<hbm>>) target(%dma_start3A_1142 : memref<4096xf32, #tpu.memory_space<vmem>>) target_semaphore(%arg22 : memref<!tpu.dma_semaphore, #tpu.memory_space<semaphore_mem>>)
        } else {
        }
        %jit3A_825 = arith.constant 4096 : i32
        %jit3A_826 = arith.constant 0 : i32
        %select_n3A_827 = arith.select %eq3A_821, %jit3A_825, %jit3A_826 : i32
        %add3A_828 = arith.addi %add3A_815, %select_n3A_827 : i32
        %shift_right_arithmetic3A_829 = arith.constant 11 : i32
        %shift_right_arithmetic3A_830 = arith.shrsi %max3A_790, %shift_right_arithmetic3A_829 : i32
        %and3A_831 = arith.constant 1 : i32
        %and3A_832 = arith.andi %shift_right_arithmetic3A_830, %and3A_831 : i32
        %eq3A_833 = arith.constant 1 : i32
        %eq3A_834 = arith.cmpi eq, %and3A_832, %eq3A_833 : i32
        %convert_element_type3A_835 = arith.extui %eq3A_834 : i1 to i32
        %cond3A_836 = arith.constant 0 : i32
        %cond3A_837 = arith.cmpi ne, %convert_element_type3A_835, %cond3A_836 : i32
        scf.if %cond3A_837 {
          %multiple_of3A_1133 = tpu.assume_multiple %add3A_828, 16 : i32
          %mul3A_1134 = arith.constant 32000 : i32
          %mul3A_1135 = arith.muli %rem3A_688, %mul3A_1134 : i32
          %add3A_1136 = arith.addi %mul3A_1135, %add3A_828 : i32
          %sub3A_1137 = arith.subi %add3A_1136, %mul3A_686 : i32
          %multiple_of3A_1138 = tpu.assume_multiple %sub3A_1137, 16 : i32
          %dma_start3A_1139 = tpu.memref_slice %arg16[%multiple_of3A_1138] : memref<64000xf32, #tpu.memory_space<vmem>> -> memref<2048xf32, #tpu.memory_space<vmem>>
          %dma_start3A_1140 = tpu.memref_slice %arg7[%reduce_sum3A_147, %multiple_of3A_1133] : memref<64x160000xf32, #tpu.memory_space<hbm>> -> memref<1x2048xf32, #tpu.memory_space<hbm>>
          %dma_start3A_1141 = tpu.memref_squeeze %dma_start3A_1140 : memref<1x2048xf32, #tpu.memory_space<hbm>> -> memref<2048xf32, #tpu.memory_space<hbm>>
          %dma_start3A_1142 = tpu.memref_slice %arg16[%multiple_of3A_1138] : memref<64000xf32, #tpu.memory_space<vmem>> -> memref<2048xf32, #tpu.memory_space<vmem>>
          %dma_start3A_1143 = tpu.memref_slice %arg7[%reduce_sum3A_147, %multiple_of3A_1133] : memref<64x160000xf32, #tpu.memory_space<hbm>> -> memref<1x2048xf32, #tpu.memory_space<hbm>>
          %dma_start3A_1144 = tpu.memref_squeeze %dma_start3A_1143 : memref<1x2048xf32, #tpu.memory_space<hbm>> -> memref<2048xf32, #tpu.memory_space<hbm>>
          tpu.enqueue_dma source(%dma_start3A_1144 : memref<2048xf32, #tpu.memory_space<hbm>>) target(%dma_start3A_1142 : memref<2048xf32, #tpu.memory_space<vmem>>) target_semaphore(%arg22 : memref<!tpu.dma_semaphore, #tpu.memory_space<semaphore_mem>>)
        } else {
        }
        %jit3A_838 = arith.constant 2048 : i32
        %jit3A_839 = arith.constant 0 : i32
        %select_n3A_840 = arith.select %eq3A_834, %jit3A_838, %jit3A_839 : i32
        %add3A_841 = arith.addi %add3A_828, %select_n3A_840 : i32
        %shift_right_arithmetic3A_842 = arith.constant 10 : i32
        %shift_right_arithmetic3A_843 = arith.shrsi %max3A_790, %shift_right_arithmetic3A_842 : i32
        %and3A_844 = arith.constant 1 : i32
        %and3A_845 = arith.andi %shift_right_arithmetic3A_843, %and3A_844 : i32
        %eq3A_846 = arith.constant 1 : i32
        %eq3A_847 = arith.cmpi eq, %and3A_845, %eq3A_846 : i32
        %convert_element_type3A_848 = arith.extui %eq3A_847 : i1 to i32
        %cond3A_849 = arith.constant 0 : i32
        %cond3A_850 = arith.cmpi ne, %convert_element_type3A_848, %cond3A_849 : i32
        scf.if %cond3A_850 {
          %multiple_of3A_1133 = tpu.assume_multiple %add3A_841, 16 : i32
          %mul3A_1134 = arith.constant 32000 : i32
          %mul3A_1135 = arith.muli %rem3A_688, %mul3A_1134 : i32
          %add3A_1136 = arith.addi %mul3A_1135, %add3A_841 : i32
          %sub3A_1137 = arith.subi %add3A_1136, %mul3A_686 : i32
          %multiple_of3A_1138 = tpu.assume_multiple %sub3A_1137, 16 : i32
          %dma_start3A_1139 = tpu.memref_slice %arg16[%multiple_of3A_1138] : memref<64000xf32, #tpu.memory_space<vmem>> -> memref<1024xf32, #tpu.memory_space<vmem>>
          %dma_start3A_1140 = tpu.memref_slice %arg7[%reduce_sum3A_147, %multiple_of3A_1133] : memref<64x160000xf32, #tpu.memory_space<hbm>> -> memref<1x1024xf32, #tpu.memory_space<hbm>>
          %dma_start3A_1141 = tpu.memref_squeeze %dma_start3A_1140 : memref<1x1024xf32, #tpu.memory_space<hbm>> -> memref<1024xf32, #tpu.memory_space<hbm>>
          %dma_start3A_1142 = tpu.memref_slice %arg16[%multiple_of3A_1138] : memref<64000xf32, #tpu.memory_space<vmem>> -> memref<1024xf32, #tpu.memory_space<vmem>>
          %dma_start3A_1143 = tpu.memref_slice %arg7[%reduce_sum3A_147, %multiple_of3A_1133] : memref<64x160000xf32, #tpu.memory_space<hbm>> -> memref<1x1024xf32, #tpu.memory_space<hbm>>
          %dma_start3A_1144 = tpu.memref_squeeze %dma_start3A_1143 : memref<1x1024xf32, #tpu.memory_space<hbm>> -> memref<1024xf32, #tpu.memory_space<hbm>>
          tpu.enqueue_dma source(%dma_start3A_1144 : memref<1024xf32, #tpu.memory_space<hbm>>) target(%dma_start3A_1142 : memref<1024xf32, #tpu.memory_space<vmem>>) target_semaphore(%arg22 : memref<!tpu.dma_semaphore, #tpu.memory_space<semaphore_mem>>)
        } else {
        }
        %jit3A_851 = arith.constant 1024 : i32
        %jit3A_852 = arith.constant 0 : i32
        %select_n3A_853 = arith.select %eq3A_847, %jit3A_851, %jit3A_852 : i32
        %add3A_854 = arith.addi %add3A_841, %select_n3A_853 : i32
        %shift_right_arithmetic3A_855 = arith.constant 9 : i32
        %shift_right_arithmetic3A_856 = arith.shrsi %max3A_790, %shift_right_arithmetic3A_855 : i32
        %and3A_857 = arith.constant 1 : i32
        %and3A_858 = arith.andi %shift_right_arithmetic3A_856, %and3A_857 : i32
        %eq3A_859 = arith.constant 1 : i32
        %eq3A_860 = arith.cmpi eq, %and3A_858, %eq3A_859 : i32
        %convert_element_type3A_861 = arith.extui %eq3A_860 : i1 to i32
        %cond3A_862 = arith.constant 0 : i32
        %cond3A_863 = arith.cmpi ne, %convert_element_type3A_861, %cond3A_862 : i32
        scf.if %cond3A_863 {
          %multiple_of3A_1133 = tpu.assume_multiple %add3A_854, 16 : i32
          %mul3A_1134 = arith.constant 32000 : i32
          %mul3A_1135 = arith.muli %rem3A_688, %mul3A_1134 : i32
          %add3A_1136 = arith.addi %mul3A_1135, %add3A_854 : i32
          %sub3A_1137 = arith.subi %add3A_1136, %mul3A_686 : i32
          %multiple_of3A_1138 = tpu.assume_multiple %sub3A_1137, 16 : i32
          %dma_start3A_1139 = tpu.memref_slice %arg16[%multiple_of3A_1138] : memref<64000xf32, #tpu.memory_space<vmem>> -> memref<512xf32, #tpu.memory_space<vmem>>
          %dma_start3A_1140 = tpu.memref_slice %arg7[%reduce_sum3A_147, %multiple_of3A_1133] : memref<64x160000xf32, #tpu.memory_space<hbm>> -> memref<1x512xf32, #tpu.memory_space<hbm>>
          %dma_start3A_1141 = tpu.memref_squeeze %dma_start3A_1140 : memref<1x512xf32, #tpu.memory_space<hbm>> -> memref<512xf32, #tpu.memory_space<hbm>>
          %dma_start3A_1142 = tpu.memref_slice %arg16[%multiple_of3A_1138] : memref<64000xf32, #tpu.memory_space<vmem>> -> memref<512xf32, #tpu.memory_space<vmem>>
          %dma_start3A_1143 = tpu.memref_slice %arg7[%reduce_sum3A_147, %multiple_of3A_1133] : memref<64x160000xf32, #tpu.memory_space<hbm>> -> memref<1x512xf32, #tpu.memory_space<hbm>>
          %dma_start3A_1144 = tpu.memref_squeeze %dma_start3A_1143 : memref<1x512xf32, #tpu.memory_space<hbm>> -> memref<512xf32, #tpu.memory_space<hbm>>
          tpu.enqueue_dma source(%dma_start3A_1144 : memref<512xf32, #tpu.memory_space<hbm>>) target(%dma_start3A_1142 : memref<512xf32, #tpu.memory_space<vmem>>) target_semaphore(%arg22 : memref<!tpu.dma_semaphore, #tpu.memory_space<semaphore_mem>>)
        } else {
        }
        %jit3A_864 = arith.constant 512 : i32
        %jit3A_865 = arith.constant 0 : i32
        %select_n3A_866 = arith.select %eq3A_860, %jit3A_864, %jit3A_865 : i32
        %add3A_867 = arith.addi %add3A_854, %select_n3A_866 : i32
        %shift_right_arithmetic3A_868 = arith.constant 8 : i32
        %shift_right_arithmetic3A_869 = arith.shrsi %max3A_790, %shift_right_arithmetic3A_868 : i32
        %and3A_870 = arith.constant 1 : i32
        %and3A_871 = arith.andi %shift_right_arithmetic3A_869, %and3A_870 : i32
        %eq3A_872 = arith.constant 1 : i32
        %eq3A_873 = arith.cmpi eq, %and3A_871, %eq3A_872 : i32
        %convert_element_type3A_874 = arith.extui %eq3A_873 : i1 to i32
        %cond3A_875 = arith.constant 0 : i32
        %cond3A_876 = arith.cmpi ne, %convert_element_type3A_874, %cond3A_875 : i32
        scf.if %cond3A_876 {
          %multiple_of3A_1133 = tpu.assume_multiple %add3A_867, 16 : i32
          %mul3A_1134 = arith.constant 32000 : i32
          %mul3A_1135 = arith.muli %rem3A_688, %mul3A_1134 : i32
          %add3A_1136 = arith.addi %mul3A_1135, %add3A_867 : i32
          %sub3A_1137 = arith.subi %add3A_1136, %mul3A_686 : i32
          %multiple_of3A_1138 = tpu.assume_multiple %sub3A_1137, 16 : i32
          %dma_start3A_1139 = tpu.memref_slice %arg16[%multiple_of3A_1138] : memref<64000xf32, #tpu.memory_space<vmem>> -> memref<256xf32, #tpu.memory_space<vmem>>
          %dma_start3A_1140 = tpu.memref_slice %arg7[%reduce_sum3A_147, %multiple_of3A_1133] : memref<64x160000xf32, #tpu.memory_space<hbm>> -> memref<1x256xf32, #tpu.memory_space<hbm>>
          %dma_start3A_1141 = tpu.memref_squeeze %dma_start3A_1140 : memref<1x256xf32, #tpu.memory_space<hbm>> -> memref<256xf32, #tpu.memory_space<hbm>>
          %dma_start3A_1142 = tpu.memref_slice %arg16[%multiple_of3A_1138] : memref<64000xf32, #tpu.memory_space<vmem>> -> memref<256xf32, #tpu.memory_space<vmem>>
          %dma_start3A_1143 = tpu.memref_slice %arg7[%reduce_sum3A_147, %multiple_of3A_1133] : memref<64x160000xf32, #tpu.memory_space<hbm>> -> memref<1x256xf32, #tpu.memory_space<hbm>>
          %dma_start3A_1144 = tpu.memref_squeeze %dma_start3A_1143 : memref<1x256xf32, #tpu.memory_space<hbm>> -> memref<256xf32, #tpu.memory_space<hbm>>
          tpu.enqueue_dma source(%dma_start3A_1144 : memref<256xf32, #tpu.memory_space<hbm>>) target(%dma_start3A_1142 : memref<256xf32, #tpu.memory_space<vmem>>) target_semaphore(%arg22 : memref<!tpu.dma_semaphore, #tpu.memory_space<semaphore_mem>>)
        } else {
        }
        %jit3A_877 = arith.constant 256 : i32
        %jit3A_878 = arith.constant 0 : i32
        %select_n3A_879 = arith.select %eq3A_873, %jit3A_877, %jit3A_878 : i32
        %add3A_880 = arith.addi %add3A_867, %select_n3A_879 : i32
        %shift_right_arithmetic3A_881 = arith.constant 7 : i32
        %shift_right_arithmetic3A_882 = arith.shrsi %max3A_790, %shift_right_arithmetic3A_881 : i32
        %and3A_883 = arith.constant 1 : i32
        %and3A_884 = arith.andi %shift_right_arithmetic3A_882, %and3A_883 : i32
        %eq3A_885 = arith.constant 1 : i32
        %eq3A_886 = arith.cmpi eq, %and3A_884, %eq3A_885 : i32
        %convert_element_type3A_887 = arith.extui %eq3A_886 : i1 to i32
        %cond3A_888 = arith.constant 0 : i32
        %cond3A_889 = arith.cmpi ne, %convert_element_type3A_887, %cond3A_888 : i32
        scf.if %cond3A_889 {
          %multiple_of3A_1133 = tpu.assume_multiple %add3A_880, 16 : i32
          %mul3A_1134 = arith.constant 32000 : i32
          %mul3A_1135 = arith.muli %rem3A_688, %mul3A_1134 : i32
          %add3A_1136 = arith.addi %mul3A_1135, %add3A_880 : i32
          %sub3A_1137 = arith.subi %add3A_1136, %mul3A_686 : i32
          %multiple_of3A_1138 = tpu.assume_multiple %sub3A_1137, 16 : i32
          %dma_start3A_1139 = tpu.memref_slice %arg16[%multiple_of3A_1138] : memref<64000xf32, #tpu.memory_space<vmem>> -> memref<128xf32, #tpu.memory_space<vmem>>
          %dma_start3A_1140 = tpu.memref_slice %arg7[%reduce_sum3A_147, %multiple_of3A_1133] : memref<64x160000xf32, #tpu.memory_space<hbm>> -> memref<1x128xf32, #tpu.memory_space<hbm>>
          %dma_start3A_1141 = tpu.memref_squeeze %dma_start3A_1140 : memref<1x128xf32, #tpu.memory_space<hbm>> -> memref<128xf32, #tpu.memory_space<hbm>>
          %dma_start3A_1142 = tpu.memref_slice %arg16[%multiple_of3A_1138] : memref<64000xf32, #tpu.memory_space<vmem>> -> memref<128xf32, #tpu.memory_space<vmem>>
          %dma_start3A_1143 = tpu.memref_slice %arg7[%reduce_sum3A_147, %multiple_of3A_1133] : memref<64x160000xf32, #tpu.memory_space<hbm>> -> memref<1x128xf32, #tpu.memory_space<hbm>>
          %dma_start3A_1144 = tpu.memref_squeeze %dma_start3A_1143 : memref<1x128xf32, #tpu.memory_space<hbm>> -> memref<128xf32, #tpu.memory_space<hbm>>
          tpu.enqueue_dma source(%dma_start3A_1144 : memref<128xf32, #tpu.memory_space<hbm>>) target(%dma_start3A_1142 : memref<128xf32, #tpu.memory_space<vmem>>) target_semaphore(%arg22 : memref<!tpu.dma_semaphore, #tpu.memory_space<semaphore_mem>>)
        } else {
        }
        %jit3A_890 = arith.constant 128 : i32
        %jit3A_891 = arith.constant 0 : i32
        %select_n3A_892 = arith.select %eq3A_886, %jit3A_890, %jit3A_891 : i32
        %add3A_893 = arith.addi %add3A_880, %select_n3A_892 : i32
        %shift_right_arithmetic3A_894 = arith.constant 6 : i32
        %shift_right_arithmetic3A_895 = arith.shrsi %max3A_790, %shift_right_arithmetic3A_894 : i32
        %and3A_896 = arith.constant 1 : i32
        %and3A_897 = arith.andi %shift_right_arithmetic3A_895, %and3A_896 : i32
        %eq3A_898 = arith.constant 1 : i32
        %eq3A_899 = arith.cmpi eq, %and3A_897, %eq3A_898 : i32
        %convert_element_type3A_900 = arith.extui %eq3A_899 : i1 to i32
        %cond3A_901 = arith.constant 0 : i32
        %cond3A_902 = arith.cmpi ne, %convert_element_type3A_900, %cond3A_901 : i32
        scf.if %cond3A_902 {
          %multiple_of3A_1133 = tpu.assume_multiple %add3A_893, 16 : i32
          %mul3A_1134 = arith.constant 32000 : i32
          %mul3A_1135 = arith.muli %rem3A_688, %mul3A_1134 : i32
          %add3A_1136 = arith.addi %mul3A_1135, %add3A_893 : i32
          %sub3A_1137 = arith.subi %add3A_1136, %mul3A_686 : i32
          %multiple_of3A_1138 = tpu.assume_multiple %sub3A_1137, 16 : i32
          %dma_start3A_1139 = tpu.memref_slice %arg16[%multiple_of3A_1138] : memref<64000xf32, #tpu.memory_space<vmem>> -> memref<64xf32, #tpu.memory_space<vmem>>
          %dma_start3A_1140 = tpu.memref_slice %arg7[%reduce_sum3A_147, %multiple_of3A_1133] : memref<64x160000xf32, #tpu.memory_space<hbm>> -> memref<1x64xf32, #tpu.memory_space<hbm>>
          %dma_start3A_1141 = tpu.memref_squeeze %dma_start3A_1140 : memref<1x64xf32, #tpu.memory_space<hbm>> -> memref<64xf32, #tpu.memory_space<hbm>>
          %dma_start3A_1142 = tpu.memref_slice %arg16[%multiple_of3A_1138] : memref<64000xf32, #tpu.memory_space<vmem>> -> memref<64xf32, #tpu.memory_space<vmem>>
          %dma_start3A_1143 = tpu.memref_slice %arg7[%reduce_sum3A_147, %multiple_of3A_1133] : memref<64x160000xf32, #tpu.memory_space<hbm>> -> memref<1x64xf32, #tpu.memory_space<hbm>>
          %dma_start3A_1144 = tpu.memref_squeeze %dma_start3A_1143 : memref<1x64xf32, #tpu.memory_space<hbm>> -> memref<64xf32, #tpu.memory_space<hbm>>
          tpu.enqueue_dma source(%dma_start3A_1144 : memref<64xf32, #tpu.memory_space<hbm>>) target(%dma_start3A_1142 : memref<64xf32, #tpu.memory_space<vmem>>) target_semaphore(%arg22 : memref<!tpu.dma_semaphore, #tpu.memory_space<semaphore_mem>>)
        } else {
        }
        %jit3A_903 = arith.constant 64 : i32
        %jit3A_904 = arith.constant 0 : i32
        %select_n3A_905 = arith.select %eq3A_899, %jit3A_903, %jit3A_904 : i32
        %add3A_906 = arith.addi %add3A_893, %select_n3A_905 : i32
        %shift_right_arithmetic3A_907 = arith.constant 5 : i32
        %shift_right_arithmetic3A_908 = arith.shrsi %max3A_790, %shift_right_arithmetic3A_907 : i32
        %and3A_909 = arith.constant 1 : i32
        %and3A_910 = arith.andi %shift_right_arithmetic3A_908, %and3A_909 : i32
        %eq3A_911 = arith.constant 1 : i32
        %eq3A_912 = arith.cmpi eq, %and3A_910, %eq3A_911 : i32
        %convert_element_type3A_913 = arith.extui %eq3A_912 : i1 to i32
        %cond3A_914 = arith.constant 0 : i32
        %cond3A_915 = arith.cmpi ne, %convert_element_type3A_913, %cond3A_914 : i32
        scf.if %cond3A_915 {
          %multiple_of3A_1133 = tpu.assume_multiple %add3A_906, 16 : i32
          %mul3A_1134 = arith.constant 32000 : i32
          %mul3A_1135 = arith.muli %rem3A_688, %mul3A_1134 : i32
          %add3A_1136 = arith.addi %mul3A_1135, %add3A_906 : i32
          %sub3A_1137 = arith.subi %add3A_1136, %mul3A_686 : i32
          %multiple_of3A_1138 = tpu.assume_multiple %sub3A_1137, 16 : i32
          %dma_start3A_1139 = tpu.memref_slice %arg16[%multiple_of3A_1138] : memref<64000xf32, #tpu.memory_space<vmem>> -> memref<32xf32, #tpu.memory_space<vmem>>
          %dma_start3A_1140 = tpu.memref_slice %arg7[%reduce_sum3A_147, %multiple_of3A_1133] : memref<64x160000xf32, #tpu.memory_space<hbm>> -> memref<1x32xf32, #tpu.memory_space<hbm>>
          %dma_start3A_1141 = tpu.memref_squeeze %dma_start3A_1140 : memref<1x32xf32, #tpu.memory_space<hbm>> -> memref<32xf32, #tpu.memory_space<hbm>>
          %dma_start3A_1142 = tpu.memref_slice %arg16[%multiple_of3A_1138] : memref<64000xf32, #tpu.memory_space<vmem>> -> memref<32xf32, #tpu.memory_space<vmem>>
          %dma_start3A_1143 = tpu.memref_slice %arg7[%reduce_sum3A_147, %multiple_of3A_1133] : memref<64x160000xf32, #tpu.memory_space<hbm>> -> memref<1x32xf32, #tpu.memory_space<hbm>>
          %dma_start3A_1144 = tpu.memref_squeeze %dma_start3A_1143 : memref<1x32xf32, #tpu.memory_space<hbm>> -> memref<32xf32, #tpu.memory_space<hbm>>
          tpu.enqueue_dma source(%dma_start3A_1144 : memref<32xf32, #tpu.memory_space<hbm>>) target(%dma_start3A_1142 : memref<32xf32, #tpu.memory_space<vmem>>) target_semaphore(%arg22 : memref<!tpu.dma_semaphore, #tpu.memory_space<semaphore_mem>>)
        } else {
        }
        %jit3A_916 = arith.constant 32 : i32
        %jit3A_917 = arith.constant 0 : i32
        %select_n3A_918 = arith.select %eq3A_912, %jit3A_916, %jit3A_917 : i32
        %add3A_919 = arith.addi %add3A_906, %select_n3A_918 : i32
        %shift_right_arithmetic3A_920 = arith.constant 4 : i32
        %shift_right_arithmetic3A_921 = arith.shrsi %max3A_790, %shift_right_arithmetic3A_920 : i32
        %and3A_922 = arith.constant 1 : i32
        %and3A_923 = arith.andi %shift_right_arithmetic3A_921, %and3A_922 : i32
        %eq3A_924 = arith.constant 1 : i32
        %eq3A_925 = arith.cmpi eq, %and3A_923, %eq3A_924 : i32
        %convert_element_type3A_926 = arith.extui %eq3A_925 : i1 to i32
        %cond3A_927 = arith.constant 0 : i32
        %cond3A_928 = arith.cmpi ne, %convert_element_type3A_926, %cond3A_927 : i32
        scf.if %cond3A_928 {
          %multiple_of3A_1133 = tpu.assume_multiple %add3A_919, 16 : i32
          %mul3A_1134 = arith.constant 32000 : i32
          %mul3A_1135 = arith.muli %rem3A_688, %mul3A_1134 : i32
          %add3A_1136 = arith.addi %mul3A_1135, %add3A_919 : i32
          %sub3A_1137 = arith.subi %add3A_1136, %mul3A_686 : i32
          %multiple_of3A_1138 = tpu.assume_multiple %sub3A_1137, 16 : i32
          %dma_start3A_1139 = tpu.memref_slice %arg16[%multiple_of3A_1138] : memref<64000xf32, #tpu.memory_space<vmem>> -> memref<16xf32, #tpu.memory_space<vmem>>
          %dma_start3A_1140 = tpu.memref_slice %arg7[%reduce_sum3A_147, %multiple_of3A_1133] : memref<64x160000xf32, #tpu.memory_space<hbm>> -> memref<1x16xf32, #tpu.memory_space<hbm>>
          %dma_start3A_1141 = tpu.memref_squeeze %dma_start3A_1140 : memref<1x16xf32, #tpu.memory_space<hbm>> -> memref<16xf32, #tpu.memory_space<hbm>>
          %dma_start3A_1142 = tpu.memref_slice %arg16[%multiple_of3A_1138] : memref<64000xf32, #tpu.memory_space<vmem>> -> memref<16xf32, #tpu.memory_space<vmem>>
          %dma_start3A_1143 = tpu.memref_slice %arg7[%reduce_sum3A_147, %multiple_of3A_1133] : memref<64x160000xf32, #tpu.memory_space<hbm>> -> memref<1x16xf32, #tpu.memory_space<hbm>>
          %dma_start3A_1144 = tpu.memref_squeeze %dma_start3A_1143 : memref<1x16xf32, #tpu.memory_space<hbm>> -> memref<16xf32, #tpu.memory_space<hbm>>
          tpu.enqueue_dma source(%dma_start3A_1144 : memref<16xf32, #tpu.memory_space<hbm>>) target(%dma_start3A_1142 : memref<16xf32, #tpu.memory_space<vmem>>) target_semaphore(%arg22 : memref<!tpu.dma_semaphore, #tpu.memory_space<semaphore_mem>>)
        } else {
        }
        %jit3A_929 = arith.constant 16 : i32
        %jit3A_930 = arith.constant 0 : i32
        %select_n3A_931 = arith.select %eq3A_925, %jit3A_929, %jit3A_930 : i32
        %add3A_932 = arith.addi %add3A_919, %select_n3A_931 : i32
        %shift_right_arithmetic3A_933 = arith.constant 14 : i32
        %shift_right_arithmetic3A_934 = arith.shrsi %max3A_790, %shift_right_arithmetic3A_933 : i32
        %and3A_935 = arith.constant 1 : i32
        %and3A_936 = arith.andi %shift_right_arithmetic3A_934, %and3A_935 : i32
        %eq3A_937 = arith.constant 1 : i32
        %eq3A_938 = arith.cmpi eq, %and3A_936, %eq3A_937 : i32
        %convert_element_type3A_939 = arith.extui %eq3A_938 : i1 to i32
        %cond3A_940 = arith.constant 0 : i32
        %cond3A_941 = arith.cmpi ne, %convert_element_type3A_939, %cond3A_940 : i32
        scf.if %cond3A_941 {
          %multiple_of3A_1133 = tpu.assume_multiple %mul3A_761, 16 : i32
          %mul3A_1134 = arith.constant 32000 : i32
          %mul3A_1135 = arith.muli %rem3A_688, %mul3A_1134 : i32
          %add3A_1136 = arith.addi %mul3A_1135, %mul3A_761 : i32
          %sub3A_1137 = arith.subi %add3A_1136, %mul3A_686 : i32
          %multiple_of3A_1138 = tpu.assume_multiple %sub3A_1137, 16 : i32
          %dma_wait3A_1139 = tpu.memref_slice %arg16[%multiple_of3A_1138] : memref<64000xf32, #tpu.memory_space<vmem>> -> memref<16384xf32, #tpu.memory_space<vmem>>
          %dma_wait3A_1140 = tpu.memref_slice %arg7[%reduce_sum3A_147, %multiple_of3A_1133] : memref<64x160000xf32, #tpu.memory_space<hbm>> -> memref<1x16384xf32, #tpu.memory_space<hbm>>
          %dma_wait3A_1141 = tpu.memref_squeeze %dma_wait3A_1140 : memref<1x16384xf32, #tpu.memory_space<hbm>> -> memref<16384xf32, #tpu.memory_space<hbm>>
          %dma_wait3A_1142 = tpu.memref_slice %arg16[%multiple_of3A_1138] : memref<64000xf32, #tpu.memory_space<vmem>> -> memref<16384xf32, #tpu.memory_space<vmem>>
          %dma_wait3A_1143 = tpu.memref_slice %arg7[%reduce_sum3A_147, %multiple_of3A_1133] : memref<64x160000xf32, #tpu.memory_space<hbm>> -> memref<1x16384xf32, #tpu.memory_space<hbm>>
          %dma_wait3A_1144 = tpu.memref_squeeze %dma_wait3A_1143 : memref<1x16384xf32, #tpu.memory_space<hbm>> -> memref<16384xf32, #tpu.memory_space<hbm>>
          tpu.wait_dma2 semaphore(%arg22 : memref<!tpu.dma_semaphore, #tpu.memory_space<semaphore_mem>>) src(%dma_wait3A_1144 : memref<16384xf32, #tpu.memory_space<hbm>>) dst(%dma_wait3A_1142 : memref<16384xf32, #tpu.memory_space<vmem>>)
        } else {
        }
        %jit3A_942 = arith.constant 16384 : i32
        %jit3A_943 = arith.constant 0 : i32
        %select_n3A_944 = arith.select %eq3A_938, %jit3A_942, %jit3A_943 : i32
        %add3A_945 = arith.addi %mul3A_761, %select_n3A_944 : i32
        %shift_right_arithmetic3A_946 = arith.constant 13 : i32
        %shift_right_arithmetic3A_947 = arith.shrsi %max3A_790, %shift_right_arithmetic3A_946 : i32
        %and3A_948 = arith.constant 1 : i32
        %and3A_949 = arith.andi %shift_right_arithmetic3A_947, %and3A_948 : i32
        %eq3A_950 = arith.constant 1 : i32
        %eq3A_951 = arith.cmpi eq, %and3A_949, %eq3A_950 : i32
        %convert_element_type3A_952 = arith.extui %eq3A_951 : i1 to i32
        %cond3A_953 = arith.constant 0 : i32
        %cond3A_954 = arith.cmpi ne, %convert_element_type3A_952, %cond3A_953 : i32
        scf.if %cond3A_954 {
          %multiple_of3A_1133 = tpu.assume_multiple %add3A_945, 16 : i32
          %mul3A_1134 = arith.constant 32000 : i32
          %mul3A_1135 = arith.muli %rem3A_688, %mul3A_1134 : i32
          %add3A_1136 = arith.addi %mul3A_1135, %add3A_945 : i32
          %sub3A_1137 = arith.subi %add3A_1136, %mul3A_686 : i32
          %multiple_of3A_1138 = tpu.assume_multiple %sub3A_1137, 16 : i32
          %dma_wait3A_1139 = tpu.memref_slice %arg16[%multiple_of3A_1138] : memref<64000xf32, #tpu.memory_space<vmem>> -> memref<8192xf32, #tpu.memory_space<vmem>>
          %dma_wait3A_1140 = tpu.memref_slice %arg7[%reduce_sum3A_147, %multiple_of3A_1133] : memref<64x160000xf32, #tpu.memory_space<hbm>> -> memref<1x8192xf32, #tpu.memory_space<hbm>>
          %dma_wait3A_1141 = tpu.memref_squeeze %dma_wait3A_1140 : memref<1x8192xf32, #tpu.memory_space<hbm>> -> memref<8192xf32, #tpu.memory_space<hbm>>
          %dma_wait3A_1142 = tpu.memref_slice %arg16[%multiple_of3A_1138] : memref<64000xf32, #tpu.memory_space<vmem>> -> memref<8192xf32, #tpu.memory_space<vmem>>
          %dma_wait3A_1143 = tpu.memref_slice %arg7[%reduce_sum3A_147, %multiple_of3A_1133] : memref<64x160000xf32, #tpu.memory_space<hbm>> -> memref<1x8192xf32, #tpu.memory_space<hbm>>
          %dma_wait3A_1144 = tpu.memref_squeeze %dma_wait3A_1143 : memref<1x8192xf32, #tpu.memory_space<hbm>> -> memref<8192xf32, #tpu.memory_space<hbm>>
          tpu.wait_dma2 semaphore(%arg22 : memref<!tpu.dma_semaphore, #tpu.memory_space<semaphore_mem>>) src(%dma_wait3A_1144 : memref<8192xf32, #tpu.memory_space<hbm>>) dst(%dma_wait3A_1142 : memref<8192xf32, #tpu.memory_space<vmem>>)
        } else {
        }
        %jit3A_955 = arith.constant 8192 : i32
        %jit3A_956 = arith.constant 0 : i32
        %select_n3A_957 = arith.select %eq3A_951, %jit3A_955, %jit3A_956 : i32
        %add3A_958 = arith.addi %add3A_945, %select_n3A_957 : i32
        %shift_right_arithmetic3A_959 = arith.constant 12 : i32
        %shift_right_arithmetic3A_960 = arith.shrsi %max3A_790, %shift_right_arithmetic3A_959 : i32
        %and3A_961 = arith.constant 1 : i32
        %and3A_962 = arith.andi %shift_right_arithmetic3A_960, %and3A_961 : i32
        %eq3A_963 = arith.constant 1 : i32
        %eq3A_964 = arith.cmpi eq, %and3A_962, %eq3A_963 : i32
        %convert_element_type3A_965 = arith.extui %eq3A_964 : i1 to i32
        %cond3A_966 = arith.constant 0 : i32
        %cond3A_967 = arith.cmpi ne, %convert_element_type3A_965, %cond3A_966 : i32
        scf.if %cond3A_967 {
          %multiple_of3A_1133 = tpu.assume_multiple %add3A_958, 16 : i32
          %mul3A_1134 = arith.constant 32000 : i32
          %mul3A_1135 = arith.muli %rem3A_688, %mul3A_1134 : i32
          %add3A_1136 = arith.addi %mul3A_1135, %add3A_958 : i32
          %sub3A_1137 = arith.subi %add3A_1136, %mul3A_686 : i32
          %multiple_of3A_1138 = tpu.assume_multiple %sub3A_1137, 16 : i32
          %dma_wait3A_1139 = tpu.memref_slice %arg16[%multiple_of3A_1138] : memref<64000xf32, #tpu.memory_space<vmem>> -> memref<4096xf32, #tpu.memory_space<vmem>>
          %dma_wait3A_1140 = tpu.memref_slice %arg7[%reduce_sum3A_147, %multiple_of3A_1133] : memref<64x160000xf32, #tpu.memory_space<hbm>> -> memref<1x4096xf32, #tpu.memory_space<hbm>>
          %dma_wait3A_1141 = tpu.memref_squeeze %dma_wait3A_1140 : memref<1x4096xf32, #tpu.memory_space<hbm>> -> memref<4096xf32, #tpu.memory_space<hbm>>
          %dma_wait3A_1142 = tpu.memref_slice %arg16[%multiple_of3A_1138] : memref<64000xf32, #tpu.memory_space<vmem>> -> memref<4096xf32, #tpu.memory_space<vmem>>
          %dma_wait3A_1143 = tpu.memref_slice %arg7[%reduce_sum3A_147, %multiple_of3A_1133] : memref<64x160000xf32, #tpu.memory_space<hbm>> -> memref<1x4096xf32, #tpu.memory_space<hbm>>
          %dma_wait3A_1144 = tpu.memref_squeeze %dma_wait3A_1143 : memref<1x4096xf32, #tpu.memory_space<hbm>> -> memref<4096xf32, #tpu.memory_space<hbm>>
          tpu.wait_dma2 semaphore(%arg22 : memref<!tpu.dma_semaphore, #tpu.memory_space<semaphore_mem>>) src(%dma_wait3A_1144 : memref<4096xf32, #tpu.memory_space<hbm>>) dst(%dma_wait3A_1142 : memref<4096xf32, #tpu.memory_space<vmem>>)
        } else {
        }
        %jit3A_968 = arith.constant 4096 : i32
        %jit3A_969 = arith.constant 0 : i32
        %select_n3A_970 = arith.select %eq3A_964, %jit3A_968, %jit3A_969 : i32
        %add3A_971 = arith.addi %add3A_958, %select_n3A_970 : i32
        %shift_right_arithmetic3A_972 = arith.constant 11 : i32
        %shift_right_arithmetic3A_973 = arith.shrsi %max3A_790, %shift_right_arithmetic3A_972 : i32
        %and3A_974 = arith.constant 1 : i32
        %and3A_975 = arith.andi %shift_right_arithmetic3A_973, %and3A_974 : i32
        %eq3A_976 = arith.constant 1 : i32
        %eq3A_977 = arith.cmpi eq, %and3A_975, %eq3A_976 : i32
        %convert_element_type3A_978 = arith.extui %eq3A_977 : i1 to i32
        %cond3A_979 = arith.constant 0 : i32
        %cond3A_980 = arith.cmpi ne, %convert_element_type3A_978, %cond3A_979 : i32
        scf.if %cond3A_980 {
          %multiple_of3A_1133 = tpu.assume_multiple %add3A_971, 16 : i32
          %mul3A_1134 = arith.constant 32000 : i32
          %mul3A_1135 = arith.muli %rem3A_688, %mul3A_1134 : i32
          %add3A_1136 = arith.addi %mul3A_1135, %add3A_971 : i32
          %sub3A_1137 = arith.subi %add3A_1136, %mul3A_686 : i32
          %multiple_of3A_1138 = tpu.assume_multiple %sub3A_1137, 16 : i32
          %dma_wait3A_1139 = tpu.memref_slice %arg16[%multiple_of3A_1138] : memref<64000xf32, #tpu.memory_space<vmem>> -> memref<2048xf32, #tpu.memory_space<vmem>>
          %dma_wait3A_1140 = tpu.memref_slice %arg7[%reduce_sum3A_147, %multiple_of3A_1133] : memref<64x160000xf32, #tpu.memory_space<hbm>> -> memref<1x2048xf32, #tpu.memory_space<hbm>>
          %dma_wait3A_1141 = tpu.memref_squeeze %dma_wait3A_1140 : memref<1x2048xf32, #tpu.memory_space<hbm>> -> memref<2048xf32, #tpu.memory_space<hbm>>
          %dma_wait3A_1142 = tpu.memref_slice %arg16[%multiple_of3A_1138] : memref<64000xf32, #tpu.memory_space<vmem>> -> memref<2048xf32, #tpu.memory_space<vmem>>
          %dma_wait3A_1143 = tpu.memref_slice %arg7[%reduce_sum3A_147, %multiple_of3A_1133] : memref<64x160000xf32, #tpu.memory_space<hbm>> -> memref<1x2048xf32, #tpu.memory_space<hbm>>
          %dma_wait3A_1144 = tpu.memref_squeeze %dma_wait3A_1143 : memref<1x2048xf32, #tpu.memory_space<hbm>> -> memref<2048xf32, #tpu.memory_space<hbm>>
          tpu.wait_dma2 semaphore(%arg22 : memref<!tpu.dma_semaphore, #tpu.memory_space<semaphore_mem>>) src(%dma_wait3A_1144 : memref<2048xf32, #tpu.memory_space<hbm>>) dst(%dma_wait3A_1142 : memref<2048xf32, #tpu.memory_space<vmem>>)
        } else {
        }
        %jit3A_981 = arith.constant 2048 : i32
        %jit3A_982 = arith.constant 0 : i32
        %select_n3A_983 = arith.select %eq3A_977, %jit3A_981, %jit3A_982 : i32
        %add3A_984 = arith.addi %add3A_971, %select_n3A_983 : i32
        %shift_right_arithmetic3A_985 = arith.constant 10 : i32
        %shift_right_arithmetic3A_986 = arith.shrsi %max3A_790, %shift_right_arithmetic3A_985 : i32
        %and3A_987 = arith.constant 1 : i32
        %and3A_988 = arith.andi %shift_right_arithmetic3A_986, %and3A_987 : i32
        %eq3A_989 = arith.constant 1 : i32
        %eq3A_990 = arith.cmpi eq, %and3A_988, %eq3A_989 : i32
        %convert_element_type3A_991 = arith.extui %eq3A_990 : i1 to i32
        %cond3A_992 = arith.constant 0 : i32
        %cond3A_993 = arith.cmpi ne, %convert_element_type3A_991, %cond3A_992 : i32
        scf.if %cond3A_993 {
          %multiple_of3A_1133 = tpu.assume_multiple %add3A_984, 16 : i32
          %mul3A_1134 = arith.constant 32000 : i32
          %mul3A_1135 = arith.muli %rem3A_688, %mul3A_1134 : i32
          %add3A_1136 = arith.addi %mul3A_1135, %add3A_984 : i32
          %sub3A_1137 = arith.subi %add3A_1136, %mul3A_686 : i32
          %multiple_of3A_1138 = tpu.assume_multiple %sub3A_1137, 16 : i32
          %dma_wait3A_1139 = tpu.memref_slice %arg16[%multiple_of3A_1138] : memref<64000xf32, #tpu.memory_space<vmem>> -> memref<1024xf32, #tpu.memory_space<vmem>>
          %dma_wait3A_1140 = tpu.memref_slice %arg7[%reduce_sum3A_147, %multiple_of3A_1133] : memref<64x160000xf32, #tpu.memory_space<hbm>> -> memref<1x1024xf32, #tpu.memory_space<hbm>>
          %dma_wait3A_1141 = tpu.memref_squeeze %dma_wait3A_1140 : memref<1x1024xf32, #tpu.memory_space<hbm>> -> memref<1024xf32, #tpu.memory_space<hbm>>
          %dma_wait3A_1142 = tpu.memref_slice %arg16[%multiple_of3A_1138] : memref<64000xf32, #tpu.memory_space<vmem>> -> memref<1024xf32, #tpu.memory_space<vmem>>
          %dma_wait3A_1143 = tpu.memref_slice %arg7[%reduce_sum3A_147, %multiple_of3A_1133] : memref<64x160000xf32, #tpu.memory_space<hbm>> -> memref<1x1024xf32, #tpu.memory_space<hbm>>
          %dma_wait3A_1144 = tpu.memref_squeeze %dma_wait3A_1143 : memref<1x1024xf32, #tpu.memory_space<hbm>> -> memref<1024xf32, #tpu.memory_space<hbm>>
          tpu.wait_dma2 semaphore(%arg22 : memref<!tpu.dma_semaphore, #tpu.memory_space<semaphore_mem>>) src(%dma_wait3A_1144 : memref<1024xf32, #tpu.memory_space<hbm>>) dst(%dma_wait3A_1142 : memref<1024xf32, #tpu.memory_space<vmem>>)
        } else {
        }
        %jit3A_994 = arith.constant 1024 : i32
        %jit3A_995 = arith.constant 0 : i32
        %select_n3A_996 = arith.select %eq3A_990, %jit3A_994, %jit3A_995 : i32
        %add3A_997 = arith.addi %add3A_984, %select_n3A_996 : i32
        %shift_right_arithmetic3A_998 = arith.constant 9 : i32
        %shift_right_arithmetic3A_999 = arith.shrsi %max3A_790, %shift_right_arithmetic3A_998 : i32
        %and3A_1000 = arith.constant 1 : i32
        %and3A_1001 = arith.andi %shift_right_arithmetic3A_999, %and3A_1000 : i32
        %eq3A_1002 = arith.constant 1 : i32
        %eq3A_1003 = arith.cmpi eq, %and3A_1001, %eq3A_1002 : i32
        %convert_element_type3A_1004 = arith.extui %eq3A_1003 : i1 to i32
        %cond3A_1005 = arith.constant 0 : i32
        %cond3A_1006 = arith.cmpi ne, %convert_element_type3A_1004, %cond3A_1005 : i32
        scf.if %cond3A_1006 {
          %multiple_of3A_1133 = tpu.assume_multiple %add3A_997, 16 : i32
          %mul3A_1134 = arith.constant 32000 : i32
          %mul3A_1135 = arith.muli %rem3A_688, %mul3A_1134 : i32
          %add3A_1136 = arith.addi %mul3A_1135, %add3A_997 : i32
          %sub3A_1137 = arith.subi %add3A_1136, %mul3A_686 : i32
          %multiple_of3A_1138 = tpu.assume_multiple %sub3A_1137, 16 : i32
          %dma_wait3A_1139 = tpu.memref_slice %arg16[%multiple_of3A_1138] : memref<64000xf32, #tpu.memory_space<vmem>> -> memref<512xf32, #tpu.memory_space<vmem>>
          %dma_wait3A_1140 = tpu.memref_slice %arg7[%reduce_sum3A_147, %multiple_of3A_1133] : memref<64x160000xf32, #tpu.memory_space<hbm>> -> memref<1x512xf32, #tpu.memory_space<hbm>>
          %dma_wait3A_1141 = tpu.memref_squeeze %dma_wait3A_1140 : memref<1x512xf32, #tpu.memory_space<hbm>> -> memref<512xf32, #tpu.memory_space<hbm>>
          %dma_wait3A_1142 = tpu.memref_slice %arg16[%multiple_of3A_1138] : memref<64000xf32, #tpu.memory_space<vmem>> -> memref<512xf32, #tpu.memory_space<vmem>>
          %dma_wait3A_1143 = tpu.memref_slice %arg7[%reduce_sum3A_147, %multiple_of3A_1133] : memref<64x160000xf32, #tpu.memory_space<hbm>> -> memref<1x512xf32, #tpu.memory_space<hbm>>
          %dma_wait3A_1144 = tpu.memref_squeeze %dma_wait3A_1143 : memref<1x512xf32, #tpu.memory_space<hbm>> -> memref<512xf32, #tpu.memory_space<hbm>>
          tpu.wait_dma2 semaphore(%arg22 : memref<!tpu.dma_semaphore, #tpu.memory_space<semaphore_mem>>) src(%dma_wait3A_1144 : memref<512xf32, #tpu.memory_space<hbm>>) dst(%dma_wait3A_1142 : memref<512xf32, #tpu.memory_space<vmem>>)
        } else {
        }
        %jit3A_1007 = arith.constant 512 : i32
        %jit3A_1008 = arith.constant 0 : i32
        %select_n3A_1009 = arith.select %eq3A_1003, %jit3A_1007, %jit3A_1008 : i32
        %add3A_1010 = arith.addi %add3A_997, %select_n3A_1009 : i32
        %shift_right_arithmetic3A_1011 = arith.constant 8 : i32
        %shift_right_arithmetic3A_1012 = arith.shrsi %max3A_790, %shift_right_arithmetic3A_1011 : i32
        %and3A_1013 = arith.constant 1 : i32
        %and3A_1014 = arith.andi %shift_right_arithmetic3A_1012, %and3A_1013 : i32
        %eq3A_1015 = arith.constant 1 : i32
        %eq3A_1016 = arith.cmpi eq, %and3A_1014, %eq3A_1015 : i32
        %convert_element_type3A_1017 = arith.extui %eq3A_1016 : i1 to i32
        %cond3A_1018 = arith.constant 0 : i32
        %cond3A_1019 = arith.cmpi ne, %convert_element_type3A_1017, %cond3A_1018 : i32
        scf.if %cond3A_1019 {
          %multiple_of3A_1133 = tpu.assume_multiple %add3A_1010, 16 : i32
          %mul3A_1134 = arith.constant 32000 : i32
          %mul3A_1135 = arith.muli %rem3A_688, %mul3A_1134 : i32
          %add3A_1136 = arith.addi %mul3A_1135, %add3A_1010 : i32
          %sub3A_1137 = arith.subi %add3A_1136, %mul3A_686 : i32
          %multiple_of3A_1138 = tpu.assume_multiple %sub3A_1137, 16 : i32
          %dma_wait3A_1139 = tpu.memref_slice %arg16[%multiple_of3A_1138] : memref<64000xf32, #tpu.memory_space<vmem>> -> memref<256xf32, #tpu.memory_space<vmem>>
          %dma_wait3A_1140 = tpu.memref_slice %arg7[%reduce_sum3A_147, %multiple_of3A_1133] : memref<64x160000xf32, #tpu.memory_space<hbm>> -> memref<1x256xf32, #tpu.memory_space<hbm>>
          %dma_wait3A_1141 = tpu.memref_squeeze %dma_wait3A_1140 : memref<1x256xf32, #tpu.memory_space<hbm>> -> memref<256xf32, #tpu.memory_space<hbm>>
          %dma_wait3A_1142 = tpu.memref_slice %arg16[%multiple_of3A_1138] : memref<64000xf32, #tpu.memory_space<vmem>> -> memref<256xf32, #tpu.memory_space<vmem>>
          %dma_wait3A_1143 = tpu.memref_slice %arg7[%reduce_sum3A_147, %multiple_of3A_1133] : memref<64x160000xf32, #tpu.memory_space<hbm>> -> memref<1x256xf32, #tpu.memory_space<hbm>>
          %dma_wait3A_1144 = tpu.memref_squeeze %dma_wait3A_1143 : memref<1x256xf32, #tpu.memory_space<hbm>> -> memref<256xf32, #tpu.memory_space<hbm>>
          tpu.wait_dma2 semaphore(%arg22 : memref<!tpu.dma_semaphore, #tpu.memory_space<semaphore_mem>>) src(%dma_wait3A_1144 : memref<256xf32, #tpu.memory_space<hbm>>) dst(%dma_wait3A_1142 : memref<256xf32, #tpu.memory_space<vmem>>)
        } else {
        }
        %jit3A_1020 = arith.constant 256 : i32
        %jit3A_1021 = arith.constant 0 : i32
        %select_n3A_1022 = arith.select %eq3A_1016, %jit3A_1020, %jit3A_1021 : i32
        %add3A_1023 = arith.addi %add3A_1010, %select_n3A_1022 : i32
        %shift_right_arithmetic3A_1024 = arith.constant 7 : i32
        %shift_right_arithmetic3A_1025 = arith.shrsi %max3A_790, %shift_right_arithmetic3A_1024 : i32
        %and3A_1026 = arith.constant 1 : i32
        %and3A_1027 = arith.andi %shift_right_arithmetic3A_1025, %and3A_1026 : i32
        %eq3A_1028 = arith.constant 1 : i32
        %eq3A_1029 = arith.cmpi eq, %and3A_1027, %eq3A_1028 : i32
        %convert_element_type3A_1030 = arith.extui %eq3A_1029 : i1 to i32
        %cond3A_1031 = arith.constant 0 : i32
        %cond3A_1032 = arith.cmpi ne, %convert_element_type3A_1030, %cond3A_1031 : i32
        scf.if %cond3A_1032 {
          %multiple_of3A_1133 = tpu.assume_multiple %add3A_1023, 16 : i32
          %mul3A_1134 = arith.constant 32000 : i32
          %mul3A_1135 = arith.muli %rem3A_688, %mul3A_1134 : i32
          %add3A_1136 = arith.addi %mul3A_1135, %add3A_1023 : i32
          %sub3A_1137 = arith.subi %add3A_1136, %mul3A_686 : i32
          %multiple_of3A_1138 = tpu.assume_multiple %sub3A_1137, 16 : i32
          %dma_wait3A_1139 = tpu.memref_slice %arg16[%multiple_of3A_1138] : memref<64000xf32, #tpu.memory_space<vmem>> -> memref<128xf32, #tpu.memory_space<vmem>>
          %dma_wait3A_1140 = tpu.memref_slice %arg7[%reduce_sum3A_147, %multiple_of3A_1133] : memref<64x160000xf32, #tpu.memory_space<hbm>> -> memref<1x128xf32, #tpu.memory_space<hbm>>
          %dma_wait3A_1141 = tpu.memref_squeeze %dma_wait3A_1140 : memref<1x128xf32, #tpu.memory_space<hbm>> -> memref<128xf32, #tpu.memory_space<hbm>>
          %dma_wait3A_1142 = tpu.memref_slice %arg16[%multiple_of3A_1138] : memref<64000xf32, #tpu.memory_space<vmem>> -> memref<128xf32, #tpu.memory_space<vmem>>
          %dma_wait3A_1143 = tpu.memref_slice %arg7[%reduce_sum3A_147, %multiple_of3A_1133] : memref<64x160000xf32, #tpu.memory_space<hbm>> -> memref<1x128xf32, #tpu.memory_space<hbm>>
          %dma_wait3A_1144 = tpu.memref_squeeze %dma_wait3A_1143 : memref<1x128xf32, #tpu.memory_space<hbm>> -> memref<128xf32, #tpu.memory_space<hbm>>
          tpu.wait_dma2 semaphore(%arg22 : memref<!tpu.dma_semaphore, #tpu.memory_space<semaphore_mem>>) src(%dma_wait3A_1144 : memref<128xf32, #tpu.memory_space<hbm>>) dst(%dma_wait3A_1142 : memref<128xf32, #tpu.memory_space<vmem>>)
        } else {
        }
        %jit3A_1033 = arith.constant 128 : i32
        %jit3A_1034 = arith.constant 0 : i32
        %select_n3A_1035 = arith.select %eq3A_1029, %jit3A_1033, %jit3A_1034 : i32
        %add3A_1036 = arith.addi %add3A_1023, %select_n3A_1035 : i32
        %shift_right_arithmetic3A_1037 = arith.constant 6 : i32
        %shift_right_arithmetic3A_1038 = arith.shrsi %max3A_790, %shift_right_arithmetic3A_1037 : i32
        %and3A_1039 = arith.constant 1 : i32
        %and3A_1040 = arith.andi %shift_right_arithmetic3A_1038, %and3A_1039 : i32
        %eq3A_1041 = arith.constant 1 : i32
        %eq3A_1042 = arith.cmpi eq, %and3A_1040, %eq3A_1041 : i32
        %convert_element_type3A_1043 = arith.extui %eq3A_1042 : i1 to i32
        %cond3A_1044 = arith.constant 0 : i32
        %cond3A_1045 = arith.cmpi ne, %convert_element_type3A_1043, %cond3A_1044 : i32
        scf.if %cond3A_1045 {
          %multiple_of3A_1133 = tpu.assume_multiple %add3A_1036, 16 : i32
          %mul3A_1134 = arith.constant 32000 : i32
          %mul3A_1135 = arith.muli %rem3A_688, %mul3A_1134 : i32
          %add3A_1136 = arith.addi %mul3A_1135, %add3A_1036 : i32
          %sub3A_1137 = arith.subi %add3A_1136, %mul3A_686 : i32
          %multiple_of3A_1138 = tpu.assume_multiple %sub3A_1137, 16 : i32
          %dma_wait3A_1139 = tpu.memref_slice %arg16[%multiple_of3A_1138] : memref<64000xf32, #tpu.memory_space<vmem>> -> memref<64xf32, #tpu.memory_space<vmem>>
          %dma_wait3A_1140 = tpu.memref_slice %arg7[%reduce_sum3A_147, %multiple_of3A_1133] : memref<64x160000xf32, #tpu.memory_space<hbm>> -> memref<1x64xf32, #tpu.memory_space<hbm>>
          %dma_wait3A_1141 = tpu.memref_squeeze %dma_wait3A_1140 : memref<1x64xf32, #tpu.memory_space<hbm>> -> memref<64xf32, #tpu.memory_space<hbm>>
          %dma_wait3A_1142 = tpu.memref_slice %arg16[%multiple_of3A_1138] : memref<64000xf32, #tpu.memory_space<vmem>> -> memref<64xf32, #tpu.memory_space<vmem>>
          %dma_wait3A_1143 = tpu.memref_slice %arg7[%reduce_sum3A_147, %multiple_of3A_1133] : memref<64x160000xf32, #tpu.memory_space<hbm>> -> memref<1x64xf32, #tpu.memory_space<hbm>>
          %dma_wait3A_1144 = tpu.memref_squeeze %dma_wait3A_1143 : memref<1x64xf32, #tpu.memory_space<hbm>> -> memref<64xf32, #tpu.memory_space<hbm>>
          tpu.wait_dma2 semaphore(%arg22 : memref<!tpu.dma_semaphore, #tpu.memory_space<semaphore_mem>>) src(%dma_wait3A_1144 : memref<64xf32, #tpu.memory_space<hbm>>) dst(%dma_wait3A_1142 : memref<64xf32, #tpu.memory_space<vmem>>)
        } else {
        }
        %jit3A_1046 = arith.constant 64 : i32
        %jit3A_1047 = arith.constant 0 : i32
        %select_n3A_1048 = arith.select %eq3A_1042, %jit3A_1046, %jit3A_1047 : i32
        %add3A_1049 = arith.addi %add3A_1036, %select_n3A_1048 : i32
        %shift_right_arithmetic3A_1050 = arith.constant 5 : i32
        %shift_right_arithmetic3A_1051 = arith.shrsi %max3A_790, %shift_right_arithmetic3A_1050 : i32
        %and3A_1052 = arith.constant 1 : i32
        %and3A_1053 = arith.andi %shift_right_arithmetic3A_1051, %and3A_1052 : i32
        %eq3A_1054 = arith.constant 1 : i32
        %eq3A_1055 = arith.cmpi eq, %and3A_1053, %eq3A_1054 : i32
        %convert_element_type3A_1056 = arith.extui %eq3A_1055 : i1 to i32
        %cond3A_1057 = arith.constant 0 : i32
        %cond3A_1058 = arith.cmpi ne, %convert_element_type3A_1056, %cond3A_1057 : i32
        scf.if %cond3A_1058 {
          %multiple_of3A_1133 = tpu.assume_multiple %add3A_1049, 16 : i32
          %mul3A_1134 = arith.constant 32000 : i32
          %mul3A_1135 = arith.muli %rem3A_688, %mul3A_1134 : i32
          %add3A_1136 = arith.addi %mul3A_1135, %add3A_1049 : i32
          %sub3A_1137 = arith.subi %add3A_1136, %mul3A_686 : i32
          %multiple_of3A_1138 = tpu.assume_multiple %sub3A_1137, 16 : i32
          %dma_wait3A_1139 = tpu.memref_slice %arg16[%multiple_of3A_1138] : memref<64000xf32, #tpu.memory_space<vmem>> -> memref<32xf32, #tpu.memory_space<vmem>>
          %dma_wait3A_1140 = tpu.memref_slice %arg7[%reduce_sum3A_147, %multiple_of3A_1133] : memref<64x160000xf32, #tpu.memory_space<hbm>> -> memref<1x32xf32, #tpu.memory_space<hbm>>
          %dma_wait3A_1141 = tpu.memref_squeeze %dma_wait3A_1140 : memref<1x32xf32, #tpu.memory_space<hbm>> -> memref<32xf32, #tpu.memory_space<hbm>>
          %dma_wait3A_1142 = tpu.memref_slice %arg16[%multiple_of3A_1138] : memref<64000xf32, #tpu.memory_space<vmem>> -> memref<32xf32, #tpu.memory_space<vmem>>
          %dma_wait3A_1143 = tpu.memref_slice %arg7[%reduce_sum3A_147, %multiple_of3A_1133] : memref<64x160000xf32, #tpu.memory_space<hbm>> -> memref<1x32xf32, #tpu.memory_space<hbm>>
          %dma_wait3A_1144 = tpu.memref_squeeze %dma_wait3A_1143 : memref<1x32xf32, #tpu.memory_space<hbm>> -> memref<32xf32, #tpu.memory_space<hbm>>
          tpu.wait_dma2 semaphore(%arg22 : memref<!tpu.dma_semaphore, #tpu.memory_space<semaphore_mem>>) src(%dma_wait3A_1144 : memref<32xf32, #tpu.memory_space<hbm>>) dst(%dma_wait3A_1142 : memref<32xf32, #tpu.memory_space<vmem>>)
        } else {
        }
        %jit3A_1059 = arith.constant 32 : i32
        %jit3A_1060 = arith.constant 0 : i32
        %select_n3A_1061 = arith.select %eq3A_1055, %jit3A_1059, %jit3A_1060 : i32
        %add3A_1062 = arith.addi %add3A_1049, %select_n3A_1061 : i32
        %shift_right_arithmetic3A_1063 = arith.constant 4 : i32
        %shift_right_arithmetic3A_1064 = arith.shrsi %max3A_790, %shift_right_arithmetic3A_1063 : i32
        %and3A_1065 = arith.constant 1 : i32
        %and3A_1066 = arith.andi %shift_right_arithmetic3A_1064, %and3A_1065 : i32
        %eq3A_1067 = arith.constant 1 : i32
        %eq3A_1068 = arith.cmpi eq, %and3A_1066, %eq3A_1067 : i32
        %convert_element_type3A_1069 = arith.extui %eq3A_1068 : i1 to i32
        %cond3A_1070 = arith.constant 0 : i32
        %cond3A_1071 = arith.cmpi ne, %convert_element_type3A_1069, %cond3A_1070 : i32
        scf.if %cond3A_1071 {
          %multiple_of3A_1133 = tpu.assume_multiple %add3A_1062, 16 : i32
          %mul3A_1134 = arith.constant 32000 : i32
          %mul3A_1135 = arith.muli %rem3A_688, %mul3A_1134 : i32
          %add3A_1136 = arith.addi %mul3A_1135, %add3A_1062 : i32
          %sub3A_1137 = arith.subi %add3A_1136, %mul3A_686 : i32
          %multiple_of3A_1138 = tpu.assume_multiple %sub3A_1137, 16 : i32
          %dma_wait3A_1139 = tpu.memref_slice %arg16[%multiple_of3A_1138] : memref<64000xf32, #tpu.memory_space<vmem>> -> memref<16xf32, #tpu.memory_space<vmem>>
          %dma_wait3A_1140 = tpu.memref_slice %arg7[%reduce_sum3A_147, %multiple_of3A_1133] : memref<64x160000xf32, #tpu.memory_space<hbm>> -> memref<1x16xf32, #tpu.memory_space<hbm>>
          %dma_wait3A_1141 = tpu.memref_squeeze %dma_wait3A_1140 : memref<1x16xf32, #tpu.memory_space<hbm>> -> memref<16xf32, #tpu.memory_space<hbm>>
          %dma_wait3A_1142 = tpu.memref_slice %arg16[%multiple_of3A_1138] : memref<64000xf32, #tpu.memory_space<vmem>> -> memref<16xf32, #tpu.memory_space<vmem>>
          %dma_wait3A_1143 = tpu.memref_slice %arg7[%reduce_sum3A_147, %multiple_of3A_1133] : memref<64x160000xf32, #tpu.memory_space<hbm>> -> memref<1x16xf32, #tpu.memory_space<hbm>>
          %dma_wait3A_1144 = tpu.memref_squeeze %dma_wait3A_1143 : memref<1x16xf32, #tpu.memory_space<hbm>> -> memref<16xf32, #tpu.memory_space<hbm>>
          tpu.wait_dma2 semaphore(%arg22 : memref<!tpu.dma_semaphore, #tpu.memory_space<semaphore_mem>>) src(%dma_wait3A_1144 : memref<16xf32, #tpu.memory_space<hbm>>) dst(%dma_wait3A_1142 : memref<16xf32, #tpu.memory_space<vmem>>)
        } else {
        }
        %jit3A_1072 = arith.constant 16 : i32
        %jit3A_1073 = arith.constant 0 : i32
        %select_n3A_1074 = arith.select %eq3A_1068, %jit3A_1072, %jit3A_1073 : i32
        %add3A_1075 = arith.addi %add3A_1062, %select_n3A_1074 : i32
        %jit3A_1076 = arith.constant 16 : i32
        %div3A_1077 = arith.divsi %max3A, %jit3A_1076 : i32
        %sign3A_1078 = arith.constant 0 : i32
        %sign3A_1079 = arith.cmpi sgt, %max3A, %sign3A_1078 : i32
        %sign3A_1080 = arith.extui %sign3A_1079 : i1 to i32
        %sign3A_1081 = arith.constant 0 : i32
        %sign3A_1082 = arith.cmpi slt, %max3A, %sign3A_1081 : i32
        %sign3A_1083 = arith.extui %sign3A_1082 : i1 to i32
        %sign3A_1084 = arith.subi %sign3A_1080, %sign3A_1083 : i32
        %sign3A_1085 = arith.constant 0 : i32
        %sign3A_1086 = arith.cmpi sgt, %jit3A_1076, %sign3A_1085 : i32
        %sign3A_1087 = arith.extui %sign3A_1086 : i1 to i32
        %sign3A_1088 = arith.constant 0 : i32
        %sign3A_1089 = arith.cmpi slt, %jit3A_1076, %sign3A_1088 : i32
        %sign3A_1090 = arith.extui %sign3A_1089 : i1 to i32
        %sign3A_1091 = arith.subi %sign3A_1087, %sign3A_1090 : i32
        %ne3A_1092 = arith.cmpi ne, %sign3A_1084, %sign3A_1091 : i32
        %rem3A_1093 = arith.remsi %max3A, %jit3A_1076 : i32
        %ne3A_1094 = arith.constant 0 : i32
        %ne3A_1095 = arith.cmpi ne, %rem3A_1093, %ne3A_1094 : i32
        %and3A_1096 = arith.andi %ne3A_1092, %ne3A_1095 : i1
        %sub3A_1097 = arith.constant 1 : i32
        %sub3A_1098 = arith.subi %div3A_1077, %sub3A_1097 : i32
        %select_n3A_1099 = arith.select %and3A_1096, %sub3A_1098, %div3A_1077 : i32
        %sub3A_1100 = arith.constant 1 : i32
        %sub3A_1101 = arith.subi %min3A, %sub3A_1100 : i32
        %jit3A_1102 = arith.constant 16 : i32
        %div3A_1103 = arith.divsi %sub3A_1101, %jit3A_1102 : i32
        %sign3A_1104 = arith.constant 0 : i32
        %sign3A_1105 = arith.cmpi sgt, %sub3A_1101, %sign3A_1104 : i32
        %sign3A_1106 = arith.extui %sign3A_1105 : i1 to i32
        %sign3A_1107 = arith.constant 0 : i32
        %sign3A_1108 = arith.cmpi slt, %sub3A_1101, %sign3A_1107 : i32
        %sign3A_1109 = arith.extui %sign3A_1108 : i1 to i32
        %sign3A_1110 = arith.subi %sign3A_1106, %sign3A_1109 : i32
        %sign3A_1111 = arith.constant 0 : i32
        %sign3A_1112 = arith.cmpi sgt, %jit3A_1102, %sign3A_1111 : i32
        %sign3A_1113 = arith.extui %sign3A_1112 : i1 to i32
        %sign3A_1114 = arith.constant 0 : i32
        %sign3A_1115 = arith.cmpi slt, %jit3A_1102, %sign3A_1114 : i32
        %sign3A_1116 = arith.extui %sign3A_1115 : i1 to i32
        %sign3A_1117 = arith.subi %sign3A_1113, %sign3A_1116 : i32
        %ne3A_1118 = arith.cmpi ne, %sign3A_1110, %sign3A_1117 : i32
        %rem3A_1119 = arith.remsi %sub3A_1101, %jit3A_1102 : i32
        %ne3A_1120 = arith.constant 0 : i32
        %ne3A_1121 = arith.cmpi ne, %rem3A_1119, %ne3A_1120 : i32
        %and3A_1122 = arith.andi %ne3A_1118, %ne3A_1121 : i1
        %sub3A_1123 = arith.constant 1 : i32
        %sub3A_1124 = arith.subi %div3A_1103, %sub3A_1123 : i32
        %select_n3A_1125 = arith.select %and3A_1122, %sub3A_1124, %div3A_1103 : i32
        %convert_element_type3A_1126 = arith.extui %and3A_701 : i1 to i32
        %cond3A_1127 = arith.constant 0 : i32
        %cond3A_1128 = arith.cmpi ne, %convert_element_type3A_1126, %cond3A_1127 : i32
        scf.if %cond3A_1128 {
          %mul3A_1133 = arith.constant 16 : i32
          %mul3A_1134 = arith.muli %select_n3A_1099, %mul3A_1133 : i32
          %multiple_of3A_1135 = tpu.assume_multiple %mul3A_1134, 16 : i32
          "tpu.region"() ({
            %run_scoped3A = tpu.sem_alloc : memref<!tpu.dma_semaphore, #tpu.memory_space<semaphore_mem>>
            %dma_start3A_1158 = tpu.memref_slice %arg7[%reduce_sum3A_147, %multiple_of3A_1135] : memref<64x160000xf32, #tpu.memory_space<hbm>> -> memref<1x16xf32, #tpu.memory_space<hbm>>
            %dma_start3A_1159 = tpu.memref_squeeze %dma_start3A_1158 : memref<1x16xf32, #tpu.memory_space<hbm>> -> memref<16xf32, #tpu.memory_space<hbm>>
            %dma_start3A_1160 = tpu.memref_slice %arg7[%reduce_sum3A_147, %multiple_of3A_1135] : memref<64x160000xf32, #tpu.memory_space<hbm>> -> memref<1x16xf32, #tpu.memory_space<hbm>>
            %dma_start3A_1161 = tpu.memref_squeeze %dma_start3A_1160 : memref<1x16xf32, #tpu.memory_space<hbm>> -> memref<16xf32, #tpu.memory_space<hbm>>
            tpu.enqueue_dma source(%dma_start3A_1161 : memref<16xf32, #tpu.memory_space<hbm>>) target(%arg17 : memref<16xf32, #tpu.memory_space<vmem>>) target_semaphore(%run_scoped3A : memref<!tpu.dma_semaphore, #tpu.memory_space<semaphore_mem>>)
            %dma_wait3A_1162 = tpu.memref_slice %arg7[%reduce_sum3A_147, %multiple_of3A_1135] : memref<64x160000xf32, #tpu.memory_space<hbm>> -> memref<1x16xf32, #tpu.memory_space<hbm>>
            %dma_wait3A_1163 = tpu.memref_squeeze %dma_wait3A_1162 : memref<1x16xf32, #tpu.memory_space<hbm>> -> memref<16xf32, #tpu.memory_space<hbm>>
            %dma_wait3A_1164 = tpu.memref_slice %arg7[%reduce_sum3A_147, %multiple_of3A_1135] : memref<64x160000xf32, #tpu.memory_space<hbm>> -> memref<1x16xf32, #tpu.memory_space<hbm>>
            %dma_wait3A_1165 = tpu.memref_squeeze %dma_wait3A_1164 : memref<1x16xf32, #tpu.memory_space<hbm>> -> memref<16xf32, #tpu.memory_space<hbm>>
            tpu.wait_dma2 semaphore(%run_scoped3A : memref<!tpu.dma_semaphore, #tpu.memory_space<semaphore_mem>>) src(%dma_wait3A_1165 : memref<16xf32, #tpu.memory_space<hbm>>) dst(%arg17 : memref<16xf32, #tpu.memory_space<vmem>>)
            tpu.yield
          }) : () -> ()
          %mul3A_1136 = arith.constant 16 : i32
          %mul3A_1137 = arith.muli %select_n3A_1099, %mul3A_1136 : i32
          %add3A_1138 = vector.broadcast %mul3A_1137 : i32 to vector<16xi32>
          %add3A_1139 = arith.addi %iota3A, %add3A_1138 : vector<16xi32>
          %sub3A_1140 = vector.broadcast %reduce_sum3A_30 : i32 to vector<16xi32>
          %sub3A_1141 = arith.subi %add3A_1139, %sub3A_1140 : vector<16xi32>
          %lt3A_1142 = vector.broadcast %select_n3A_152 : i32 to vector<16xi32>
          %lt3A_1143 = arith.cmpi ult, %sub3A_1141, %lt3A_1142 : vector<16xi32>
          %mul3A_1144 = arith.constant 32000 : i32
          %mul3A_1145 = arith.muli %rem3A_688, %mul3A_1144 : i32
          %mul3A_1146 = arith.constant 16 : i32
          %mul3A_1147 = arith.muli %select_n3A_1099, %mul3A_1146 : i32
          %add3A_1148 = arith.addi %mul3A_1145, %mul3A_1147 : i32
          %sub3A_1149 = arith.subi %add3A_1148, %mul3A_686 : i32
          %multiple_of3A_1150 = tpu.assume_multiple %sub3A_1149, 16 : i32
          %get3A_1151 = arith.index_cast %multiple_of3A_1150 : i32 to index
          %get3A_1152 = tpu.vector_load %arg16[%get3A_1151] {strides = array<i32>} : memref<64000xf32, #tpu.memory_space<vmem>>, vector<16xf32>,
          %get3A_1153 = arith.constant 0 : index
          %get3A_1154 = tpu.vector_load %arg17[%get3A_1153] {strides = array<i32>} : memref<16xf32, #tpu.memory_space<vmem>>, vector<16xf32>,
          %select_n3A_1155 = arith.select %lt3A_1143, %get3A_1154, %get3A_1152 : vector<16xi1>, vector<16xf32>
          %multiple_of3A_1156 = tpu.assume_multiple %sub3A_1149, 16 : i32
          %swap3A = arith.index_cast %multiple_of3A_1156 : i32 to index
          %swap3A_1157 = tpu.vector_load %arg16[%swap3A] {strides = array<i32>} : memref<64000xf32, #tpu.memory_space<vmem>>, vector<16xf32>,
          tpu.vector_store %arg16[%swap3A], %select_n3A_1155 {strides = array<i32>} : memref<64000xf32, #tpu.memory_space<vmem>>, vector<16xf32>,
        } else {
        }
        %ne3A_1129 = arith.cmpi ne, %select_n3A_1125, %select_n3A_1099 : i32
        %convert_element_type3A_1130 = arith.extui %ne3A_1129 : i1 to i32
        %cond3A_1131 = arith.constant 0 : i32
        %cond3A_1132 = arith.cmpi ne, %convert_element_type3A_1130, %cond3A_1131 : i32
        scf.if %cond3A_1132 {
          %mul3A_1133 = arith.constant 16 : i32
          %mul3A_1134 = arith.muli %select_n3A_1125, %mul3A_1133 : i32
          %multiple_of3A_1135 = tpu.assume_multiple %mul3A_1134, 16 : i32
          "tpu.region"() ({
            %run_scoped3A = tpu.sem_alloc : memref<!tpu.dma_semaphore, #tpu.memory_space<semaphore_mem>>
            %dma_start3A_1158 = tpu.memref_slice %arg7[%reduce_sum3A_147, %multiple_of3A_1135] : memref<64x160000xf32, #tpu.memory_space<hbm>> -> memref<1x16xf32, #tpu.memory_space<hbm>>
            %dma_start3A_1159 = tpu.memref_squeeze %dma_start3A_1158 : memref<1x16xf32, #tpu.memory_space<hbm>> -> memref<16xf32, #tpu.memory_space<hbm>>
            %dma_start3A_1160 = tpu.memref_slice %arg7[%reduce_sum3A_147, %multiple_of3A_1135] : memref<64x160000xf32, #tpu.memory_space<hbm>> -> memref<1x16xf32, #tpu.memory_space<hbm>>
            %dma_start3A_1161 = tpu.memref_squeeze %dma_start3A_1160 : memref<1x16xf32, #tpu.memory_space<hbm>> -> memref<16xf32, #tpu.memory_space<hbm>>
            tpu.enqueue_dma source(%dma_start3A_1161 : memref<16xf32, #tpu.memory_space<hbm>>) target(%arg17 : memref<16xf32, #tpu.memory_space<vmem>>) target_semaphore(%run_scoped3A : memref<!tpu.dma_semaphore, #tpu.memory_space<semaphore_mem>>)
            %dma_wait3A_1162 = tpu.memref_slice %arg7[%reduce_sum3A_147, %multiple_of3A_1135] : memref<64x160000xf32, #tpu.memory_space<hbm>> -> memref<1x16xf32, #tpu.memory_space<hbm>>
            %dma_wait3A_1163 = tpu.memref_squeeze %dma_wait3A_1162 : memref<1x16xf32, #tpu.memory_space<hbm>> -> memref<16xf32, #tpu.memory_space<hbm>>
            %dma_wait3A_1164 = tpu.memref_slice %arg7[%reduce_sum3A_147, %multiple_of3A_1135] : memref<64x160000xf32, #tpu.memory_space<hbm>> -> memref<1x16xf32, #tpu.memory_space<hbm>>
            %dma_wait3A_1165 = tpu.memref_squeeze %dma_wait3A_1164 : memref<1x16xf32, #tpu.memory_space<hbm>> -> memref<16xf32, #tpu.memory_space<hbm>>
            tpu.wait_dma2 semaphore(%run_scoped3A : memref<!tpu.dma_semaphore, #tpu.memory_space<semaphore_mem>>) src(%dma_wait3A_1165 : memref<16xf32, #tpu.memory_space<hbm>>) dst(%arg17 : memref<16xf32, #tpu.memory_space<vmem>>)
            tpu.yield
          }) : () -> ()
          %mul3A_1136 = arith.constant 16 : i32
          %mul3A_1137 = arith.muli %select_n3A_1125, %mul3A_1136 : i32
          %add3A_1138 = vector.broadcast %mul3A_1137 : i32 to vector<16xi32>
          %add3A_1139 = arith.addi %iota3A, %add3A_1138 : vector<16xi32>
          %sub3A_1140 = vector.broadcast %reduce_sum3A_30 : i32 to vector<16xi32>
          %sub3A_1141 = arith.subi %add3A_1139, %sub3A_1140 : vector<16xi32>
          %lt3A_1142 = vector.broadcast %select_n3A_152 : i32 to vector<16xi32>
          %lt3A_1143 = arith.cmpi ult, %sub3A_1141, %lt3A_1142 : vector<16xi32>
          %mul3A_1144 = arith.constant 32000 : i32
          %mul3A_1145 = arith.muli %rem3A_688, %mul3A_1144 : i32
          %mul3A_1146 = arith.constant 16 : i32
          %mul3A_1147 = arith.muli %select_n3A_1125, %mul3A_1146 : i32
          %add3A_1148 = arith.addi %mul3A_1145, %mul3A_1147 : i32
          %sub3A_1149 = arith.subi %add3A_1148, %mul3A_686 : i32
          %multiple_of3A_1150 = tpu.assume_multiple %sub3A_1149, 16 : i32
          %get3A_1151 = arith.index_cast %multiple_of3A_1150 : i32 to index
          %get3A_1152 = tpu.vector_load %arg16[%get3A_1151] {strides = array<i32>} : memref<64000xf32, #tpu.memory_space<vmem>>, vector<16xf32>,
          %get3A_1153 = arith.constant 0 : index
          %get3A_1154 = tpu.vector_load %arg17[%get3A_1153] {strides = array<i32>} : memref<16xf32, #tpu.memory_space<vmem>>, vector<16xf32>,
          %select_n3A_1155 = arith.select %lt3A_1143, %get3A_1154, %get3A_1152 : vector<16xi1>, vector<16xf32>
          %multiple_of3A_1156 = tpu.assume_multiple %sub3A_1149, 16 : i32
          %swap3A = arith.index_cast %multiple_of3A_1156 : i32 to index
          %swap3A_1157 = tpu.vector_load %arg16[%swap3A] {strides = array<i32>} : memref<64000xf32, #tpu.memory_space<vmem>>, vector<16xf32>,
          tpu.vector_store %arg16[%swap3A], %select_n3A_1155 {strides = array<i32>} : memref<64000xf32, #tpu.memory_space<vmem>>, vector<16xf32>,
        } else {
        }
      } else {
      }
      %mul3A_703 = arith.constant 32000 : i32
      %mul3A_704 = arith.muli %scan3A_661, %mul3A_703 : i32
      %rem3A_705 = arith.constant 2 : i32
      %rem3A_706 = arith.remsi %scan3A_661, %rem3A_705 : i32
      %mul3A_707 = arith.constant 32000 : i32
      %mul3A_708 = arith.muli %rem3A_706, %mul3A_707 : i32
      %multiple_of3A_709 = tpu.assume_multiple %mul3A_708, 16 : i32
      %multiple_of3A_710 = tpu.assume_multiple %mul3A_704, 16 : i32
      %dma_start3A_711 = tpu.memref_slice %arg16[%multiple_of3A_709] : memref<64000xf32, #tpu.memory_space<vmem>> -> memref<32000xf32, #tpu.memory_space<vmem>>
      %dma_start3A_712 = tpu.memref_slice %arg9[%add3A_4, %multiple_of3A_710] : memref<64x160000xf32, #tpu.memory_space<hbm>> -> memref<1x32000xf32, #tpu.memory_space<hbm>>
      %dma_start3A_713 = tpu.memref_squeeze %dma_start3A_712 : memref<1x32000xf32, #tpu.memory_space<hbm>> -> memref<32000xf32, #tpu.memory_space<hbm>>
      %dma_start3A_714 = tpu.memref_slice %arg21[%rem3A_706] : memref<2x!tpu.dma_semaphore, #tpu.memory_space<semaphore_mem>> -> memref<1x!tpu.dma_semaphore, #tpu.memory_space<semaphore_mem>>
      %dma_start3A_715 = tpu.memref_squeeze %dma_start3A_714 : memref<1x!tpu.dma_semaphore, #tpu.memory_space<semaphore_mem>> -> memref<!tpu.dma_semaphore, #tpu.memory_space<semaphore_mem>>
      %dma_start3A_716 = tpu.memref_slice %arg9[%add3A_4, %multiple_of3A_710] : memref<64x160000xf32, #tpu.memory_space<hbm>> -> memref<1x32000xf32, #tpu.memory_space<hbm>>
      %dma_start3A_717 = tpu.memref_squeeze %dma_start3A_716 : memref<1x32000xf32, #tpu.memory_space<hbm>> -> memref<32000xf32, #tpu.memory_space<hbm>>
      %dma_start3A_718 = tpu.memref_slice %arg16[%multiple_of3A_709] : memref<64000xf32, #tpu.memory_space<vmem>> -> memref<32000xf32, #tpu.memory_space<vmem>>
      tpu.enqueue_dma source(%dma_start3A_718 : memref<32000xf32, #tpu.memory_space<vmem>>) target(%dma_start3A_717 : memref<32000xf32, #tpu.memory_space<hbm>>) target_semaphore(%dma_start3A_715 : memref<!tpu.dma_semaphore, #tpu.memory_space<semaphore_mem>>)
      %ge3A_719 = arith.constant 1 : i32
      %ge3A_720 = arith.cmpi sge, %scan3A_661, %ge3A_719 : i32
      %convert_element_type3A_721 = arith.extui %ge3A_720 : i1 to i32
      %cond3A_722 = arith.constant 0 : i32
      %cond3A_723 = arith.cmpi ne, %convert_element_type3A_721, %cond3A_722 : i32
      scf.if %cond3A_723 {
        %sub3A_732 = arith.constant 1 : i32
        %sub3A_733 = arith.subi %scan3A_661, %sub3A_732 : i32
        %mul3A_734 = arith.constant 32000 : i32
        %mul3A_735 = arith.muli %sub3A_733, %mul3A_734 : i32
        %rem3A_736 = arith.constant 2 : i32
        %rem3A_737 = arith.remsi %sub3A_733, %rem3A_736 : i32
        %mul3A_738 = arith.constant 32000 : i32
        %mul3A_739 = arith.muli %rem3A_737, %mul3A_738 : i32
        %multiple_of3A_740 = tpu.assume_multiple %mul3A_739, 16 : i32
        %multiple_of3A_741 = tpu.assume_multiple %mul3A_735, 16 : i32
        %dma_wait3A_742 = tpu.memref_slice %arg16[%multiple_of3A_740] : memref<64000xf32, #tpu.memory_space<vmem>> -> memref<32000xf32, #tpu.memory_space<vmem>>
        %dma_wait3A_743 = tpu.memref_slice %arg9[%add3A_4, %multiple_of3A_741] : memref<64x160000xf32, #tpu.memory_space<hbm>> -> memref<1x32000xf32, #tpu.memory_space<hbm>>
        %dma_wait3A_744 = tpu.memref_squeeze %dma_wait3A_743 : memref<1x32000xf32, #tpu.memory_space<hbm>> -> memref<32000xf32, #tpu.memory_space<hbm>>
        %dma_wait3A_745 = tpu.memref_slice %arg21[%rem3A_737] : memref<2x!tpu.dma_semaphore, #tpu.memory_space<semaphore_mem>> -> memref<1x!tpu.dma_semaphore, #tpu.memory_space<semaphore_mem>>
        %dma_wait3A_746 = tpu.memref_squeeze %dma_wait3A_745 : memref<1x!tpu.dma_semaphore, #tpu.memory_space<semaphore_mem>> -> memref<!tpu.dma_semaphore, #tpu.memory_space<semaphore_mem>>
        %dma_wait3A_747 = tpu.memref_slice %arg9[%add3A_4, %multiple_of3A_741] : memref<64x160000xf32, #tpu.memory_space<hbm>> -> memref<1x32000xf32, #tpu.memory_space<hbm>>
        %dma_wait3A_748 = tpu.memref_squeeze %dma_wait3A_747 : memref<1x32000xf32, #tpu.memory_space<hbm>> -> memref<32000xf32, #tpu.memory_space<hbm>>
        %dma_wait3A_749 = tpu.memref_slice %arg16[%multiple_of3A_740] : memref<64000xf32, #tpu.memory_space<vmem>> -> memref<32000xf32, #tpu.memory_space<vmem>>
        tpu.wait_dma2 semaphore(%dma_wait3A_746 : memref<!tpu.dma_semaphore, #tpu.memory_space<semaphore_mem>>) src(%dma_wait3A_749 : memref<32000xf32, #tpu.memory_space<vmem>>) dst(%dma_wait3A_748 : memref<32000xf32, #tpu.memory_space<hbm>>)
      } else {
      }
      %add3A_724 = arith.constant 1 : i32
      %add3A_725 = arith.addi %scan3A_661, %add3A_724 : i32
      %lt3A_726 = arith.constant 5 : i32
      %lt3A_727 = arith.cmpi slt, %add3A_725, %lt3A_726 : i32
      %convert_element_type3A_728 = arith.extui %lt3A_727 : i1 to i32
      %cond3A_729 = arith.constant 0 : i32
      %cond3A_730 = arith.cmpi ne, %convert_element_type3A_728, %cond3A_729 : i32
      scf.if %cond3A_730 {
        %add3A_732 = arith.constant 1 : i32
        %add3A_733 = arith.addi %scan3A_661, %add3A_732 : i32
        %mul3A_734 = arith.constant 32000 : i32
        %mul3A_735 = arith.muli %add3A_733, %mul3A_734 : i32
        %le3A_736 = arith.cmpi sle, %reduce_sum3A_30, %mul3A_735 : i32
        %add3A_737 = arith.constant 32000 : i32
        %add3A_738 = arith.addi %mul3A_735, %add3A_737 : i32
        %ge3A_739 = arith.cmpi sge, %add3A_153, %add3A_738 : i32
        %and3A_740 = arith.andi %le3A_736, %ge3A_739 : i1
        %select_n3A_741 = arith.select %and3A_740, %reduce_sum3A_147, %add3A_4 : i32
        %rem3A_742 = arith.constant 2 : i32
        %rem3A_743 = arith.remsi %add3A_733, %rem3A_742 : i32
        %multiple_of3A_744 = tpu.assume_multiple %mul3A_735, 16 : i32
        %mul3A_745 = arith.constant 32000 : i32
        %mul3A_746 = arith.muli %rem3A_743, %mul3A_745 : i32
        %multiple_of3A_747 = tpu.assume_multiple %mul3A_746, 16 : i32
        %dma_start3A_748 = tpu.memref_slice %arg16[%multiple_of3A_747] : memref<64000xf32, #tpu.memory_space<vmem>> -> memref<32000xf32, #tpu.memory_space<vmem>>
        %dma_start3A_749 = tpu.memref_slice %arg7[%select_n3A_741, %multiple_of3A_744] : memref<64x160000xf32, #tpu.memory_space<hbm>> -> memref<1x32000xf32, #tpu.memory_space<hbm>>
        %dma_start3A_750 = tpu.memref_squeeze %dma_start3A_749 : memref<1x32000xf32, #tpu.memory_space<hbm>> -> memref<32000xf32, #tpu.memory_space<hbm>>
        %dma_start3A_751 = tpu.memref_slice %arg20[%rem3A_743] : memref<2x!tpu.dma_semaphore, #tpu.memory_space<semaphore_mem>> -> memref<1x!tpu.dma_semaphore, #tpu.memory_space<semaphore_mem>>
        %dma_start3A_752 = tpu.memref_squeeze %dma_start3A_751 : memref<1x!tpu.dma_semaphore, #tpu.memory_space<semaphore_mem>> -> memref<!tpu.dma_semaphore, #tpu.memory_space<semaphore_mem>>
        %dma_start3A_753 = tpu.memref_slice %arg16[%multiple_of3A_747] : memref<64000xf32, #tpu.memory_space<vmem>> -> memref<32000xf32, #tpu.memory_space<vmem>>
        %dma_start3A_754 = tpu.memref_slice %arg7[%select_n3A_741, %multiple_of3A_744] : memref<64x160000xf32, #tpu.memory_space<hbm>> -> memref<1x32000xf32, #tpu.memory_space<hbm>>
        %dma_start3A_755 = tpu.memref_squeeze %dma_start3A_754 : memref<1x32000xf32, #tpu.memory_space<hbm>> -> memref<32000xf32, #tpu.memory_space<hbm>>
        tpu.enqueue_dma source(%dma_start3A_755 : memref<32000xf32, #tpu.memory_space<hbm>>) target(%dma_start3A_753 : memref<32000xf32, #tpu.memory_space<vmem>>) target_semaphore(%dma_start3A_752 : memref<!tpu.dma_semaphore, #tpu.memory_space<semaphore_mem>>)
      } else {
      }
      %scan3A_731 = arith.constant 0 : i32
      scf.yield %scan3A_731 : i32
    }
    %scan3A_306 = arith.constant 5 : i32
    %rem3A_307 = arith.constant 4 : i32
    %rem3A_308 = arith.constant 2 : i32
    %rem3A_309 = arith.remsi %rem3A_307, %rem3A_308 : i32
    %mul3A_310 = arith.constant 32000 : i32
    %mul3A_311 = arith.muli %rem3A_309, %mul3A_310 : i32
    %multiple_of3A_312 = tpu.assume_multiple %mul3A_311, 16 : i32
    %multiple_of3A_313 = arith.constant 128000 : i32
    %multiple_of3A_314 = tpu.assume_multiple %multiple_of3A_313, 16 : i32
    %dma_wait3A = tpu.memref_slice %arg16[%multiple_of3A_312] : memref<64000xf32, #tpu.memory_space<vmem>> -> memref<32000xf32, #tpu.memory_space<vmem>>
    %dma_wait3A_315 = tpu.memref_slice %arg9[%add3A_4, %multiple_of3A_314] : memref<64x160000xf32, #tpu.memory_space<hbm>> -> memref<1x32000xf32, #tpu.memory_space<hbm>>
    %dma_wait3A_316 = tpu.memref_squeeze %dma_wait3A_315 : memref<1x32000xf32, #tpu.memory_space<hbm>> -> memref<32000xf32, #tpu.memory_space<hbm>>
    %dma_wait3A_317 = tpu.memref_slice %arg21[%rem3A_309] : memref<2x!tpu.dma_semaphore, #tpu.memory_space<semaphore_mem>> -> memref<1x!tpu.dma_semaphore, #tpu.memory_space<semaphore_mem>>
    %dma_wait3A_318 = tpu.memref_squeeze %dma_wait3A_317 : memref<1x!tpu.dma_semaphore, #tpu.memory_space<semaphore_mem>> -> memref<!tpu.dma_semaphore, #tpu.memory_space<semaphore_mem>>
    %dma_wait3A_319 = tpu.memref_slice %arg9[%add3A_4, %multiple_of3A_314] : memref<64x160000xf32, #tpu.memory_space<hbm>> -> memref<1x32000xf32, #tpu.memory_space<hbm>>
    %dma_wait3A_320 = tpu.memref_squeeze %dma_wait3A_319 : memref<1x32000xf32, #tpu.memory_space<hbm>> -> memref<32000xf32, #tpu.memory_space<hbm>>
    %dma_wait3A_321 = tpu.memref_slice %arg16[%multiple_of3A_312] : memref<64000xf32, #tpu.memory_space<vmem>> -> memref<32000xf32, #tpu.memory_space<vmem>>
    tpu.wait_dma2 semaphore(%dma_wait3A_318 : memref<!tpu.dma_semaphore, #tpu.memory_space<semaphore_mem>>) src(%dma_wait3A_321 : memref<32000xf32, #tpu.memory_space<vmem>>) dst(%dma_wait3A_320 : memref<32000xf32, #tpu.memory_space<hbm>>)
    %mul3A_322 = arith.constant 2 : i32
    %mul3A_323 = arith.muli %add3A, %mul3A_322 : i32
    %add3A_324 = arith.constant 1 : i32
    %add3A_325 = arith.addi %mul3A_323, %add3A_324 : i32
    %jit3A_326 = arith.constant 16 : i32
    %div3A_327 = arith.divsi %add3A_325, %jit3A_326 : i32
    %sign3A_328 = arith.constant 0 : i32
    %sign3A_329 = arith.cmpi sgt, %add3A_325, %sign3A_328 : i32
    %sign3A_330 = arith.extui %sign3A_329 : i1 to i32
    %sign3A_331 = arith.constant 0 : i32
    %sign3A_332 = arith.cmpi slt, %add3A_325, %sign3A_331 : i32
    %sign3A_333 = arith.extui %sign3A_332 : i1 to i32
    %sign3A_334 = arith.subi %sign3A_330, %sign3A_333 : i32
    %sign3A_335 = arith.constant 0 : i32
    %sign3A_336 = arith.cmpi sgt, %jit3A_326, %sign3A_335 : i32
    %sign3A_337 = arith.extui %sign3A_336 : i1 to i32
    %sign3A_338 = arith.constant 0 : i32
    %sign3A_339 = arith.cmpi slt, %jit3A_326, %sign3A_338 : i32
    %sign3A_340 = arith.extui %sign3A_339 : i1 to i32
    %sign3A_341 = arith.subi %sign3A_337, %sign3A_340 : i32
    %ne3A_342 = arith.cmpi ne, %sign3A_334, %sign3A_341 : i32
    %rem3A_343 = arith.remsi %add3A_325, %jit3A_326 : i32
    %ne3A_344 = arith.constant 0 : i32
    %ne3A_345 = arith.cmpi ne, %rem3A_343, %ne3A_344 : i32
    %and3A_346 = arith.andi %ne3A_342, %ne3A_345 : i1
    %sub3A_347 = arith.constant 1 : i32
    %sub3A_348 = arith.subi %div3A_327, %sub3A_347 : i32
    %select_n3A_349 = arith.select %and3A_346, %sub3A_348, %div3A_327 : i32
    %mul3A_350 = arith.constant 16 : i32
    %mul3A_351 = arith.muli %select_n3A_349, %mul3A_350 : i32
    %multiple_of3A_352 = tpu.assume_multiple %mul3A_351, 16 : i32
    %get3A_353 = arith.index_cast %multiple_of3A_352 : i32 to index
    %get3A_354 = tpu.vector_load %arg11[%get3A_353] {strides = array<i32>} : memref<64xi32, #tpu.memory_space<vmem>>, vector<16xi32>,
    %sub3A_355 = arith.subi %add3A_325, %mul3A_351 : i32
    %eq3A_356 = vector.broadcast %sub3A_355 : i32 to vector<16xi32>
    %eq3A_357 = arith.cmpi eq, %iota3A, %eq3A_356 : vector<16xi32>
    %broadcast_in_dim3A_358 = arith.constant 0 : i32
    %broadcast_in_dim3A_359 = vector.broadcast %broadcast_in_dim3A_358 : i32 to vector<16xi32>
    %select_n3A_360 = arith.select %eq3A_357, %get3A_354, %broadcast_in_dim3A_359 : vector<16xi1>, vector<16xi32>
    %reduce_sum3A_361 = arith.constant true
    %reduce_sum3A_362 = vector.broadcast %reduce_sum3A_361 : i1 to vector<16xi1>
    %reduce_sum3A_363 = tpu.scan <sum>, %select_n3A_360 masked %reduce_sum3A_362 : vector<16xi32>, vector<16xi1> -> vector<16xi32>
    %reduce_sum3A_364 = vector.extract %reduce_sum3A_363[15] : i32 from vector<16xi32>
    %jit3A_365 = arith.constant 16 : i32
    %div3A_366 = arith.divsi %add3A_325, %jit3A_365 : i32
    %sign3A_367 = arith.constant 0 : i32
    %sign3A_368 = arith.cmpi sgt, %add3A_325, %sign3A_367 : i32
    %sign3A_369 = arith.extui %sign3A_368 : i1 to i32
    %sign3A_370 = arith.constant 0 : i32
    %sign3A_371 = arith.cmpi slt, %add3A_325, %sign3A_370 : i32
    %sign3A_372 = arith.extui %sign3A_371 : i1 to i32
    %sign3A_373 = arith.subi %sign3A_369, %sign3A_372 : i32
    %sign3A_374 = arith.constant 0 : i32
    %sign3A_375 = arith.cmpi sgt, %jit3A_365, %sign3A_374 : i32
    %sign3A_376 = arith.extui %sign3A_375 : i1 to i32
    %sign3A_377 = arith.constant 0 : i32
    %sign3A_378 = arith.cmpi slt, %jit3A_365, %sign3A_377 : i32
    %sign3A_379 = arith.extui %sign3A_378 : i1 to i32
    %sign3A_380 = arith.subi %sign3A_376, %sign3A_379 : i32
    %ne3A_381 = arith.cmpi ne, %sign3A_373, %sign3A_380 : i32
    %rem3A_382 = arith.remsi %add3A_325, %jit3A_365 : i32
    %ne3A_383 = arith.constant 0 : i32
    %ne3A_384 = arith.cmpi ne, %rem3A_382, %ne3A_383 : i32
    %and3A_385 = arith.andi %ne3A_381, %ne3A_384 : i1
    %sub3A_386 = arith.constant 1 : i32
    %sub3A_387 = arith.subi %div3A_366, %sub3A_386 : i32
    %select_n3A_388 = arith.select %and3A_385, %sub3A_387, %div3A_366 : i32
    %mul3A_389 = arith.constant 16 : i32
    %mul3A_390 = arith.muli %select_n3A_388, %mul3A_389 : i32
    %multiple_of3A_391 = tpu.assume_multiple %mul3A_390, 16 : i32
    %get3A_392 = arith.index_cast %multiple_of3A_391 : i32 to index
    %get3A_393 = tpu.vector_load %arg12[%get3A_392] {strides = array<i32>} : memref<64xi32, #tpu.memory_space<vmem>>, vector<16xi32>,
    %sub3A_394 = arith.subi %add3A_325, %mul3A_390 : i32
    %eq3A_395 = vector.broadcast %sub3A_394 : i32 to vector<16xi32>
    %eq3A_396 = arith.cmpi eq, %iota3A, %eq3A_395 : vector<16xi32>
    %broadcast_in_dim3A_397 = arith.constant 0 : i32
    %broadcast_in_dim3A_398 = vector.broadcast %broadcast_in_dim3A_397 : i32 to vector<16xi32>
    %select_n3A_399 = arith.select %eq3A_396, %get3A_393, %broadcast_in_dim3A_398 : vector<16xi1>, vector<16xi32>
    %reduce_sum3A_400 = arith.constant true
    %reduce_sum3A_401 = vector.broadcast %reduce_sum3A_400 : i1 to vector<16xi1>
    %reduce_sum3A_402 = tpu.scan <sum>, %select_n3A_399 masked %reduce_sum3A_401 : vector<16xi32>, vector<16xi1> -> vector<16xi32>
    %reduce_sum3A_403 = vector.extract %reduce_sum3A_402[15] : i32 from vector<16xi32>
    %jit3A_404 = arith.constant 16 : i32
    %div3A_405 = arith.divsi %add3A_325, %jit3A_404 : i32
    %sign3A_406 = arith.constant 0 : i32
    %sign3A_407 = arith.cmpi sgt, %add3A_325, %sign3A_406 : i32
    %sign3A_408 = arith.extui %sign3A_407 : i1 to i32
    %sign3A_409 = arith.constant 0 : i32
    %sign3A_410 = arith.cmpi slt, %add3A_325, %sign3A_409 : i32
    %sign3A_411 = arith.extui %sign3A_410 : i1 to i32
    %sign3A_412 = arith.subi %sign3A_408, %sign3A_411 : i32
    %sign3A_413 = arith.constant 0 : i32
    %sign3A_414 = arith.cmpi sgt, %jit3A_404, %sign3A_413 : i32
    %sign3A_415 = arith.extui %sign3A_414 : i1 to i32
    %sign3A_416 = arith.constant 0 : i32
    %sign3A_417 = arith.cmpi slt, %jit3A_404, %sign3A_416 : i32
    %sign3A_418 = arith.extui %sign3A_417 : i1 to i32
    %sign3A_419 = arith.subi %sign3A_415, %sign3A_418 : i32
    %ne3A_420 = arith.cmpi ne, %sign3A_412, %sign3A_419 : i32
    %rem3A_421 = arith.remsi %add3A_325, %jit3A_404 : i32
    %ne3A_422 = arith.constant 0 : i32
    %ne3A_423 = arith.cmpi ne, %rem3A_421, %ne3A_422 : i32
    %and3A_424 = arith.andi %ne3A_420, %ne3A_423 : i1
    %sub3A_425 = arith.constant 1 : i32
    %sub3A_426 = arith.subi %div3A_405, %sub3A_425 : i32
    %select_n3A_427 = arith.select %and3A_424, %sub3A_426, %div3A_405 : i32
    %mul3A_428 = arith.constant 16 : i32
    %mul3A_429 = arith.muli %select_n3A_427, %mul3A_428 : i32
    %multiple_of3A_430 = tpu.assume_multiple %mul3A_429, 16 : i32
    %get3A_431 = arith.index_cast %multiple_of3A_430 : i32 to index
    %get3A_432 = tpu.vector_load %arg13[%get3A_431] {strides = array<i32>} : memref<64xi32, #tpu.memory_space<vmem>>, vector<16xi32>,
    %sub3A_433 = arith.subi %add3A_325, %mul3A_429 : i32
    %eq3A_434 = vector.broadcast %sub3A_433 : i32 to vector<16xi32>
    %eq3A_435 = arith.cmpi eq, %iota3A, %eq3A_434 : vector<16xi32>
    %broadcast_in_dim3A_436 = arith.constant 0 : i32
    %broadcast_in_dim3A_437 = vector.broadcast %broadcast_in_dim3A_436 : i32 to vector<16xi32>
    %select_n3A_438 = arith.select %eq3A_435, %get3A_432, %broadcast_in_dim3A_437 : vector<16xi1>, vector<16xi32>
    %reduce_sum3A_439 = arith.constant true
    %reduce_sum3A_440 = vector.broadcast %reduce_sum3A_439 : i1 to vector<16xi1>
    %reduce_sum3A_441 = tpu.scan <sum>, %select_n3A_438 masked %reduce_sum3A_440 : vector<16xi32>, vector<16xi1> -> vector<16xi32>
    %reduce_sum3A_442 = vector.extract %reduce_sum3A_441[15] : i32 from vector<16xi32>
    %jit3A_443 = arith.constant 16 : i32
    %div3A_444 = arith.divsi %add3A_325, %jit3A_443 : i32
    %sign3A_445 = arith.constant 0 : i32
    %sign3A_446 = arith.cmpi sgt, %add3A_325, %sign3A_445 : i32
    %sign3A_447 = arith.extui %sign3A_446 : i1 to i32
    %sign3A_448 = arith.constant 0 : i32
    %sign3A_449 = arith.cmpi slt, %add3A_325, %sign3A_448 : i32
    %sign3A_450 = arith.extui %sign3A_449 : i1 to i32
    %sign3A_451 = arith.subi %sign3A_447, %sign3A_450 : i32
    %sign3A_452 = arith.constant 0 : i32
    %sign3A_453 = arith.cmpi sgt, %jit3A_443, %sign3A_452 : i32
    %sign3A_454 = arith.extui %sign3A_453 : i1 to i32
    %sign3A_455 = arith.constant 0 : i32
    %sign3A_456 = arith.cmpi slt, %jit3A_443, %sign3A_455 : i32
    %sign3A_457 = arith.extui %sign3A_456 : i1 to i32
    %sign3A_458 = arith.subi %sign3A_454, %sign3A_457 : i32
    %ne3A_459 = arith.cmpi ne, %sign3A_451, %sign3A_458 : i32
    %rem3A_460 = arith.remsi %add3A_325, %jit3A_443 : i32
    %ne3A_461 = arith.constant 0 : i32
    %ne3A_462 = arith.cmpi ne, %rem3A_460, %ne3A_461 : i32
    %and3A_463 = arith.andi %ne3A_459, %ne3A_462 : i1
    %sub3A_464 = arith.constant 1 : i32
    %sub3A_465 = arith.subi %div3A_444, %sub3A_464 : i32
    %select_n3A_466 = arith.select %and3A_463, %sub3A_465, %div3A_444 : i32
    %mul3A_467 = arith.constant 16 : i32
    %mul3A_468 = arith.muli %select_n3A_466, %mul3A_467 : i32
    %multiple_of3A_469 = tpu.assume_multiple %mul3A_468, 16 : i32
    %get3A_470 = arith.index_cast %multiple_of3A_469 : i32 to index
    %get3A_471 = tpu.vector_load %arg14[%get3A_470] {strides = array<i32>} : memref<64xi32, #tpu.memory_space<vmem>>, vector<16xi32>,
    %sub3A_472 = arith.subi %add3A_325, %mul3A_468 : i32
    %eq3A_473 = vector.broadcast %sub3A_472 : i32 to vector<16xi32>
    %eq3A_474 = arith.cmpi eq, %iota3A, %eq3A_473 : vector<16xi32>
    %broadcast_in_dim3A_475 = arith.constant 0 : i32
    %broadcast_in_dim3A_476 = vector.broadcast %broadcast_in_dim3A_475 : i32 to vector<16xi32>
    %select_n3A_477 = arith.select %eq3A_474, %get3A_471, %broadcast_in_dim3A_476 : vector<16xi1>, vector<16xi32>
    %reduce_sum3A_478 = arith.constant true
    %reduce_sum3A_479 = vector.broadcast %reduce_sum3A_478 : i1 to vector<16xi1>
    %reduce_sum3A_480 = tpu.scan <sum>, %select_n3A_477 masked %reduce_sum3A_479 : vector<16xi32>, vector<16xi1> -> vector<16xi32>
    %reduce_sum3A_481 = vector.extract %reduce_sum3A_480[15] : i32 from vector<16xi32>
    %eq3A_482 = arith.constant 1 : i32
    %eq3A_483 = arith.cmpi eq, %reduce_sum3A_442, %eq3A_482 : i32
    %sub3A_484 = arith.subi %reduce_sum3A_403, %reduce_sum3A_364 : i32
    %jit3A_485 = arith.constant 0 : i32
    %select_n3A_486 = arith.select %eq3A_483, %sub3A_484, %jit3A_485 : i32
    %add3A_487 = arith.addi %reduce_sum3A_364, %select_n3A_486 : i32
    %le3A_488 = arith.constant 0 : i32
    %le3A_489 = arith.cmpi sle, %reduce_sum3A_364, %le3A_488 : i32
    %ge3A_490 = arith.constant 32000 : i32
    %ge3A_491 = arith.cmpi sge, %add3A_487, %ge3A_490 : i32
    %and3A_492 = arith.andi %le3A_489, %ge3A_491 : i1
    %select_n3A_493 = arith.select %and3A_492, %reduce_sum3A_481, %add3A_325 : i32
    %rem3A_494 = arith.constant 0 : i32
    %rem3A_495 = arith.constant 2 : i32
    %rem3A_496 = arith.remsi %rem3A_494, %rem3A_495 : i32
    %multiple_of3A_497 = arith.constant 0 : i32
    %multiple_of3A_498 = tpu.assume_multiple %multiple_of3A_497, 16 : i32
    %mul3A_499 = arith.constant 32000 : i32
    %mul3A_500 = arith.muli %rem3A_496, %mul3A_499 : i32
    %multiple_of3A_501 = tpu.assume_multiple %mul3A_500, 16 : i32
    %dma_start3A_502 = tpu.memref_slice %arg16[%multiple_of3A_501] : memref<64000xf32, #tpu.memory_space<vmem>> -> memref<32000xf32, #tpu.memory_space<vmem>>
    %dma_start3A_503 = tpu.memref_slice %arg7[%select_n3A_493, %multiple_of3A_498] : memref<64x160000xf32, #tpu.memory_space<hbm>> -> memref<1x32000xf32, #tpu.memory_space<hbm>>
    %dma_start3A_504 = tpu.memref_squeeze %dma_start3A_503 : memref<1x32000xf32, #tpu.memory_space<hbm>> -> memref<32000xf32, #tpu.memory_space<hbm>>
    %dma_start3A_505 = tpu.memref_slice %arg20[%rem3A_496] : memref<2x!tpu.dma_semaphore, #tpu.memory_space<semaphore_mem>> -> memref<1x!tpu.dma_semaphore, #tpu.memory_space<semaphore_mem>>
    %dma_start3A_506 = tpu.memref_squeeze %dma_start3A_505 : memref<1x!tpu.dma_semaphore, #tpu.memory_space<semaphore_mem>> -> memref<!tpu.dma_semaphore, #tpu.memory_space<semaphore_mem>>
    %dma_start3A_507 = tpu.memref_slice %arg16[%multiple_of3A_501] : memref<64000xf32, #tpu.memory_space<vmem>> -> memref<32000xf32, #tpu.memory_space<vmem>>
    %dma_start3A_508 = tpu.memref_slice %arg7[%select_n3A_493, %multiple_of3A_498] : memref<64x160000xf32, #tpu.memory_space<hbm>> -> memref<1x32000xf32, #tpu.memory_space<hbm>>
    %dma_start3A_509 = tpu.memref_squeeze %dma_start3A_508 : memref<1x32000xf32, #tpu.memory_space<hbm>> -> memref<32000xf32, #tpu.memory_space<hbm>>
    tpu.enqueue_dma source(%dma_start3A_509 : memref<32000xf32, #tpu.memory_space<hbm>>) target(%dma_start3A_507 : memref<32000xf32, #tpu.memory_space<vmem>>) target_semaphore(%dma_start3A_506 : memref<!tpu.dma_semaphore, #tpu.memory_space<semaphore_mem>>)
    %jit3A_510 = arith.constant 16 : i32
    %div3A_511 = arith.divsi %add3A_325, %jit3A_510 : i32
    %sign3A_512 = arith.constant 0 : i32
    %sign3A_513 = arith.cmpi sgt, %add3A_325, %sign3A_512 : i32
    %sign3A_514 = arith.extui %sign3A_513 : i1 to i32
    %sign3A_515 = arith.constant 0 : i32
    %sign3A_516 = arith.cmpi slt, %add3A_325, %sign3A_515 : i32
    %sign3A_517 = arith.extui %sign3A_516 : i1 to i32
    %sign3A_518 = arith.subi %sign3A_514, %sign3A_517 : i32
    %sign3A_519 = arith.constant 0 : i32
    %sign3A_520 = arith.cmpi sgt, %jit3A_510, %sign3A_519 : i32
    %sign3A_521 = arith.extui %sign3A_520 : i1 to i32
    %sign3A_522 = arith.constant 0 : i32
    %sign3A_523 = arith.cmpi slt, %jit3A_510, %sign3A_522 : i32
    %sign3A_524 = arith.extui %sign3A_523 : i1 to i32
    %sign3A_525 = arith.subi %sign3A_521, %sign3A_524 : i32
    %ne3A_526 = arith.cmpi ne, %sign3A_518, %sign3A_525 : i32
    %rem3A_527 = arith.remsi %add3A_325, %jit3A_510 : i32
    %ne3A_528 = arith.constant 0 : i32
    %ne3A_529 = arith.cmpi ne, %rem3A_527, %ne3A_528 : i32
    %and3A_530 = arith.andi %ne3A_526, %ne3A_529 : i1
    %sub3A_531 = arith.constant 1 : i32
    %sub3A_532 = arith.subi %div3A_511, %sub3A_531 : i32
    %select_n3A_533 = arith.select %and3A_530, %sub3A_532, %div3A_511 : i32
    %mul3A_534 = arith.constant 16 : i32
    %mul3A_535 = arith.muli %select_n3A_533, %mul3A_534 : i32
    %multiple_of3A_536 = tpu.assume_multiple %mul3A_535, 16 : i32
    %get3A_537 = arith.index_cast %multiple_of3A_536 : i32 to index
    %get3A_538 = tpu.vector_load %arg14[%get3A_537] {strides = array<i32>} : memref<64xi32, #tpu.memory_space<vmem>>, vector<16xi32>,
    %sub3A_539 = arith.subi %add3A_325, %mul3A_535 : i32
    %eq3A_540 = vector.broadcast %sub3A_539 : i32 to vector<16xi32>
    %eq3A_541 = arith.cmpi eq, %iota3A, %eq3A_540 : vector<16xi32>
    %broadcast_in_dim3A_542 = arith.constant 0 : i32
    %broadcast_in_dim3A_543 = vector.broadcast %broadcast_in_dim3A_542 : i32 to vector<16xi32>
    %select_n3A_544 = arith.select %eq3A_541, %get3A_538, %broadcast_in_dim3A_543 : vector<16xi1>, vector<16xi32>
    %reduce_sum3A_545 = arith.constant true
    %reduce_sum3A_546 = vector.broadcast %reduce_sum3A_545 : i1 to vector<16xi1>
    %reduce_sum3A_547 = tpu.scan <sum>, %select_n3A_544 masked %reduce_sum3A_546 : vector<16xi32>, vector<16xi1> -> vector<16xi32>
    %reduce_sum3A_548 = vector.extract %reduce_sum3A_547[15] : i32 from vector<16xi32>
    %jit3A_549 = arith.constant 16 : i32
    %div3A_550 = arith.divsi %add3A_325, %jit3A_549 : i32
    %sign3A_551 = arith.constant 0 : i32
    %sign3A_552 = arith.cmpi sgt, %add3A_325, %sign3A_551 : i32
    %sign3A_553 = arith.extui %sign3A_552 : i1 to i32
    %sign3A_554 = arith.constant 0 : i32
    %sign3A_555 = arith.cmpi slt, %add3A_325, %sign3A_554 : i32
    %sign3A_556 = arith.extui %sign3A_555 : i1 to i32
    %sign3A_557 = arith.subi %sign3A_553, %sign3A_556 : i32
    %sign3A_558 = arith.constant 0 : i32
    %sign3A_559 = arith.cmpi sgt, %jit3A_549, %sign3A_558 : i32
    %sign3A_560 = arith.extui %sign3A_559 : i1 to i32
    %sign3A_561 = arith.constant 0 : i32
    %sign3A_562 = arith.cmpi slt, %jit3A_549, %sign3A_561 : i32
    %sign3A_563 = arith.extui %sign3A_562 : i1 to i32
    %sign3A_564 = arith.subi %sign3A_560, %sign3A_563 : i32
    %ne3A_565 = arith.cmpi ne, %sign3A_557, %sign3A_564 : i32
    %rem3A_566 = arith.remsi %add3A_325, %jit3A_549 : i32
    %ne3A_567 = arith.constant 0 : i32
    %ne3A_568 = arith.cmpi ne, %rem3A_566, %ne3A_567 : i32
    %and3A_569 = arith.andi %ne3A_565, %ne3A_568 : i1
    %sub3A_570 = arith.constant 1 : i32
    %sub3A_571 = arith.subi %div3A_550, %sub3A_570 : i32
    %select_n3A_572 = arith.select %and3A_569, %sub3A_571, %div3A_550 : i32
    %mul3A_573 = arith.constant 16 : i32
    %mul3A_574 = arith.muli %select_n3A_572, %mul3A_573 : i32
    %multiple_of3A_575 = tpu.assume_multiple %mul3A_574, 16 : i32
    %get3A_576 = arith.index_cast %multiple_of3A_575 : i32 to index
    %get3A_577 = tpu.vector_load %arg13[%get3A_576] {strides = array<i32>} : memref<64xi32, #tpu.memory_space<vmem>>, vector<16xi32>,
    %sub3A_578 = arith.subi %add3A_325, %mul3A_574 : i32
    %eq3A_579 = vector.broadcast %sub3A_578 : i32 to vector<16xi32>
    %eq3A_580 = arith.cmpi eq, %iota3A, %eq3A_579 : vector<16xi32>
    %broadcast_in_dim3A_581 = arith.constant 0 : i32
    %broadcast_in_dim3A_582 = vector.broadcast %broadcast_in_dim3A_581 : i32 to vector<16xi32>
    %select_n3A_583 = arith.select %eq3A_580, %get3A_577, %broadcast_in_dim3A_582 : vector<16xi1>, vector<16xi32>
    %reduce_sum3A_584 = arith.constant true
    %reduce_sum3A_585 = vector.broadcast %reduce_sum3A_584 : i1 to vector<16xi1>
    %reduce_sum3A_586 = tpu.scan <sum>, %select_n3A_583 masked %reduce_sum3A_585 : vector<16xi32>, vector<16xi1> -> vector<16xi32>
    %reduce_sum3A_587 = vector.extract %reduce_sum3A_586[15] : i32 from vector<16xi32>
    %jit3A_588 = arith.constant 16 : i32
    %div3A_589 = arith.divsi %add3A_325, %jit3A_588 : i32
    %sign3A_590 = arith.constant 0 : i32
    %sign3A_591 = arith.cmpi sgt, %add3A_325, %sign3A_590 : i32
    %sign3A_592 = arith.extui %sign3A_591 : i1 to i32
    %sign3A_593 = arith.constant 0 : i32
    %sign3A_594 = arith.cmpi slt, %add3A_325, %sign3A_593 : i32
    %sign3A_595 = arith.extui %sign3A_594 : i1 to i32
    %sign3A_596 = arith.subi %sign3A_592, %sign3A_595 : i32
    %sign3A_597 = arith.constant 0 : i32
    %sign3A_598 = arith.cmpi sgt, %jit3A_588, %sign3A_597 : i32
    %sign3A_599 = arith.extui %sign3A_598 : i1 to i32
    %sign3A_600 = arith.constant 0 : i32
    %sign3A_601 = arith.cmpi slt, %jit3A_588, %sign3A_600 : i32
    %sign3A_602 = arith.extui %sign3A_601 : i1 to i32
    %sign3A_603 = arith.subi %sign3A_599, %sign3A_602 : i32
    %ne3A_604 = arith.cmpi ne, %sign3A_596, %sign3A_603 : i32
    %rem3A_605 = arith.remsi %add3A_325, %jit3A_588 : i32
    %ne3A_606 = arith.constant 0 : i32
    %ne3A_607 = arith.cmpi ne, %rem3A_605, %ne3A_606 : i32
    %and3A_608 = arith.andi %ne3A_604, %ne3A_607 : i1
    %sub3A_609 = arith.constant 1 : i32
    %sub3A_610 = arith.subi %div3A_589, %sub3A_609 : i32
    %select_n3A_611 = arith.select %and3A_608, %sub3A_610, %div3A_589 : i32
    %mul3A_612 = arith.constant 16 : i32
    %mul3A_613 = arith.muli %select_n3A_611, %mul3A_612 : i32
    %multiple_of3A_614 = tpu.assume_multiple %mul3A_613, 16 : i32
    %get3A_615 = arith.index_cast %multiple_of3A_614 : i32 to index
    %get3A_616 = tpu.vector_load %arg15[%get3A_615] {strides = array<i32>} : memref<64xf32, #tpu.memory_space<vmem>>, vector<16xf32>,
    %sub3A_617 = arith.subi %add3A_325, %mul3A_613 : i32
    %eq3A_618 = vector.broadcast %sub3A_617 : i32 to vector<16xi32>
    %eq3A_619 = arith.cmpi eq, %iota3A, %eq3A_618 : vector<16xi32>
    %broadcast_in_dim3A_620 = arith.constant 0.000000e+00 : f32
    %broadcast_in_dim3A_621 = vector.broadcast %broadcast_in_dim3A_620 : f32 to vector<16xf32>
    %select_n3A_622 = arith.select %eq3A_619, %get3A_616, %broadcast_in_dim3A_621 : vector<16xi1>, vector<16xf32>
    %reduce_sum3A_623 = arith.constant true
    %reduce_sum3A_624 = vector.broadcast %reduce_sum3A_623 : i1 to vector<16xi1>
    %reduce_sum3A_625 = tpu.scan <sum>, %select_n3A_622 masked %reduce_sum3A_624 : vector<16xf32>, vector<16xi1> -> vector<16xf32>
    %reduce_sum3A_626 = vector.extract %reduce_sum3A_625[15] : f32 from vector<16xf32>
    %eq3A_627 = arith.constant 1 : i32
    %eq3A_628 = arith.cmpi eq, %reduce_sum3A_587, %eq3A_627 : i32
    %jit3A_629 = arith.constant 1.000000e+00 : f32
    %select_n3A_630 = arith.select %eq3A_628, %reduce_sum3A_626, %jit3A_629 : f32
    "tpu.region"() ({
      %run_scoped3A = tpu.sem_alloc : memref<!tpu.dma_semaphore, #tpu.memory_space<semaphore_mem>>
      %dma_start3A_661 = arith.constant 0 : i32
      %dma_start3A_662 = tpu.memref_slice %arg8[%add3A_325, %dma_start3A_661] : memref<64x1024xf32, #tpu.memory_space<hbm>> -> memref<1x1024xf32, #tpu.memory_space<hbm>>
      %dma_start3A_663 = tpu.memref_squeeze %dma_start3A_662 : memref<1x1024xf32, #tpu.memory_space<hbm>> -> memref<1024xf32, #tpu.memory_space<hbm>>
      %dma_start3A_664 = arith.constant 0 : i32
      %dma_start3A_665 = tpu.memref_slice %arg8[%add3A_325, %dma_start3A_664] : memref<64x1024xf32, #tpu.memory_space<hbm>> -> memref<1x1024xf32, #tpu.memory_space<hbm>>
      %dma_start3A_666 = tpu.memref_squeeze %dma_start3A_665 : memref<1x1024xf32, #tpu.memory_space<hbm>> -> memref<1024xf32, #tpu.memory_space<hbm>>
      tpu.enqueue_dma source(%dma_start3A_666 : memref<1024xf32, #tpu.memory_space<hbm>>) target(%arg18 : memref<1024xf32, #tpu.memory_space<vmem>>) target_semaphore(%run_scoped3A : memref<!tpu.dma_semaphore, #tpu.memory_space<semaphore_mem>>)
      %dma_wait3A_667 = arith.constant 0 : i32
      %dma_wait3A_668 = tpu.memref_slice %arg8[%add3A_325, %dma_wait3A_667] : memref<64x1024xf32, #tpu.memory_space<hbm>> -> memref<1x1024xf32, #tpu.memory_space<hbm>>
      %dma_wait3A_669 = tpu.memref_squeeze %dma_wait3A_668 : memref<1x1024xf32, #tpu.memory_space<hbm>> -> memref<1024xf32, #tpu.memory_space<hbm>>
      %dma_wait3A_670 = arith.constant 0 : i32
      %dma_wait3A_671 = tpu.memref_slice %arg8[%add3A_325, %dma_wait3A_670] : memref<64x1024xf32, #tpu.memory_space<hbm>> -> memref<1x1024xf32, #tpu.memory_space<hbm>>
      %dma_wait3A_672 = tpu.memref_squeeze %dma_wait3A_671 : memref<1x1024xf32, #tpu.memory_space<hbm>> -> memref<1024xf32, #tpu.memory_space<hbm>>
      tpu.wait_dma2 semaphore(%run_scoped3A : memref<!tpu.dma_semaphore, #tpu.memory_space<semaphore_mem>>) src(%dma_wait3A_672 : memref<1024xf32, #tpu.memory_space<hbm>>) dst(%arg18 : memref<1024xf32, #tpu.memory_space<vmem>>)
      tpu.yield
    }) : () -> ()
    "tpu.region"() ({
      %run_scoped3A = tpu.sem_alloc : memref<!tpu.dma_semaphore, #tpu.memory_space<semaphore_mem>>
      %dma_start3A_661 = arith.constant 0 : i32
      %dma_start3A_662 = tpu.memref_slice %arg8[%reduce_sum3A_548, %dma_start3A_661] : memref<64x1024xf32, #tpu.memory_space<hbm>> -> memref<1x1024xf32, #tpu.memory_space<hbm>>
      %dma_start3A_663 = tpu.memref_squeeze %dma_start3A_662 : memref<1x1024xf32, #tpu.memory_space<hbm>> -> memref<1024xf32, #tpu.memory_space<hbm>>
      %dma_start3A_664 = arith.constant 0 : i32
      %dma_start3A_665 = tpu.memref_slice %arg8[%reduce_sum3A_548, %dma_start3A_664] : memref<64x1024xf32, #tpu.memory_space<hbm>> -> memref<1x1024xf32, #tpu.memory_space<hbm>>
      %dma_start3A_666 = tpu.memref_squeeze %dma_start3A_665 : memref<1x1024xf32, #tpu.memory_space<hbm>> -> memref<1024xf32, #tpu.memory_space<hbm>>
      tpu.enqueue_dma source(%dma_start3A_666 : memref<1024xf32, #tpu.memory_space<hbm>>) target(%arg19 : memref<1024xf32, #tpu.memory_space<vmem>>) target_semaphore(%run_scoped3A : memref<!tpu.dma_semaphore, #tpu.memory_space<semaphore_mem>>)
      %dma_wait3A_667 = arith.constant 0 : i32
      %dma_wait3A_668 = tpu.memref_slice %arg8[%reduce_sum3A_548, %dma_wait3A_667] : memref<64x1024xf32, #tpu.memory_space<hbm>> -> memref<1x1024xf32, #tpu.memory_space<hbm>>
      %dma_wait3A_669 = tpu.memref_squeeze %dma_wait3A_668 : memref<1x1024xf32, #tpu.memory_space<hbm>> -> memref<1024xf32, #tpu.memory_space<hbm>>
      %dma_wait3A_670 = arith.constant 0 : i32
      %dma_wait3A_671 = tpu.memref_slice %arg8[%reduce_sum3A_548, %dma_wait3A_670] : memref<64x1024xf32, #tpu.memory_space<hbm>> -> memref<1x1024xf32, #tpu.memory_space<hbm>>
      %dma_wait3A_672 = tpu.memref_squeeze %dma_wait3A_671 : memref<1x1024xf32, #tpu.memory_space<hbm>> -> memref<1024xf32, #tpu.memory_space<hbm>>
      tpu.wait_dma2 semaphore(%run_scoped3A : memref<!tpu.dma_semaphore, #tpu.memory_space<semaphore_mem>>) src(%dma_wait3A_672 : memref<1024xf32, #tpu.memory_space<hbm>>) dst(%arg19 : memref<1024xf32, #tpu.memory_space<vmem>>)
      tpu.yield
    }) : () -> ()
    %scan3A_631 = arith.constant 0 : i32
    %scan3A_632 = arith.constant 0 : i32
    %scan3A_633 = arith.constant 64 : i32
    %scan3A_634 = arith.addi %scan3A_632, %scan3A_633 : i32
    %scan3A_635 = arith.constant 1 : i32
    %scan3A_636 = scf.for %scan3A_661 = %scan3A_632 to %scan3A_634 step %scan3A_635 iter_args(%scan3A_662 = %scan3A_631) -> (i32)  : i32 {
      %mul3A_663 = arith.constant 16 : i32
      %mul3A_664 = arith.muli %scan3A_661, %mul3A_663 : i32
      %multiple_of3A_665 = tpu.assume_multiple %mul3A_664, 16 : i32
      %get3A_666 = arith.index_cast %multiple_of3A_665 : i32 to index
      %get3A_667 = tpu.vector_load %arg18[%get3A_666] {strides = array<i32>} : memref<1024xf32, #tpu.memory_space<vmem>>, vector<16xf32>,
      %mul3A_668 = arith.constant 16 : i32
      %mul3A_669 = arith.muli %scan3A_661, %mul3A_668 : i32
      %multiple_of3A_670 = tpu.assume_multiple %mul3A_669, 16 : i32
      %get3A_671 = arith.index_cast %multiple_of3A_670 : i32 to index
      %get3A_672 = tpu.vector_load %arg19[%get3A_671] {strides = array<i32>} : memref<1024xf32, #tpu.memory_space<vmem>>, vector<16xf32>,
      %mul3A_673 = vector.broadcast %select_n3A_630 : f32 to vector<16xf32>
      %mul3A_674 = arith.mulf %mul3A_673, %get3A_667 : vector<16xf32>
      %sub3A_675 = arith.constant 1.000000e+00 : f32
      %sub3A_676 = arith.subf %sub3A_675, %select_n3A_630 : f32
      %mul3A_677 = vector.broadcast %sub3A_676 : f32 to vector<16xf32>
      %mul3A_678 = arith.mulf %mul3A_677, %get3A_672 : vector<16xf32>
      %add3A_679 = arith.addf %mul3A_674, %mul3A_678 : vector<16xf32>
      %mul3A_680 = arith.constant 16 : i32
      %mul3A_681 = arith.muli %scan3A_661, %mul3A_680 : i32
      %multiple_of3A_682 = tpu.assume_multiple %mul3A_681, 16 : i32
      %swap3A = arith.index_cast %multiple_of3A_682 : i32 to index
      %swap3A_683 = tpu.vector_load %arg18[%swap3A] {strides = array<i32>} : memref<1024xf32, #tpu.memory_space<vmem>>, vector<16xf32>,
      tpu.vector_store %arg18[%swap3A], %add3A_679 {strides = array<i32>} : memref<1024xf32, #tpu.memory_space<vmem>>, vector<16xf32>,
      %scan3A_684 = arith.constant 0 : i32
      scf.yield %scan3A_684 : i32
    }
    %scan3A_637 = arith.constant 64 : i32
    "tpu.region"() ({
      %run_scoped3A = tpu.sem_alloc : memref<!tpu.dma_semaphore, #tpu.memory_space<semaphore_mem>>
      %dma_start3A_661 = arith.constant 0 : i32
      %dma_start3A_662 = tpu.memref_slice %arg10[%add3A_325, %dma_start3A_661] : memref<64x1024xf32, #tpu.memory_space<hbm>> -> memref<1x1024xf32, #tpu.memory_space<hbm>>
      %dma_start3A_663 = tpu.memref_squeeze %dma_start3A_662 : memref<1x1024xf32, #tpu.memory_space<hbm>> -> memref<1024xf32, #tpu.memory_space<hbm>>
      %dma_start3A_664 = arith.constant 0 : i32
      %dma_start3A_665 = tpu.memref_slice %arg10[%add3A_325, %dma_start3A_664] : memref<64x1024xf32, #tpu.memory_space<hbm>> -> memref<1x1024xf32, #tpu.memory_space<hbm>>
      %dma_start3A_666 = tpu.memref_squeeze %dma_start3A_665 : memref<1x1024xf32, #tpu.memory_space<hbm>> -> memref<1024xf32, #tpu.memory_space<hbm>>
      tpu.enqueue_dma source(%arg18 : memref<1024xf32, #tpu.memory_space<vmem>>) target(%dma_start3A_666 : memref<1024xf32, #tpu.memory_space<hbm>>) target_semaphore(%run_scoped3A : memref<!tpu.dma_semaphore, #tpu.memory_space<semaphore_mem>>)
      %dma_wait3A_667 = arith.constant 0 : i32
      %dma_wait3A_668 = tpu.memref_slice %arg10[%add3A_325, %dma_wait3A_667] : memref<64x1024xf32, #tpu.memory_space<hbm>> -> memref<1x1024xf32, #tpu.memory_space<hbm>>
      %dma_wait3A_669 = tpu.memref_squeeze %dma_wait3A_668 : memref<1x1024xf32, #tpu.memory_space<hbm>> -> memref<1024xf32, #tpu.memory_space<hbm>>
      %dma_wait3A_670 = arith.constant 0 : i32
      %dma_wait3A_671 = tpu.memref_slice %arg10[%add3A_325, %dma_wait3A_670] : memref<64x1024xf32, #tpu.memory_space<hbm>> -> memref<1x1024xf32, #tpu.memory_space<hbm>>
      %dma_wait3A_672 = tpu.memref_squeeze %dma_wait3A_671 : memref<1x1024xf32, #tpu.memory_space<hbm>> -> memref<1024xf32, #tpu.memory_space<hbm>>
      tpu.wait_dma2 semaphore(%run_scoped3A : memref<!tpu.dma_semaphore, #tpu.memory_space<semaphore_mem>>) src(%arg18 : memref<1024xf32, #tpu.memory_space<vmem>>) dst(%dma_wait3A_672 : memref<1024xf32, #tpu.memory_space<hbm>>)
      tpu.yield
    }) : () -> ()
    %scan3A_638 = arith.constant 0 : i32
    %scan3A_639 = arith.constant 0 : i32
    %scan3A_640 = arith.constant 5 : i32
    %scan3A_641 = arith.addi %scan3A_639, %scan3A_640 : i32
    %scan3A_642 = arith.constant 1 : i32
    %scan3A_643 = scf.for %scan3A_661 = %scan3A_639 to %scan3A_641 step %scan3A_642 iter_args(%scan3A_662 = %scan3A_638) -> (i32)  : i32 {
      %mul3A_663 = arith.constant 32000 : i32
      %mul3A_664 = arith.muli %scan3A_661, %mul3A_663 : i32
      %le3A_665 = arith.cmpi sle, %reduce_sum3A_364, %mul3A_664 : i32
      %add3A_666 = arith.constant 32000 : i32
      %add3A_667 = arith.addi %mul3A_664, %add3A_666 : i32
      %ge3A_668 = arith.cmpi sge, %add3A_487, %add3A_667 : i32
      %and3A_669 = arith.andi %le3A_665, %ge3A_668 : i1
      %select_n3A_670 = arith.select %and3A_669, %reduce_sum3A_481, %add3A_325 : i32
      %rem3A_671 = arith.constant 2 : i32
      %rem3A_672 = arith.remsi %scan3A_661, %rem3A_671 : i32
      %multiple_of3A_673 = tpu.assume_multiple %mul3A_664, 16 : i32
      %mul3A_674 = arith.constant 32000 : i32
      %mul3A_675 = arith.muli %rem3A_672, %mul3A_674 : i32
      %multiple_of3A_676 = tpu.assume_multiple %mul3A_675, 16 : i32
      %dma_wait3A_677 = tpu.memref_slice %arg16[%multiple_of3A_676] : memref<64000xf32, #tpu.memory_space<vmem>> -> memref<32000xf32, #tpu.memory_space<vmem>>
      %dma_wait3A_678 = tpu.memref_slice %arg7[%select_n3A_670, %multiple_of3A_673] : memref<64x160000xf32, #tpu.memory_space<hbm>> -> memref<1x32000xf32, #tpu.memory_space<hbm>>
      %dma_wait3A_679 = tpu.memref_squeeze %dma_wait3A_678 : memref<1x32000xf32, #tpu.memory_space<hbm>> -> memref<32000xf32, #tpu.memory_space<hbm>>
      %dma_wait3A_680 = tpu.memref_slice %arg20[%rem3A_672] : memref<2x!tpu.dma_semaphore, #tpu.memory_space<semaphore_mem>> -> memref<1x!tpu.dma_semaphore, #tpu.memory_space<semaphore_mem>>
      %dma_wait3A_681 = tpu.memref_squeeze %dma_wait3A_680 : memref<1x!tpu.dma_semaphore, #tpu.memory_space<semaphore_mem>> -> memref<!tpu.dma_semaphore, #tpu.memory_space<semaphore_mem>>
      %dma_wait3A_682 = tpu.memref_slice %arg16[%multiple_of3A_676] : memref<64000xf32, #tpu.memory_space<vmem>> -> memref<32000xf32, #tpu.memory_space<vmem>>
      %dma_wait3A_683 = tpu.memref_slice %arg7[%select_n3A_670, %multiple_of3A_673] : memref<64x160000xf32, #tpu.memory_space<hbm>> -> memref<1x32000xf32, #tpu.memory_space<hbm>>
      %dma_wait3A_684 = tpu.memref_squeeze %dma_wait3A_683 : memref<1x32000xf32, #tpu.memory_space<hbm>> -> memref<32000xf32, #tpu.memory_space<hbm>>
      tpu.wait_dma2 semaphore(%dma_wait3A_681 : memref<!tpu.dma_semaphore, #tpu.memory_space<semaphore_mem>>) src(%dma_wait3A_684 : memref<32000xf32, #tpu.memory_space<hbm>>) dst(%dma_wait3A_682 : memref<32000xf32, #tpu.memory_space<vmem>>)
      %mul3A_685 = arith.constant 32000 : i32
      %mul3A_686 = arith.muli %scan3A_661, %mul3A_685 : i32
      %rem3A_687 = arith.constant 2 : i32
      %rem3A_688 = arith.remsi %scan3A_661, %rem3A_687 : i32
      %le3A_689 = arith.cmpi sle, %reduce_sum3A_364, %mul3A_686 : i32
      %add3A_690 = arith.constant 32000 : i32
      %add3A_691 = arith.addi %mul3A_686, %add3A_690 : i32
      %ge3A_692 = arith.cmpi sge, %add3A_487, %add3A_691 : i32
      %and3A_693 = arith.andi %le3A_689, %ge3A_692 : i1
      %add3A_694 = arith.constant 32000 : i32
      %add3A_695 = arith.addi %mul3A_686, %add3A_694 : i32
      %lt3A = arith.cmpi slt, %reduce_sum3A_364, %add3A_695 : i32
      %gt3A = arith.cmpi sgt, %add3A_487, %mul3A_686 : i32
      %and3A_696 = arith.andi %lt3A, %gt3A : i1
      %not3A = arith.constant true
      %not3A_697 = arith.xori %and3A_693, %not3A : i1
      %and3A_698 = arith.andi %and3A_696, %not3A_697 : i1
      %gt3A_699 = arith.constant 0 : i32
      %gt3A_700 = arith.cmpi sgt, %select_n3A_486, %gt3A_699 : i32
      %and3A_701 = arith.andi %and3A_698, %gt3A_700 : i1
      %convert_element_type3A = arith.extui %and3A_701 : i1 to i32
      %cond3A = arith.constant 0 : i32
      %cond3A_702 = arith.cmpi ne, %convert_element_type3A, %cond3A : i32
      scf.if %cond3A_702 {
        %max3A = arith.maxsi %reduce_sum3A_364, %mul3A_686 : i32
        %add3A_732 = arith.constant 32000 : i32
        %add3A_733 = arith.addi %mul3A_686, %add3A_732 : i32
        %min3A = arith.minsi %add3A_487, %add3A_733 : i32
        %add3A_734 = arith.constant 15 : i32
        %add3A_735 = arith.addi %max3A, %add3A_734 : i32
        %jit3A_736 = arith.constant 16 : i32
        %div3A_737 = arith.divsi %add3A_735, %jit3A_736 : i32
        %sign3A_738 = arith.constant 0 : i32
        %sign3A_739 = arith.cmpi sgt, %add3A_735, %sign3A_738 : i32
        %sign3A_740 = arith.extui %sign3A_739 : i1 to i32
        %sign3A_741 = arith.constant 0 : i32
        %sign3A_742 = arith.cmpi slt, %add3A_735, %sign3A_741 : i32
        %sign3A_743 = arith.extui %sign3A_742 : i1 to i32
        %sign3A_744 = arith.subi %sign3A_740, %sign3A_743 : i32
        %sign3A_745 = arith.constant 0 : i32
        %sign3A_746 = arith.cmpi sgt, %jit3A_736, %sign3A_745 : i32
        %sign3A_747 = arith.extui %sign3A_746 : i1 to i32
        %sign3A_748 = arith.constant 0 : i32
        %sign3A_749 = arith.cmpi slt, %jit3A_736, %sign3A_748 : i32
        %sign3A_750 = arith.extui %sign3A_749 : i1 to i32
        %sign3A_751 = arith.subi %sign3A_747, %sign3A_750 : i32
        %ne3A_752 = arith.cmpi ne, %sign3A_744, %sign3A_751 : i32
        %rem3A_753 = arith.remsi %add3A_735, %jit3A_736 : i32
        %ne3A_754 = arith.constant 0 : i32
        %ne3A_755 = arith.cmpi ne, %rem3A_753, %ne3A_754 : i32
        %and3A_756 = arith.andi %ne3A_752, %ne3A_755 : i1
        %sub3A_757 = arith.constant 1 : i32
        %sub3A_758 = arith.subi %div3A_737, %sub3A_757 : i32
        %select_n3A_759 = arith.select %and3A_756, %sub3A_758, %div3A_737 : i32
        %mul3A_760 = arith.constant 16 : i32
        %mul3A_761 = arith.muli %select_n3A_759, %mul3A_760 : i32
        %jit3A_762 = arith.constant 16 : i32
        %div3A_763 = arith.divsi %min3A, %jit3A_762 : i32
        %sign3A_764 = arith.constant 0 : i32
        %sign3A_765 = arith.cmpi sgt, %min3A, %sign3A_764 : i32
        %sign3A_766 = arith.extui %sign3A_765 : i1 to i32
        %sign3A_767 = arith.constant 0 : i32
        %sign3A_768 = arith.cmpi slt, %min3A, %sign3A_767 : i32
        %sign3A_769 = arith.extui %sign3A_768 : i1 to i32
        %sign3A_770 = arith.subi %sign3A_766, %sign3A_769 : i32
        %sign3A_771 = arith.constant 0 : i32
        %sign3A_772 = arith.cmpi sgt, %jit3A_762, %sign3A_771 : i32
        %sign3A_773 = arith.extui %sign3A_772 : i1 to i32
        %sign3A_774 = arith.constant 0 : i32
        %sign3A_775 = arith.cmpi slt, %jit3A_762, %sign3A_774 : i32
        %sign3A_776 = arith.extui %sign3A_775 : i1 to i32
        %sign3A_777 = arith.subi %sign3A_773, %sign3A_776 : i32
        %ne3A_778 = arith.cmpi ne, %sign3A_770, %sign3A_777 : i32
        %rem3A_779 = arith.remsi %min3A, %jit3A_762 : i32
        %ne3A_780 = arith.constant 0 : i32
        %ne3A_781 = arith.cmpi ne, %rem3A_779, %ne3A_780 : i32
        %and3A_782 = arith.andi %ne3A_778, %ne3A_781 : i1
        %sub3A_783 = arith.constant 1 : i32
        %sub3A_784 = arith.subi %div3A_763, %sub3A_783 : i32
        %select_n3A_785 = arith.select %and3A_782, %sub3A_784, %div3A_763 : i32
        %mul3A_786 = arith.constant 16 : i32
        %mul3A_787 = arith.muli %select_n3A_785, %mul3A_786 : i32
        %sub3A_788 = arith.subi %mul3A_787, %mul3A_761 : i32
        %max3A_789 = arith.constant 0 : i32
        %max3A_790 = arith.maxsi %sub3A_788, %max3A_789 : i32
        %shift_right_arithmetic3A = arith.constant 14 : i32
        %shift_right_arithmetic3A_791 = arith.shrsi %max3A_790, %shift_right_arithmetic3A : i32
        %and3A_792 = arith.constant 1 : i32
        %and3A_793 = arith.andi %shift_right_arithmetic3A_791, %and3A_792 : i32
        %eq3A_794 = arith.constant 1 : i32
        %eq3A_795 = arith.cmpi eq, %and3A_793, %eq3A_794 : i32
        %convert_element_type3A_796 = arith.extui %eq3A_795 : i1 to i32
        %cond3A_797 = arith.constant 0 : i32
        %cond3A_798 = arith.cmpi ne, %convert_element_type3A_796, %cond3A_797 : i32
        scf.if %cond3A_798 {
          %multiple_of3A_1133 = tpu.assume_multiple %mul3A_761, 16 : i32
          %mul3A_1134 = arith.constant 32000 : i32
          %mul3A_1135 = arith.muli %rem3A_688, %mul3A_1134 : i32
          %add3A_1136 = arith.addi %mul3A_1135, %mul3A_761 : i32
          %sub3A_1137 = arith.subi %add3A_1136, %mul3A_686 : i32
          %multiple_of3A_1138 = tpu.assume_multiple %sub3A_1137, 16 : i32
          %dma_start3A_1139 = tpu.memref_slice %arg16[%multiple_of3A_1138] : memref<64000xf32, #tpu.memory_space<vmem>> -> memref<16384xf32, #tpu.memory_space<vmem>>
          %dma_start3A_1140 = tpu.memref_slice %arg7[%reduce_sum3A_481, %multiple_of3A_1133] : memref<64x160000xf32, #tpu.memory_space<hbm>> -> memref<1x16384xf32, #tpu.memory_space<hbm>>
          %dma_start3A_1141 = tpu.memref_squeeze %dma_start3A_1140 : memref<1x16384xf32, #tpu.memory_space<hbm>> -> memref<16384xf32, #tpu.memory_space<hbm>>
          %dma_start3A_1142 = tpu.memref_slice %arg16[%multiple_of3A_1138] : memref<64000xf32, #tpu.memory_space<vmem>> -> memref<16384xf32, #tpu.memory_space<vmem>>
          %dma_start3A_1143 = tpu.memref_slice %arg7[%reduce_sum3A_481, %multiple_of3A_1133] : memref<64x160000xf32, #tpu.memory_space<hbm>> -> memref<1x16384xf32, #tpu.memory_space<hbm>>
          %dma_start3A_1144 = tpu.memref_squeeze %dma_start3A_1143 : memref<1x16384xf32, #tpu.memory_space<hbm>> -> memref<16384xf32, #tpu.memory_space<hbm>>
          tpu.enqueue_dma source(%dma_start3A_1144 : memref<16384xf32, #tpu.memory_space<hbm>>) target(%dma_start3A_1142 : memref<16384xf32, #tpu.memory_space<vmem>>) target_semaphore(%arg22 : memref<!tpu.dma_semaphore, #tpu.memory_space<semaphore_mem>>)
        } else {
        }
        %jit3A_799 = arith.constant 16384 : i32
        %jit3A_800 = arith.constant 0 : i32
        %select_n3A_801 = arith.select %eq3A_795, %jit3A_799, %jit3A_800 : i32
        %add3A_802 = arith.addi %mul3A_761, %select_n3A_801 : i32
        %shift_right_arithmetic3A_803 = arith.constant 13 : i32
        %shift_right_arithmetic3A_804 = arith.shrsi %max3A_790, %shift_right_arithmetic3A_803 : i32
        %and3A_805 = arith.constant 1 : i32
        %and3A_806 = arith.andi %shift_right_arithmetic3A_804, %and3A_805 : i32
        %eq3A_807 = arith.constant 1 : i32
        %eq3A_808 = arith.cmpi eq, %and3A_806, %eq3A_807 : i32
        %convert_element_type3A_809 = arith.extui %eq3A_808 : i1 to i32
        %cond3A_810 = arith.constant 0 : i32
        %cond3A_811 = arith.cmpi ne, %convert_element_type3A_809, %cond3A_810 : i32
        scf.if %cond3A_811 {
          %multiple_of3A_1133 = tpu.assume_multiple %add3A_802, 16 : i32
          %mul3A_1134 = arith.constant 32000 : i32
          %mul3A_1135 = arith.muli %rem3A_688, %mul3A_1134 : i32
          %add3A_1136 = arith.addi %mul3A_1135, %add3A_802 : i32
          %sub3A_1137 = arith.subi %add3A_1136, %mul3A_686 : i32
          %multiple_of3A_1138 = tpu.assume_multiple %sub3A_1137, 16 : i32
          %dma_start3A_1139 = tpu.memref_slice %arg16[%multiple_of3A_1138] : memref<64000xf32, #tpu.memory_space<vmem>> -> memref<8192xf32, #tpu.memory_space<vmem>>
          %dma_start3A_1140 = tpu.memref_slice %arg7[%reduce_sum3A_481, %multiple_of3A_1133] : memref<64x160000xf32, #tpu.memory_space<hbm>> -> memref<1x8192xf32, #tpu.memory_space<hbm>>
          %dma_start3A_1141 = tpu.memref_squeeze %dma_start3A_1140 : memref<1x8192xf32, #tpu.memory_space<hbm>> -> memref<8192xf32, #tpu.memory_space<hbm>>
          %dma_start3A_1142 = tpu.memref_slice %arg16[%multiple_of3A_1138] : memref<64000xf32, #tpu.memory_space<vmem>> -> memref<8192xf32, #tpu.memory_space<vmem>>
          %dma_start3A_1143 = tpu.memref_slice %arg7[%reduce_sum3A_481, %multiple_of3A_1133] : memref<64x160000xf32, #tpu.memory_space<hbm>> -> memref<1x8192xf32, #tpu.memory_space<hbm>>
          %dma_start3A_1144 = tpu.memref_squeeze %dma_start3A_1143 : memref<1x8192xf32, #tpu.memory_space<hbm>> -> memref<8192xf32, #tpu.memory_space<hbm>>
          tpu.enqueue_dma source(%dma_start3A_1144 : memref<8192xf32, #tpu.memory_space<hbm>>) target(%dma_start3A_1142 : memref<8192xf32, #tpu.memory_space<vmem>>) target_semaphore(%arg22 : memref<!tpu.dma_semaphore, #tpu.memory_space<semaphore_mem>>)
        } else {
        }
        %jit3A_812 = arith.constant 8192 : i32
        %jit3A_813 = arith.constant 0 : i32
        %select_n3A_814 = arith.select %eq3A_808, %jit3A_812, %jit3A_813 : i32
        %add3A_815 = arith.addi %add3A_802, %select_n3A_814 : i32
        %shift_right_arithmetic3A_816 = arith.constant 12 : i32
        %shift_right_arithmetic3A_817 = arith.shrsi %max3A_790, %shift_right_arithmetic3A_816 : i32
        %and3A_818 = arith.constant 1 : i32
        %and3A_819 = arith.andi %shift_right_arithmetic3A_817, %and3A_818 : i32
        %eq3A_820 = arith.constant 1 : i32
        %eq3A_821 = arith.cmpi eq, %and3A_819, %eq3A_820 : i32
        %convert_element_type3A_822 = arith.extui %eq3A_821 : i1 to i32
        %cond3A_823 = arith.constant 0 : i32
        %cond3A_824 = arith.cmpi ne, %convert_element_type3A_822, %cond3A_823 : i32
        scf.if %cond3A_824 {
          %multiple_of3A_1133 = tpu.assume_multiple %add3A_815, 16 : i32
          %mul3A_1134 = arith.constant 32000 : i32
          %mul3A_1135 = arith.muli %rem3A_688, %mul3A_1134 : i32
          %add3A_1136 = arith.addi %mul3A_1135, %add3A_815 : i32
          %sub3A_1137 = arith.subi %add3A_1136, %mul3A_686 : i32
          %multiple_of3A_1138 = tpu.assume_multiple %sub3A_1137, 16 : i32
          %dma_start3A_1139 = tpu.memref_slice %arg16[%multiple_of3A_1138] : memref<64000xf32, #tpu.memory_space<vmem>> -> memref<4096xf32, #tpu.memory_space<vmem>>
          %dma_start3A_1140 = tpu.memref_slice %arg7[%reduce_sum3A_481, %multiple_of3A_1133] : memref<64x160000xf32, #tpu.memory_space<hbm>> -> memref<1x4096xf32, #tpu.memory_space<hbm>>
          %dma_start3A_1141 = tpu.memref_squeeze %dma_start3A_1140 : memref<1x4096xf32, #tpu.memory_space<hbm>> -> memref<4096xf32, #tpu.memory_space<hbm>>
          %dma_start3A_1142 = tpu.memref_slice %arg16[%multiple_of3A_1138] : memref<64000xf32, #tpu.memory_space<vmem>> -> memref<4096xf32, #tpu.memory_space<vmem>>
          %dma_start3A_1143 = tpu.memref_slice %arg7[%reduce_sum3A_481, %multiple_of3A_1133] : memref<64x160000xf32, #tpu.memory_space<hbm>> -> memref<1x4096xf32, #tpu.memory_space<hbm>>
          %dma_start3A_1144 = tpu.memref_squeeze %dma_start3A_1143 : memref<1x4096xf32, #tpu.memory_space<hbm>> -> memref<4096xf32, #tpu.memory_space<hbm>>
          tpu.enqueue_dma source(%dma_start3A_1144 : memref<4096xf32, #tpu.memory_space<hbm>>) target(%dma_start3A_1142 : memref<4096xf32, #tpu.memory_space<vmem>>) target_semaphore(%arg22 : memref<!tpu.dma_semaphore, #tpu.memory_space<semaphore_mem>>)
        } else {
        }
        %jit3A_825 = arith.constant 4096 : i32
        %jit3A_826 = arith.constant 0 : i32
        %select_n3A_827 = arith.select %eq3A_821, %jit3A_825, %jit3A_826 : i32
        %add3A_828 = arith.addi %add3A_815, %select_n3A_827 : i32
        %shift_right_arithmetic3A_829 = arith.constant 11 : i32
        %shift_right_arithmetic3A_830 = arith.shrsi %max3A_790, %shift_right_arithmetic3A_829 : i32
        %and3A_831 = arith.constant 1 : i32
        %and3A_832 = arith.andi %shift_right_arithmetic3A_830, %and3A_831 : i32
        %eq3A_833 = arith.constant 1 : i32
        %eq3A_834 = arith.cmpi eq, %and3A_832, %eq3A_833 : i32
        %convert_element_type3A_835 = arith.extui %eq3A_834 : i1 to i32
        %cond3A_836 = arith.constant 0 : i32
        %cond3A_837 = arith.cmpi ne, %convert_element_type3A_835, %cond3A_836 : i32
        scf.if %cond3A_837 {
          %multiple_of3A_1133 = tpu.assume_multiple %add3A_828, 16 : i32
          %mul3A_1134 = arith.constant 32000 : i32
          %mul3A_1135 = arith.muli %rem3A_688, %mul3A_1134 : i32
          %add3A_1136 = arith.addi %mul3A_1135, %add3A_828 : i32
          %sub3A_1137 = arith.subi %add3A_1136, %mul3A_686 : i32
          %multiple_of3A_1138 = tpu.assume_multiple %sub3A_1137, 16 : i32
          %dma_start3A_1139 = tpu.memref_slice %arg16[%multiple_of3A_1138] : memref<64000xf32, #tpu.memory_space<vmem>> -> memref<2048xf32, #tpu.memory_space<vmem>>
          %dma_start3A_1140 = tpu.memref_slice %arg7[%reduce_sum3A_481, %multiple_of3A_1133] : memref<64x160000xf32, #tpu.memory_space<hbm>> -> memref<1x2048xf32, #tpu.memory_space<hbm>>
          %dma_start3A_1141 = tpu.memref_squeeze %dma_start3A_1140 : memref<1x2048xf32, #tpu.memory_space<hbm>> -> memref<2048xf32, #tpu.memory_space<hbm>>
          %dma_start3A_1142 = tpu.memref_slice %arg16[%multiple_of3A_1138] : memref<64000xf32, #tpu.memory_space<vmem>> -> memref<2048xf32, #tpu.memory_space<vmem>>
          %dma_start3A_1143 = tpu.memref_slice %arg7[%reduce_sum3A_481, %multiple_of3A_1133] : memref<64x160000xf32, #tpu.memory_space<hbm>> -> memref<1x2048xf32, #tpu.memory_space<hbm>>
          %dma_start3A_1144 = tpu.memref_squeeze %dma_start3A_1143 : memref<1x2048xf32, #tpu.memory_space<hbm>> -> memref<2048xf32, #tpu.memory_space<hbm>>
          tpu.enqueue_dma source(%dma_start3A_1144 : memref<2048xf32, #tpu.memory_space<hbm>>) target(%dma_start3A_1142 : memref<2048xf32, #tpu.memory_space<vmem>>) target_semaphore(%arg22 : memref<!tpu.dma_semaphore, #tpu.memory_space<semaphore_mem>>)
        } else {
        }
        %jit3A_838 = arith.constant 2048 : i32
        %jit3A_839 = arith.constant 0 : i32
        %select_n3A_840 = arith.select %eq3A_834, %jit3A_838, %jit3A_839 : i32
        %add3A_841 = arith.addi %add3A_828, %select_n3A_840 : i32
        %shift_right_arithmetic3A_842 = arith.constant 10 : i32
        %shift_right_arithmetic3A_843 = arith.shrsi %max3A_790, %shift_right_arithmetic3A_842 : i32
        %and3A_844 = arith.constant 1 : i32
        %and3A_845 = arith.andi %shift_right_arithmetic3A_843, %and3A_844 : i32
        %eq3A_846 = arith.constant 1 : i32
        %eq3A_847 = arith.cmpi eq, %and3A_845, %eq3A_846 : i32
        %convert_element_type3A_848 = arith.extui %eq3A_847 : i1 to i32
        %cond3A_849 = arith.constant 0 : i32
        %cond3A_850 = arith.cmpi ne, %convert_element_type3A_848, %cond3A_849 : i32
        scf.if %cond3A_850 {
          %multiple_of3A_1133 = tpu.assume_multiple %add3A_841, 16 : i32
          %mul3A_1134 = arith.constant 32000 : i32
          %mul3A_1135 = arith.muli %rem3A_688, %mul3A_1134 : i32
          %add3A_1136 = arith.addi %mul3A_1135, %add3A_841 : i32
          %sub3A_1137 = arith.subi %add3A_1136, %mul3A_686 : i32
          %multiple_of3A_1138 = tpu.assume_multiple %sub3A_1137, 16 : i32
          %dma_start3A_1139 = tpu.memref_slice %arg16[%multiple_of3A_1138] : memref<64000xf32, #tpu.memory_space<vmem>> -> memref<1024xf32, #tpu.memory_space<vmem>>
          %dma_start3A_1140 = tpu.memref_slice %arg7[%reduce_sum3A_481, %multiple_of3A_1133] : memref<64x160000xf32, #tpu.memory_space<hbm>> -> memref<1x1024xf32, #tpu.memory_space<hbm>>
          %dma_start3A_1141 = tpu.memref_squeeze %dma_start3A_1140 : memref<1x1024xf32, #tpu.memory_space<hbm>> -> memref<1024xf32, #tpu.memory_space<hbm>>
          %dma_start3A_1142 = tpu.memref_slice %arg16[%multiple_of3A_1138] : memref<64000xf32, #tpu.memory_space<vmem>> -> memref<1024xf32, #tpu.memory_space<vmem>>
          %dma_start3A_1143 = tpu.memref_slice %arg7[%reduce_sum3A_481, %multiple_of3A_1133] : memref<64x160000xf32, #tpu.memory_space<hbm>> -> memref<1x1024xf32, #tpu.memory_space<hbm>>
          %dma_start3A_1144 = tpu.memref_squeeze %dma_start3A_1143 : memref<1x1024xf32, #tpu.memory_space<hbm>> -> memref<1024xf32, #tpu.memory_space<hbm>>
          tpu.enqueue_dma source(%dma_start3A_1144 : memref<1024xf32, #tpu.memory_space<hbm>>) target(%dma_start3A_1142 : memref<1024xf32, #tpu.memory_space<vmem>>) target_semaphore(%arg22 : memref<!tpu.dma_semaphore, #tpu.memory_space<semaphore_mem>>)
        } else {
        }
        %jit3A_851 = arith.constant 1024 : i32
        %jit3A_852 = arith.constant 0 : i32
        %select_n3A_853 = arith.select %eq3A_847, %jit3A_851, %jit3A_852 : i32
        %add3A_854 = arith.addi %add3A_841, %select_n3A_853 : i32
        %shift_right_arithmetic3A_855 = arith.constant 9 : i32
        %shift_right_arithmetic3A_856 = arith.shrsi %max3A_790, %shift_right_arithmetic3A_855 : i32
        %and3A_857 = arith.constant 1 : i32
        %and3A_858 = arith.andi %shift_right_arithmetic3A_856, %and3A_857 : i32
        %eq3A_859 = arith.constant 1 : i32
        %eq3A_860 = arith.cmpi eq, %and3A_858, %eq3A_859 : i32
        %convert_element_type3A_861 = arith.extui %eq3A_860 : i1 to i32
        %cond3A_862 = arith.constant 0 : i32
        %cond3A_863 = arith.cmpi ne, %convert_element_type3A_861, %cond3A_862 : i32
        scf.if %cond3A_863 {
          %multiple_of3A_1133 = tpu.assume_multiple %add3A_854, 16 : i32
          %mul3A_1134 = arith.constant 32000 : i32
          %mul3A_1135 = arith.muli %rem3A_688, %mul3A_1134 : i32
          %add3A_1136 = arith.addi %mul3A_1135, %add3A_854 : i32
          %sub3A_1137 = arith.subi %add3A_1136, %mul3A_686 : i32
          %multiple_of3A_1138 = tpu.assume_multiple %sub3A_1137, 16 : i32
          %dma_start3A_1139 = tpu.memref_slice %arg16[%multiple_of3A_1138] : memref<64000xf32, #tpu.memory_space<vmem>> -> memref<512xf32, #tpu.memory_space<vmem>>
          %dma_start3A_1140 = tpu.memref_slice %arg7[%reduce_sum3A_481, %multiple_of3A_1133] : memref<64x160000xf32, #tpu.memory_space<hbm>> -> memref<1x512xf32, #tpu.memory_space<hbm>>
          %dma_start3A_1141 = tpu.memref_squeeze %dma_start3A_1140 : memref<1x512xf32, #tpu.memory_space<hbm>> -> memref<512xf32, #tpu.memory_space<hbm>>
          %dma_start3A_1142 = tpu.memref_slice %arg16[%multiple_of3A_1138] : memref<64000xf32, #tpu.memory_space<vmem>> -> memref<512xf32, #tpu.memory_space<vmem>>
          %dma_start3A_1143 = tpu.memref_slice %arg7[%reduce_sum3A_481, %multiple_of3A_1133] : memref<64x160000xf32, #tpu.memory_space<hbm>> -> memref<1x512xf32, #tpu.memory_space<hbm>>
          %dma_start3A_1144 = tpu.memref_squeeze %dma_start3A_1143 : memref<1x512xf32, #tpu.memory_space<hbm>> -> memref<512xf32, #tpu.memory_space<hbm>>
          tpu.enqueue_dma source(%dma_start3A_1144 : memref<512xf32, #tpu.memory_space<hbm>>) target(%dma_start3A_1142 : memref<512xf32, #tpu.memory_space<vmem>>) target_semaphore(%arg22 : memref<!tpu.dma_semaphore, #tpu.memory_space<semaphore_mem>>)
        } else {
        }
        %jit3A_864 = arith.constant 512 : i32
        %jit3A_865 = arith.constant 0 : i32
        %select_n3A_866 = arith.select %eq3A_860, %jit3A_864, %jit3A_865 : i32
        %add3A_867 = arith.addi %add3A_854, %select_n3A_866 : i32
        %shift_right_arithmetic3A_868 = arith.constant 8 : i32
        %shift_right_arithmetic3A_869 = arith.shrsi %max3A_790, %shift_right_arithmetic3A_868 : i32
        %and3A_870 = arith.constant 1 : i32
        %and3A_871 = arith.andi %shift_right_arithmetic3A_869, %and3A_870 : i32
        %eq3A_872 = arith.constant 1 : i32
        %eq3A_873 = arith.cmpi eq, %and3A_871, %eq3A_872 : i32
        %convert_element_type3A_874 = arith.extui %eq3A_873 : i1 to i32
        %cond3A_875 = arith.constant 0 : i32
        %cond3A_876 = arith.cmpi ne, %convert_element_type3A_874, %cond3A_875 : i32
        scf.if %cond3A_876 {
          %multiple_of3A_1133 = tpu.assume_multiple %add3A_867, 16 : i32
          %mul3A_1134 = arith.constant 32000 : i32
          %mul3A_1135 = arith.muli %rem3A_688, %mul3A_1134 : i32
          %add3A_1136 = arith.addi %mul3A_1135, %add3A_867 : i32
          %sub3A_1137 = arith.subi %add3A_1136, %mul3A_686 : i32
          %multiple_of3A_1138 = tpu.assume_multiple %sub3A_1137, 16 : i32
          %dma_start3A_1139 = tpu.memref_slice %arg16[%multiple_of3A_1138] : memref<64000xf32, #tpu.memory_space<vmem>> -> memref<256xf32, #tpu.memory_space<vmem>>
          %dma_start3A_1140 = tpu.memref_slice %arg7[%reduce_sum3A_481, %multiple_of3A_1133] : memref<64x160000xf32, #tpu.memory_space<hbm>> -> memref<1x256xf32, #tpu.memory_space<hbm>>
          %dma_start3A_1141 = tpu.memref_squeeze %dma_start3A_1140 : memref<1x256xf32, #tpu.memory_space<hbm>> -> memref<256xf32, #tpu.memory_space<hbm>>
          %dma_start3A_1142 = tpu.memref_slice %arg16[%multiple_of3A_1138] : memref<64000xf32, #tpu.memory_space<vmem>> -> memref<256xf32, #tpu.memory_space<vmem>>
          %dma_start3A_1143 = tpu.memref_slice %arg7[%reduce_sum3A_481, %multiple_of3A_1133] : memref<64x160000xf32, #tpu.memory_space<hbm>> -> memref<1x256xf32, #tpu.memory_space<hbm>>
          %dma_start3A_1144 = tpu.memref_squeeze %dma_start3A_1143 : memref<1x256xf32, #tpu.memory_space<hbm>> -> memref<256xf32, #tpu.memory_space<hbm>>
          tpu.enqueue_dma source(%dma_start3A_1144 : memref<256xf32, #tpu.memory_space<hbm>>) target(%dma_start3A_1142 : memref<256xf32, #tpu.memory_space<vmem>>) target_semaphore(%arg22 : memref<!tpu.dma_semaphore, #tpu.memory_space<semaphore_mem>>)
        } else {
        }
        %jit3A_877 = arith.constant 256 : i32
        %jit3A_878 = arith.constant 0 : i32
        %select_n3A_879 = arith.select %eq3A_873, %jit3A_877, %jit3A_878 : i32
        %add3A_880 = arith.addi %add3A_867, %select_n3A_879 : i32
        %shift_right_arithmetic3A_881 = arith.constant 7 : i32
        %shift_right_arithmetic3A_882 = arith.shrsi %max3A_790, %shift_right_arithmetic3A_881 : i32
        %and3A_883 = arith.constant 1 : i32
        %and3A_884 = arith.andi %shift_right_arithmetic3A_882, %and3A_883 : i32
        %eq3A_885 = arith.constant 1 : i32
        %eq3A_886 = arith.cmpi eq, %and3A_884, %eq3A_885 : i32
        %convert_element_type3A_887 = arith.extui %eq3A_886 : i1 to i32
        %cond3A_888 = arith.constant 0 : i32
        %cond3A_889 = arith.cmpi ne, %convert_element_type3A_887, %cond3A_888 : i32
        scf.if %cond3A_889 {
          %multiple_of3A_1133 = tpu.assume_multiple %add3A_880, 16 : i32
          %mul3A_1134 = arith.constant 32000 : i32
          %mul3A_1135 = arith.muli %rem3A_688, %mul3A_1134 : i32
          %add3A_1136 = arith.addi %mul3A_1135, %add3A_880 : i32
          %sub3A_1137 = arith.subi %add3A_1136, %mul3A_686 : i32
          %multiple_of3A_1138 = tpu.assume_multiple %sub3A_1137, 16 : i32
          %dma_start3A_1139 = tpu.memref_slice %arg16[%multiple_of3A_1138] : memref<64000xf32, #tpu.memory_space<vmem>> -> memref<128xf32, #tpu.memory_space<vmem>>
          %dma_start3A_1140 = tpu.memref_slice %arg7[%reduce_sum3A_481, %multiple_of3A_1133] : memref<64x160000xf32, #tpu.memory_space<hbm>> -> memref<1x128xf32, #tpu.memory_space<hbm>>
          %dma_start3A_1141 = tpu.memref_squeeze %dma_start3A_1140 : memref<1x128xf32, #tpu.memory_space<hbm>> -> memref<128xf32, #tpu.memory_space<hbm>>
          %dma_start3A_1142 = tpu.memref_slice %arg16[%multiple_of3A_1138] : memref<64000xf32, #tpu.memory_space<vmem>> -> memref<128xf32, #tpu.memory_space<vmem>>
          %dma_start3A_1143 = tpu.memref_slice %arg7[%reduce_sum3A_481, %multiple_of3A_1133] : memref<64x160000xf32, #tpu.memory_space<hbm>> -> memref<1x128xf32, #tpu.memory_space<hbm>>
          %dma_start3A_1144 = tpu.memref_squeeze %dma_start3A_1143 : memref<1x128xf32, #tpu.memory_space<hbm>> -> memref<128xf32, #tpu.memory_space<hbm>>
          tpu.enqueue_dma source(%dma_start3A_1144 : memref<128xf32, #tpu.memory_space<hbm>>) target(%dma_start3A_1142 : memref<128xf32, #tpu.memory_space<vmem>>) target_semaphore(%arg22 : memref<!tpu.dma_semaphore, #tpu.memory_space<semaphore_mem>>)
        } else {
        }
        %jit3A_890 = arith.constant 128 : i32
        %jit3A_891 = arith.constant 0 : i32
        %select_n3A_892 = arith.select %eq3A_886, %jit3A_890, %jit3A_891 : i32
        %add3A_893 = arith.addi %add3A_880, %select_n3A_892 : i32
        %shift_right_arithmetic3A_894 = arith.constant 6 : i32
        %shift_right_arithmetic3A_895 = arith.shrsi %max3A_790, %shift_right_arithmetic3A_894 : i32
        %and3A_896 = arith.constant 1 : i32
        %and3A_897 = arith.andi %shift_right_arithmetic3A_895, %and3A_896 : i32
        %eq3A_898 = arith.constant 1 : i32
        %eq3A_899 = arith.cmpi eq, %and3A_897, %eq3A_898 : i32
        %convert_element_type3A_900 = arith.extui %eq3A_899 : i1 to i32
        %cond3A_901 = arith.constant 0 : i32
        %cond3A_902 = arith.cmpi ne, %convert_element_type3A_900, %cond3A_901 : i32
        scf.if %cond3A_902 {
          %multiple_of3A_1133 = tpu.assume_multiple %add3A_893, 16 : i32
          %mul3A_1134 = arith.constant 32000 : i32
          %mul3A_1135 = arith.muli %rem3A_688, %mul3A_1134 : i32
          %add3A_1136 = arith.addi %mul3A_1135, %add3A_893 : i32
          %sub3A_1137 = arith.subi %add3A_1136, %mul3A_686 : i32
          %multiple_of3A_1138 = tpu.assume_multiple %sub3A_1137, 16 : i32
          %dma_start3A_1139 = tpu.memref_slice %arg16[%multiple_of3A_1138] : memref<64000xf32, #tpu.memory_space<vmem>> -> memref<64xf32, #tpu.memory_space<vmem>>
          %dma_start3A_1140 = tpu.memref_slice %arg7[%reduce_sum3A_481, %multiple_of3A_1133] : memref<64x160000xf32, #tpu.memory_space<hbm>> -> memref<1x64xf32, #tpu.memory_space<hbm>>
          %dma_start3A_1141 = tpu.memref_squeeze %dma_start3A_1140 : memref<1x64xf32, #tpu.memory_space<hbm>> -> memref<64xf32, #tpu.memory_space<hbm>>
          %dma_start3A_1142 = tpu.memref_slice %arg16[%multiple_of3A_1138] : memref<64000xf32, #tpu.memory_space<vmem>> -> memref<64xf32, #tpu.memory_space<vmem>>
          %dma_start3A_1143 = tpu.memref_slice %arg7[%reduce_sum3A_481, %multiple_of3A_1133] : memref<64x160000xf32, #tpu.memory_space<hbm>> -> memref<1x64xf32, #tpu.memory_space<hbm>>
          %dma_start3A_1144 = tpu.memref_squeeze %dma_start3A_1143 : memref<1x64xf32, #tpu.memory_space<hbm>> -> memref<64xf32, #tpu.memory_space<hbm>>
          tpu.enqueue_dma source(%dma_start3A_1144 : memref<64xf32, #tpu.memory_space<hbm>>) target(%dma_start3A_1142 : memref<64xf32, #tpu.memory_space<vmem>>) target_semaphore(%arg22 : memref<!tpu.dma_semaphore, #tpu.memory_space<semaphore_mem>>)
        } else {
        }
        %jit3A_903 = arith.constant 64 : i32
        %jit3A_904 = arith.constant 0 : i32
        %select_n3A_905 = arith.select %eq3A_899, %jit3A_903, %jit3A_904 : i32
        %add3A_906 = arith.addi %add3A_893, %select_n3A_905 : i32
        %shift_right_arithmetic3A_907 = arith.constant 5 : i32
        %shift_right_arithmetic3A_908 = arith.shrsi %max3A_790, %shift_right_arithmetic3A_907 : i32
        %and3A_909 = arith.constant 1 : i32
        %and3A_910 = arith.andi %shift_right_arithmetic3A_908, %and3A_909 : i32
        %eq3A_911 = arith.constant 1 : i32
        %eq3A_912 = arith.cmpi eq, %and3A_910, %eq3A_911 : i32
        %convert_element_type3A_913 = arith.extui %eq3A_912 : i1 to i32
        %cond3A_914 = arith.constant 0 : i32
        %cond3A_915 = arith.cmpi ne, %convert_element_type3A_913, %cond3A_914 : i32
        scf.if %cond3A_915 {
          %multiple_of3A_1133 = tpu.assume_multiple %add3A_906, 16 : i32
          %mul3A_1134 = arith.constant 32000 : i32
          %mul3A_1135 = arith.muli %rem3A_688, %mul3A_1134 : i32
          %add3A_1136 = arith.addi %mul3A_1135, %add3A_906 : i32
          %sub3A_1137 = arith.subi %add3A_1136, %mul3A_686 : i32
          %multiple_of3A_1138 = tpu.assume_multiple %sub3A_1137, 16 : i32
          %dma_start3A_1139 = tpu.memref_slice %arg16[%multiple_of3A_1138] : memref<64000xf32, #tpu.memory_space<vmem>> -> memref<32xf32, #tpu.memory_space<vmem>>
          %dma_start3A_1140 = tpu.memref_slice %arg7[%reduce_sum3A_481, %multiple_of3A_1133] : memref<64x160000xf32, #tpu.memory_space<hbm>> -> memref<1x32xf32, #tpu.memory_space<hbm>>
          %dma_start3A_1141 = tpu.memref_squeeze %dma_start3A_1140 : memref<1x32xf32, #tpu.memory_space<hbm>> -> memref<32xf32, #tpu.memory_space<hbm>>
          %dma_start3A_1142 = tpu.memref_slice %arg16[%multiple_of3A_1138] : memref<64000xf32, #tpu.memory_space<vmem>> -> memref<32xf32, #tpu.memory_space<vmem>>
          %dma_start3A_1143 = tpu.memref_slice %arg7[%reduce_sum3A_481, %multiple_of3A_1133] : memref<64x160000xf32, #tpu.memory_space<hbm>> -> memref<1x32xf32, #tpu.memory_space<hbm>>
          %dma_start3A_1144 = tpu.memref_squeeze %dma_start3A_1143 : memref<1x32xf32, #tpu.memory_space<hbm>> -> memref<32xf32, #tpu.memory_space<hbm>>
          tpu.enqueue_dma source(%dma_start3A_1144 : memref<32xf32, #tpu.memory_space<hbm>>) target(%dma_start3A_1142 : memref<32xf32, #tpu.memory_space<vmem>>) target_semaphore(%arg22 : memref<!tpu.dma_semaphore, #tpu.memory_space<semaphore_mem>>)
        } else {
        }
        %jit3A_916 = arith.constant 32 : i32
        %jit3A_917 = arith.constant 0 : i32
        %select_n3A_918 = arith.select %eq3A_912, %jit3A_916, %jit3A_917 : i32
        %add3A_919 = arith.addi %add3A_906, %select_n3A_918 : i32
        %shift_right_arithmetic3A_920 = arith.constant 4 : i32
        %shift_right_arithmetic3A_921 = arith.shrsi %max3A_790, %shift_right_arithmetic3A_920 : i32
        %and3A_922 = arith.constant 1 : i32
        %and3A_923 = arith.andi %shift_right_arithmetic3A_921, %and3A_922 : i32
        %eq3A_924 = arith.constant 1 : i32
        %eq3A_925 = arith.cmpi eq, %and3A_923, %eq3A_924 : i32
        %convert_element_type3A_926 = arith.extui %eq3A_925 : i1 to i32
        %cond3A_927 = arith.constant 0 : i32
        %cond3A_928 = arith.cmpi ne, %convert_element_type3A_926, %cond3A_927 : i32
        scf.if %cond3A_928 {
          %multiple_of3A_1133 = tpu.assume_multiple %add3A_919, 16 : i32
          %mul3A_1134 = arith.constant 32000 : i32
          %mul3A_1135 = arith.muli %rem3A_688, %mul3A_1134 : i32
          %add3A_1136 = arith.addi %mul3A_1135, %add3A_919 : i32
          %sub3A_1137 = arith.subi %add3A_1136, %mul3A_686 : i32
          %multiple_of3A_1138 = tpu.assume_multiple %sub3A_1137, 16 : i32
          %dma_start3A_1139 = tpu.memref_slice %arg16[%multiple_of3A_1138] : memref<64000xf32, #tpu.memory_space<vmem>> -> memref<16xf32, #tpu.memory_space<vmem>>
          %dma_start3A_1140 = tpu.memref_slice %arg7[%reduce_sum3A_481, %multiple_of3A_1133] : memref<64x160000xf32, #tpu.memory_space<hbm>> -> memref<1x16xf32, #tpu.memory_space<hbm>>
          %dma_start3A_1141 = tpu.memref_squeeze %dma_start3A_1140 : memref<1x16xf32, #tpu.memory_space<hbm>> -> memref<16xf32, #tpu.memory_space<hbm>>
          %dma_start3A_1142 = tpu.memref_slice %arg16[%multiple_of3A_1138] : memref<64000xf32, #tpu.memory_space<vmem>> -> memref<16xf32, #tpu.memory_space<vmem>>
          %dma_start3A_1143 = tpu.memref_slice %arg7[%reduce_sum3A_481, %multiple_of3A_1133] : memref<64x160000xf32, #tpu.memory_space<hbm>> -> memref<1x16xf32, #tpu.memory_space<hbm>>
          %dma_start3A_1144 = tpu.memref_squeeze %dma_start3A_1143 : memref<1x16xf32, #tpu.memory_space<hbm>> -> memref<16xf32, #tpu.memory_space<hbm>>
          tpu.enqueue_dma source(%dma_start3A_1144 : memref<16xf32, #tpu.memory_space<hbm>>) target(%dma_start3A_1142 : memref<16xf32, #tpu.memory_space<vmem>>) target_semaphore(%arg22 : memref<!tpu.dma_semaphore, #tpu.memory_space<semaphore_mem>>)
        } else {
        }
        %jit3A_929 = arith.constant 16 : i32
        %jit3A_930 = arith.constant 0 : i32
        %select_n3A_931 = arith.select %eq3A_925, %jit3A_929, %jit3A_930 : i32
        %add3A_932 = arith.addi %add3A_919, %select_n3A_931 : i32
        %shift_right_arithmetic3A_933 = arith.constant 14 : i32
        %shift_right_arithmetic3A_934 = arith.shrsi %max3A_790, %shift_right_arithmetic3A_933 : i32
        %and3A_935 = arith.constant 1 : i32
        %and3A_936 = arith.andi %shift_right_arithmetic3A_934, %and3A_935 : i32
        %eq3A_937 = arith.constant 1 : i32
        %eq3A_938 = arith.cmpi eq, %and3A_936, %eq3A_937 : i32
        %convert_element_type3A_939 = arith.extui %eq3A_938 : i1 to i32
        %cond3A_940 = arith.constant 0 : i32
        %cond3A_941 = arith.cmpi ne, %convert_element_type3A_939, %cond3A_940 : i32
        scf.if %cond3A_941 {
          %multiple_of3A_1133 = tpu.assume_multiple %mul3A_761, 16 : i32
          %mul3A_1134 = arith.constant 32000 : i32
          %mul3A_1135 = arith.muli %rem3A_688, %mul3A_1134 : i32
          %add3A_1136 = arith.addi %mul3A_1135, %mul3A_761 : i32
          %sub3A_1137 = arith.subi %add3A_1136, %mul3A_686 : i32
          %multiple_of3A_1138 = tpu.assume_multiple %sub3A_1137, 16 : i32
          %dma_wait3A_1139 = tpu.memref_slice %arg16[%multiple_of3A_1138] : memref<64000xf32, #tpu.memory_space<vmem>> -> memref<16384xf32, #tpu.memory_space<vmem>>
          %dma_wait3A_1140 = tpu.memref_slice %arg7[%reduce_sum3A_481, %multiple_of3A_1133] : memref<64x160000xf32, #tpu.memory_space<hbm>> -> memref<1x16384xf32, #tpu.memory_space<hbm>>
          %dma_wait3A_1141 = tpu.memref_squeeze %dma_wait3A_1140 : memref<1x16384xf32, #tpu.memory_space<hbm>> -> memref<16384xf32, #tpu.memory_space<hbm>>
          %dma_wait3A_1142 = tpu.memref_slice %arg16[%multiple_of3A_1138] : memref<64000xf32, #tpu.memory_space<vmem>> -> memref<16384xf32, #tpu.memory_space<vmem>>
          %dma_wait3A_1143 = tpu.memref_slice %arg7[%reduce_sum3A_481, %multiple_of3A_1133] : memref<64x160000xf32, #tpu.memory_space<hbm>> -> memref<1x16384xf32, #tpu.memory_space<hbm>>
          %dma_wait3A_1144 = tpu.memref_squeeze %dma_wait3A_1143 : memref<1x16384xf32, #tpu.memory_space<hbm>> -> memref<16384xf32, #tpu.memory_space<hbm>>
          tpu.wait_dma2 semaphore(%arg22 : memref<!tpu.dma_semaphore, #tpu.memory_space<semaphore_mem>>) src(%dma_wait3A_1144 : memref<16384xf32, #tpu.memory_space<hbm>>) dst(%dma_wait3A_1142 : memref<16384xf32, #tpu.memory_space<vmem>>)
        } else {
        }
        %jit3A_942 = arith.constant 16384 : i32
        %jit3A_943 = arith.constant 0 : i32
        %select_n3A_944 = arith.select %eq3A_938, %jit3A_942, %jit3A_943 : i32
        %add3A_945 = arith.addi %mul3A_761, %select_n3A_944 : i32
        %shift_right_arithmetic3A_946 = arith.constant 13 : i32
        %shift_right_arithmetic3A_947 = arith.shrsi %max3A_790, %shift_right_arithmetic3A_946 : i32
        %and3A_948 = arith.constant 1 : i32
        %and3A_949 = arith.andi %shift_right_arithmetic3A_947, %and3A_948 : i32
        %eq3A_950 = arith.constant 1 : i32
        %eq3A_951 = arith.cmpi eq, %and3A_949, %eq3A_950 : i32
        %convert_element_type3A_952 = arith.extui %eq3A_951 : i1 to i32
        %cond3A_953 = arith.constant 0 : i32
        %cond3A_954 = arith.cmpi ne, %convert_element_type3A_952, %cond3A_953 : i32
        scf.if %cond3A_954 {
          %multiple_of3A_1133 = tpu.assume_multiple %add3A_945, 16 : i32
          %mul3A_1134 = arith.constant 32000 : i32
          %mul3A_1135 = arith.muli %rem3A_688, %mul3A_1134 : i32
          %add3A_1136 = arith.addi %mul3A_1135, %add3A_945 : i32
          %sub3A_1137 = arith.subi %add3A_1136, %mul3A_686 : i32
          %multiple_of3A_1138 = tpu.assume_multiple %sub3A_1137, 16 : i32
          %dma_wait3A_1139 = tpu.memref_slice %arg16[%multiple_of3A_1138] : memref<64000xf32, #tpu.memory_space<vmem>> -> memref<8192xf32, #tpu.memory_space<vmem>>
          %dma_wait3A_1140 = tpu.memref_slice %arg7[%reduce_sum3A_481, %multiple_of3A_1133] : memref<64x160000xf32, #tpu.memory_space<hbm>> -> memref<1x8192xf32, #tpu.memory_space<hbm>>
          %dma_wait3A_1141 = tpu.memref_squeeze %dma_wait3A_1140 : memref<1x8192xf32, #tpu.memory_space<hbm>> -> memref<8192xf32, #tpu.memory_space<hbm>>
          %dma_wait3A_1142 = tpu.memref_slice %arg16[%multiple_of3A_1138] : memref<64000xf32, #tpu.memory_space<vmem>> -> memref<8192xf32, #tpu.memory_space<vmem>>
          %dma_wait3A_1143 = tpu.memref_slice %arg7[%reduce_sum3A_481, %multiple_of3A_1133] : memref<64x160000xf32, #tpu.memory_space<hbm>> -> memref<1x8192xf32, #tpu.memory_space<hbm>>
          %dma_wait3A_1144 = tpu.memref_squeeze %dma_wait3A_1143 : memref<1x8192xf32, #tpu.memory_space<hbm>> -> memref<8192xf32, #tpu.memory_space<hbm>>
          tpu.wait_dma2 semaphore(%arg22 : memref<!tpu.dma_semaphore, #tpu.memory_space<semaphore_mem>>) src(%dma_wait3A_1144 : memref<8192xf32, #tpu.memory_space<hbm>>) dst(%dma_wait3A_1142 : memref<8192xf32, #tpu.memory_space<vmem>>)
        } else {
        }
        %jit3A_955 = arith.constant 8192 : i32
        %jit3A_956 = arith.constant 0 : i32
        %select_n3A_957 = arith.select %eq3A_951, %jit3A_955, %jit3A_956 : i32
        %add3A_958 = arith.addi %add3A_945, %select_n3A_957 : i32
        %shift_right_arithmetic3A_959 = arith.constant 12 : i32
        %shift_right_arithmetic3A_960 = arith.shrsi %max3A_790, %shift_right_arithmetic3A_959 : i32
        %and3A_961 = arith.constant 1 : i32
        %and3A_962 = arith.andi %shift_right_arithmetic3A_960, %and3A_961 : i32
        %eq3A_963 = arith.constant 1 : i32
        %eq3A_964 = arith.cmpi eq, %and3A_962, %eq3A_963 : i32
        %convert_element_type3A_965 = arith.extui %eq3A_964 : i1 to i32
        %cond3A_966 = arith.constant 0 : i32
        %cond3A_967 = arith.cmpi ne, %convert_element_type3A_965, %cond3A_966 : i32
        scf.if %cond3A_967 {
          %multiple_of3A_1133 = tpu.assume_multiple %add3A_958, 16 : i32
          %mul3A_1134 = arith.constant 32000 : i32
          %mul3A_1135 = arith.muli %rem3A_688, %mul3A_1134 : i32
          %add3A_1136 = arith.addi %mul3A_1135, %add3A_958 : i32
          %sub3A_1137 = arith.subi %add3A_1136, %mul3A_686 : i32
          %multiple_of3A_1138 = tpu.assume_multiple %sub3A_1137, 16 : i32
          %dma_wait3A_1139 = tpu.memref_slice %arg16[%multiple_of3A_1138] : memref<64000xf32, #tpu.memory_space<vmem>> -> memref<4096xf32, #tpu.memory_space<vmem>>
          %dma_wait3A_1140 = tpu.memref_slice %arg7[%reduce_sum3A_481, %multiple_of3A_1133] : memref<64x160000xf32, #tpu.memory_space<hbm>> -> memref<1x4096xf32, #tpu.memory_space<hbm>>
          %dma_wait3A_1141 = tpu.memref_squeeze %dma_wait3A_1140 : memref<1x4096xf32, #tpu.memory_space<hbm>> -> memref<4096xf32, #tpu.memory_space<hbm>>
          %dma_wait3A_1142 = tpu.memref_slice %arg16[%multiple_of3A_1138] : memref<64000xf32, #tpu.memory_space<vmem>> -> memref<4096xf32, #tpu.memory_space<vmem>>
          %dma_wait3A_1143 = tpu.memref_slice %arg7[%reduce_sum3A_481, %multiple_of3A_1133] : memref<64x160000xf32, #tpu.memory_space<hbm>> -> memref<1x4096xf32, #tpu.memory_space<hbm>>
          %dma_wait3A_1144 = tpu.memref_squeeze %dma_wait3A_1143 : memref<1x4096xf32, #tpu.memory_space<hbm>> -> memref<4096xf32, #tpu.memory_space<hbm>>
          tpu.wait_dma2 semaphore(%arg22 : memref<!tpu.dma_semaphore, #tpu.memory_space<semaphore_mem>>) src(%dma_wait3A_1144 : memref<4096xf32, #tpu.memory_space<hbm>>) dst(%dma_wait3A_1142 : memref<4096xf32, #tpu.memory_space<vmem>>)
        } else {
        }
        %jit3A_968 = arith.constant 4096 : i32
        %jit3A_969 = arith.constant 0 : i32
        %select_n3A_970 = arith.select %eq3A_964, %jit3A_968, %jit3A_969 : i32
        %add3A_971 = arith.addi %add3A_958, %select_n3A_970 : i32
        %shift_right_arithmetic3A_972 = arith.constant 11 : i32
        %shift_right_arithmetic3A_973 = arith.shrsi %max3A_790, %shift_right_arithmetic3A_972 : i32
        %and3A_974 = arith.constant 1 : i32
        %and3A_975 = arith.andi %shift_right_arithmetic3A_973, %and3A_974 : i32
        %eq3A_976 = arith.constant 1 : i32
        %eq3A_977 = arith.cmpi eq, %and3A_975, %eq3A_976 : i32
        %convert_element_type3A_978 = arith.extui %eq3A_977 : i1 to i32
        %cond3A_979 = arith.constant 0 : i32
        %cond3A_980 = arith.cmpi ne, %convert_element_type3A_978, %cond3A_979 : i32
        scf.if %cond3A_980 {
          %multiple_of3A_1133 = tpu.assume_multiple %add3A_971, 16 : i32
          %mul3A_1134 = arith.constant 32000 : i32
          %mul3A_1135 = arith.muli %rem3A_688, %mul3A_1134 : i32
          %add3A_1136 = arith.addi %mul3A_1135, %add3A_971 : i32
          %sub3A_1137 = arith.subi %add3A_1136, %mul3A_686 : i32
          %multiple_of3A_1138 = tpu.assume_multiple %sub3A_1137, 16 : i32
          %dma_wait3A_1139 = tpu.memref_slice %arg16[%multiple_of3A_1138] : memref<64000xf32, #tpu.memory_space<vmem>> -> memref<2048xf32, #tpu.memory_space<vmem>>
          %dma_wait3A_1140 = tpu.memref_slice %arg7[%reduce_sum3A_481, %multiple_of3A_1133] : memref<64x160000xf32, #tpu.memory_space<hbm>> -> memref<1x2048xf32, #tpu.memory_space<hbm>>
          %dma_wait3A_1141 = tpu.memref_squeeze %dma_wait3A_1140 : memref<1x2048xf32, #tpu.memory_space<hbm>> -> memref<2048xf32, #tpu.memory_space<hbm>>
          %dma_wait3A_1142 = tpu.memref_slice %arg16[%multiple_of3A_1138] : memref<64000xf32, #tpu.memory_space<vmem>> -> memref<2048xf32, #tpu.memory_space<vmem>>
          %dma_wait3A_1143 = tpu.memref_slice %arg7[%reduce_sum3A_481, %multiple_of3A_1133] : memref<64x160000xf32, #tpu.memory_space<hbm>> -> memref<1x2048xf32, #tpu.memory_space<hbm>>
          %dma_wait3A_1144 = tpu.memref_squeeze %dma_wait3A_1143 : memref<1x2048xf32, #tpu.memory_space<hbm>> -> memref<2048xf32, #tpu.memory_space<hbm>>
          tpu.wait_dma2 semaphore(%arg22 : memref<!tpu.dma_semaphore, #tpu.memory_space<semaphore_mem>>) src(%dma_wait3A_1144 : memref<2048xf32, #tpu.memory_space<hbm>>) dst(%dma_wait3A_1142 : memref<2048xf32, #tpu.memory_space<vmem>>)
        } else {
        }
        %jit3A_981 = arith.constant 2048 : i32
        %jit3A_982 = arith.constant 0 : i32
        %select_n3A_983 = arith.select %eq3A_977, %jit3A_981, %jit3A_982 : i32
        %add3A_984 = arith.addi %add3A_971, %select_n3A_983 : i32
        %shift_right_arithmetic3A_985 = arith.constant 10 : i32
        %shift_right_arithmetic3A_986 = arith.shrsi %max3A_790, %shift_right_arithmetic3A_985 : i32
        %and3A_987 = arith.constant 1 : i32
        %and3A_988 = arith.andi %shift_right_arithmetic3A_986, %and3A_987 : i32
        %eq3A_989 = arith.constant 1 : i32
        %eq3A_990 = arith.cmpi eq, %and3A_988, %eq3A_989 : i32
        %convert_element_type3A_991 = arith.extui %eq3A_990 : i1 to i32
        %cond3A_992 = arith.constant 0 : i32
        %cond3A_993 = arith.cmpi ne, %convert_element_type3A_991, %cond3A_992 : i32
        scf.if %cond3A_993 {
          %multiple_of3A_1133 = tpu.assume_multiple %add3A_984, 16 : i32
          %mul3A_1134 = arith.constant 32000 : i32
          %mul3A_1135 = arith.muli %rem3A_688, %mul3A_1134 : i32
          %add3A_1136 = arith.addi %mul3A_1135, %add3A_984 : i32
          %sub3A_1137 = arith.subi %add3A_1136, %mul3A_686 : i32
          %multiple_of3A_1138 = tpu.assume_multiple %sub3A_1137, 16 : i32
          %dma_wait3A_1139 = tpu.memref_slice %arg16[%multiple_of3A_1138] : memref<64000xf32, #tpu.memory_space<vmem>> -> memref<1024xf32, #tpu.memory_space<vmem>>
          %dma_wait3A_1140 = tpu.memref_slice %arg7[%reduce_sum3A_481, %multiple_of3A_1133] : memref<64x160000xf32, #tpu.memory_space<hbm>> -> memref<1x1024xf32, #tpu.memory_space<hbm>>
          %dma_wait3A_1141 = tpu.memref_squeeze %dma_wait3A_1140 : memref<1x1024xf32, #tpu.memory_space<hbm>> -> memref<1024xf32, #tpu.memory_space<hbm>>
          %dma_wait3A_1142 = tpu.memref_slice %arg16[%multiple_of3A_1138] : memref<64000xf32, #tpu.memory_space<vmem>> -> memref<1024xf32, #tpu.memory_space<vmem>>
          %dma_wait3A_1143 = tpu.memref_slice %arg7[%reduce_sum3A_481, %multiple_of3A_1133] : memref<64x160000xf32, #tpu.memory_space<hbm>> -> memref<1x1024xf32, #tpu.memory_space<hbm>>
          %dma_wait3A_1144 = tpu.memref_squeeze %dma_wait3A_1143 : memref<1x1024xf32, #tpu.memory_space<hbm>> -> memref<1024xf32, #tpu.memory_space<hbm>>
          tpu.wait_dma2 semaphore(%arg22 : memref<!tpu.dma_semaphore, #tpu.memory_space<semaphore_mem>>) src(%dma_wait3A_1144 : memref<1024xf32, #tpu.memory_space<hbm>>) dst(%dma_wait3A_1142 : memref<1024xf32, #tpu.memory_space<vmem>>)
        } else {
        }
        %jit3A_994 = arith.constant 1024 : i32
        %jit3A_995 = arith.constant 0 : i32
        %select_n3A_996 = arith.select %eq3A_990, %jit3A_994, %jit3A_995 : i32
        %add3A_997 = arith.addi %add3A_984, %select_n3A_996 : i32
        %shift_right_arithmetic3A_998 = arith.constant 9 : i32
        %shift_right_arithmetic3A_999 = arith.shrsi %max3A_790, %shift_right_arithmetic3A_998 : i32
        %and3A_1000 = arith.constant 1 : i32
        %and3A_1001 = arith.andi %shift_right_arithmetic3A_999, %and3A_1000 : i32
        %eq3A_1002 = arith.constant 1 : i32
        %eq3A_1003 = arith.cmpi eq, %and3A_1001, %eq3A_1002 : i32
        %convert_element_type3A_1004 = arith.extui %eq3A_1003 : i1 to i32
        %cond3A_1005 = arith.constant 0 : i32
        %cond3A_1006 = arith.cmpi ne, %convert_element_type3A_1004, %cond3A_1005 : i32
        scf.if %cond3A_1006 {
          %multiple_of3A_1133 = tpu.assume_multiple %add3A_997, 16 : i32
          %mul3A_1134 = arith.constant 32000 : i32
          %mul3A_1135 = arith.muli %rem3A_688, %mul3A_1134 : i32
          %add3A_1136 = arith.addi %mul3A_1135, %add3A_997 : i32
          %sub3A_1137 = arith.subi %add3A_1136, %mul3A_686 : i32
          %multiple_of3A_1138 = tpu.assume_multiple %sub3A_1137, 16 : i32
          %dma_wait3A_1139 = tpu.memref_slice %arg16[%multiple_of3A_1138] : memref<64000xf32, #tpu.memory_space<vmem>> -> memref<512xf32, #tpu.memory_space<vmem>>
          %dma_wait3A_1140 = tpu.memref_slice %arg7[%reduce_sum3A_481, %multiple_of3A_1133] : memref<64x160000xf32, #tpu.memory_space<hbm>> -> memref<1x512xf32, #tpu.memory_space<hbm>>
          %dma_wait3A_1141 = tpu.memref_squeeze %dma_wait3A_1140 : memref<1x512xf32, #tpu.memory_space<hbm>> -> memref<512xf32, #tpu.memory_space<hbm>>
          %dma_wait3A_1142 = tpu.memref_slice %arg16[%multiple_of3A_1138] : memref<64000xf32, #tpu.memory_space<vmem>> -> memref<512xf32, #tpu.memory_space<vmem>>
          %dma_wait3A_1143 = tpu.memref_slice %arg7[%reduce_sum3A_481, %multiple_of3A_1133] : memref<64x160000xf32, #tpu.memory_space<hbm>> -> memref<1x512xf32, #tpu.memory_space<hbm>>
          %dma_wait3A_1144 = tpu.memref_squeeze %dma_wait3A_1143 : memref<1x512xf32, #tpu.memory_space<hbm>> -> memref<512xf32, #tpu.memory_space<hbm>>
          tpu.wait_dma2 semaphore(%arg22 : memref<!tpu.dma_semaphore, #tpu.memory_space<semaphore_mem>>) src(%dma_wait3A_1144 : memref<512xf32, #tpu.memory_space<hbm>>) dst(%dma_wait3A_1142 : memref<512xf32, #tpu.memory_space<vmem>>)
        } else {
        }
        %jit3A_1007 = arith.constant 512 : i32
        %jit3A_1008 = arith.constant 0 : i32
        %select_n3A_1009 = arith.select %eq3A_1003, %jit3A_1007, %jit3A_1008 : i32
        %add3A_1010 = arith.addi %add3A_997, %select_n3A_1009 : i32
        %shift_right_arithmetic3A_1011 = arith.constant 8 : i32
        %shift_right_arithmetic3A_1012 = arith.shrsi %max3A_790, %shift_right_arithmetic3A_1011 : i32
        %and3A_1013 = arith.constant 1 : i32
        %and3A_1014 = arith.andi %shift_right_arithmetic3A_1012, %and3A_1013 : i32
        %eq3A_1015 = arith.constant 1 : i32
        %eq3A_1016 = arith.cmpi eq, %and3A_1014, %eq3A_1015 : i32
        %convert_element_type3A_1017 = arith.extui %eq3A_1016 : i1 to i32
        %cond3A_1018 = arith.constant 0 : i32
        %cond3A_1019 = arith.cmpi ne, %convert_element_type3A_1017, %cond3A_1018 : i32
        scf.if %cond3A_1019 {
          %multiple_of3A_1133 = tpu.assume_multiple %add3A_1010, 16 : i32
          %mul3A_1134 = arith.constant 32000 : i32
          %mul3A_1135 = arith.muli %rem3A_688, %mul3A_1134 : i32
          %add3A_1136 = arith.addi %mul3A_1135, %add3A_1010 : i32
          %sub3A_1137 = arith.subi %add3A_1136, %mul3A_686 : i32
          %multiple_of3A_1138 = tpu.assume_multiple %sub3A_1137, 16 : i32
          %dma_wait3A_1139 = tpu.memref_slice %arg16[%multiple_of3A_1138] : memref<64000xf32, #tpu.memory_space<vmem>> -> memref<256xf32, #tpu.memory_space<vmem>>
          %dma_wait3A_1140 = tpu.memref_slice %arg7[%reduce_sum3A_481, %multiple_of3A_1133] : memref<64x160000xf32, #tpu.memory_space<hbm>> -> memref<1x256xf32, #tpu.memory_space<hbm>>
          %dma_wait3A_1141 = tpu.memref_squeeze %dma_wait3A_1140 : memref<1x256xf32, #tpu.memory_space<hbm>> -> memref<256xf32, #tpu.memory_space<hbm>>
          %dma_wait3A_1142 = tpu.memref_slice %arg16[%multiple_of3A_1138] : memref<64000xf32, #tpu.memory_space<vmem>> -> memref<256xf32, #tpu.memory_space<vmem>>
          %dma_wait3A_1143 = tpu.memref_slice %arg7[%reduce_sum3A_481, %multiple_of3A_1133] : memref<64x160000xf32, #tpu.memory_space<hbm>> -> memref<1x256xf32, #tpu.memory_space<hbm>>
          %dma_wait3A_1144 = tpu.memref_squeeze %dma_wait3A_1143 : memref<1x256xf32, #tpu.memory_space<hbm>> -> memref<256xf32, #tpu.memory_space<hbm>>
          tpu.wait_dma2 semaphore(%arg22 : memref<!tpu.dma_semaphore, #tpu.memory_space<semaphore_mem>>) src(%dma_wait3A_1144 : memref<256xf32, #tpu.memory_space<hbm>>) dst(%dma_wait3A_1142 : memref<256xf32, #tpu.memory_space<vmem>>)
        } else {
        }
        %jit3A_1020 = arith.constant 256 : i32
        %jit3A_1021 = arith.constant 0 : i32
        %select_n3A_1022 = arith.select %eq3A_1016, %jit3A_1020, %jit3A_1021 : i32
        %add3A_1023 = arith.addi %add3A_1010, %select_n3A_1022 : i32
        %shift_right_arithmetic3A_1024 = arith.constant 7 : i32
        %shift_right_arithmetic3A_1025 = arith.shrsi %max3A_790, %shift_right_arithmetic3A_1024 : i32
        %and3A_1026 = arith.constant 1 : i32
        %and3A_1027 = arith.andi %shift_right_arithmetic3A_1025, %and3A_1026 : i32
        %eq3A_1028 = arith.constant 1 : i32
        %eq3A_1029 = arith.cmpi eq, %and3A_1027, %eq3A_1028 : i32
        %convert_element_type3A_1030 = arith.extui %eq3A_1029 : i1 to i32
        %cond3A_1031 = arith.constant 0 : i32
        %cond3A_1032 = arith.cmpi ne, %convert_element_type3A_1030, %cond3A_1031 : i32
        scf.if %cond3A_1032 {
          %multiple_of3A_1133 = tpu.assume_multiple %add3A_1023, 16 : i32
          %mul3A_1134 = arith.constant 32000 : i32
          %mul3A_1135 = arith.muli %rem3A_688, %mul3A_1134 : i32
          %add3A_1136 = arith.addi %mul3A_1135, %add3A_1023 : i32
          %sub3A_1137 = arith.subi %add3A_1136, %mul3A_686 : i32
          %multiple_of3A_1138 = tpu.assume_multiple %sub3A_1137, 16 : i32
          %dma_wait3A_1139 = tpu.memref_slice %arg16[%multiple_of3A_1138] : memref<64000xf32, #tpu.memory_space<vmem>> -> memref<128xf32, #tpu.memory_space<vmem>>
          %dma_wait3A_1140 = tpu.memref_slice %arg7[%reduce_sum3A_481, %multiple_of3A_1133] : memref<64x160000xf32, #tpu.memory_space<hbm>> -> memref<1x128xf32, #tpu.memory_space<hbm>>
          %dma_wait3A_1141 = tpu.memref_squeeze %dma_wait3A_1140 : memref<1x128xf32, #tpu.memory_space<hbm>> -> memref<128xf32, #tpu.memory_space<hbm>>
          %dma_wait3A_1142 = tpu.memref_slice %arg16[%multiple_of3A_1138] : memref<64000xf32, #tpu.memory_space<vmem>> -> memref<128xf32, #tpu.memory_space<vmem>>
          %dma_wait3A_1143 = tpu.memref_slice %arg7[%reduce_sum3A_481, %multiple_of3A_1133] : memref<64x160000xf32, #tpu.memory_space<hbm>> -> memref<1x128xf32, #tpu.memory_space<hbm>>
          %dma_wait3A_1144 = tpu.memref_squeeze %dma_wait3A_1143 : memref<1x128xf32, #tpu.memory_space<hbm>> -> memref<128xf32, #tpu.memory_space<hbm>>
          tpu.wait_dma2 semaphore(%arg22 : memref<!tpu.dma_semaphore, #tpu.memory_space<semaphore_mem>>) src(%dma_wait3A_1144 : memref<128xf32, #tpu.memory_space<hbm>>) dst(%dma_wait3A_1142 : memref<128xf32, #tpu.memory_space<vmem>>)
        } else {
        }
        %jit3A_1033 = arith.constant 128 : i32
        %jit3A_1034 = arith.constant 0 : i32
        %select_n3A_1035 = arith.select %eq3A_1029, %jit3A_1033, %jit3A_1034 : i32
        %add3A_1036 = arith.addi %add3A_1023, %select_n3A_1035 : i32
        %shift_right_arithmetic3A_1037 = arith.constant 6 : i32
        %shift_right_arithmetic3A_1038 = arith.shrsi %max3A_790, %shift_right_arithmetic3A_1037 : i32
        %and3A_1039 = arith.constant 1 : i32
        %and3A_1040 = arith.andi %shift_right_arithmetic3A_1038, %and3A_1039 : i32
        %eq3A_1041 = arith.constant 1 : i32
        %eq3A_1042 = arith.cmpi eq, %and3A_1040, %eq3A_1041 : i32
        %convert_element_type3A_1043 = arith.extui %eq3A_1042 : i1 to i32
        %cond3A_1044 = arith.constant 0 : i32
        %cond3A_1045 = arith.cmpi ne, %convert_element_type3A_1043, %cond3A_1044 : i32
        scf.if %cond3A_1045 {
          %multiple_of3A_1133 = tpu.assume_multiple %add3A_1036, 16 : i32
          %mul3A_1134 = arith.constant 32000 : i32
          %mul3A_1135 = arith.muli %rem3A_688, %mul3A_1134 : i32
          %add3A_1136 = arith.addi %mul3A_1135, %add3A_1036 : i32
          %sub3A_1137 = arith.subi %add3A_1136, %mul3A_686 : i32
          %multiple_of3A_1138 = tpu.assume_multiple %sub3A_1137, 16 : i32
          %dma_wait3A_1139 = tpu.memref_slice %arg16[%multiple_of3A_1138] : memref<64000xf32, #tpu.memory_space<vmem>> -> memref<64xf32, #tpu.memory_space<vmem>>
          %dma_wait3A_1140 = tpu.memref_slice %arg7[%reduce_sum3A_481, %multiple_of3A_1133] : memref<64x160000xf32, #tpu.memory_space<hbm>> -> memref<1x64xf32, #tpu.memory_space<hbm>>
          %dma_wait3A_1141 = tpu.memref_squeeze %dma_wait3A_1140 : memref<1x64xf32, #tpu.memory_space<hbm>> -> memref<64xf32, #tpu.memory_space<hbm>>
          %dma_wait3A_1142 = tpu.memref_slice %arg16[%multiple_of3A_1138] : memref<64000xf32, #tpu.memory_space<vmem>> -> memref<64xf32, #tpu.memory_space<vmem>>
          %dma_wait3A_1143 = tpu.memref_slice %arg7[%reduce_sum3A_481, %multiple_of3A_1133] : memref<64x160000xf32, #tpu.memory_space<hbm>> -> memref<1x64xf32, #tpu.memory_space<hbm>>
          %dma_wait3A_1144 = tpu.memref_squeeze %dma_wait3A_1143 : memref<1x64xf32, #tpu.memory_space<hbm>> -> memref<64xf32, #tpu.memory_space<hbm>>
          tpu.wait_dma2 semaphore(%arg22 : memref<!tpu.dma_semaphore, #tpu.memory_space<semaphore_mem>>) src(%dma_wait3A_1144 : memref<64xf32, #tpu.memory_space<hbm>>) dst(%dma_wait3A_1142 : memref<64xf32, #tpu.memory_space<vmem>>)
        } else {
        }
        %jit3A_1046 = arith.constant 64 : i32
        %jit3A_1047 = arith.constant 0 : i32
        %select_n3A_1048 = arith.select %eq3A_1042, %jit3A_1046, %jit3A_1047 : i32
        %add3A_1049 = arith.addi %add3A_1036, %select_n3A_1048 : i32
        %shift_right_arithmetic3A_1050 = arith.constant 5 : i32
        %shift_right_arithmetic3A_1051 = arith.shrsi %max3A_790, %shift_right_arithmetic3A_1050 : i32
        %and3A_1052 = arith.constant 1 : i32
        %and3A_1053 = arith.andi %shift_right_arithmetic3A_1051, %and3A_1052 : i32
        %eq3A_1054 = arith.constant 1 : i32
        %eq3A_1055 = arith.cmpi eq, %and3A_1053, %eq3A_1054 : i32
        %convert_element_type3A_1056 = arith.extui %eq3A_1055 : i1 to i32
        %cond3A_1057 = arith.constant 0 : i32
        %cond3A_1058 = arith.cmpi ne, %convert_element_type3A_1056, %cond3A_1057 : i32
        scf.if %cond3A_1058 {
          %multiple_of3A_1133 = tpu.assume_multiple %add3A_1049, 16 : i32
          %mul3A_1134 = arith.constant 32000 : i32
          %mul3A_1135 = arith.muli %rem3A_688, %mul3A_1134 : i32
          %add3A_1136 = arith.addi %mul3A_1135, %add3A_1049 : i32
          %sub3A_1137 = arith.subi %add3A_1136, %mul3A_686 : i32
          %multiple_of3A_1138 = tpu.assume_multiple %sub3A_1137, 16 : i32
          %dma_wait3A_1139 = tpu.memref_slice %arg16[%multiple_of3A_1138] : memref<64000xf32, #tpu.memory_space<vmem>> -> memref<32xf32, #tpu.memory_space<vmem>>
          %dma_wait3A_1140 = tpu.memref_slice %arg7[%reduce_sum3A_481, %multiple_of3A_1133] : memref<64x160000xf32, #tpu.memory_space<hbm>> -> memref<1x32xf32, #tpu.memory_space<hbm>>
          %dma_wait3A_1141 = tpu.memref_squeeze %dma_wait3A_1140 : memref<1x32xf32, #tpu.memory_space<hbm>> -> memref<32xf32, #tpu.memory_space<hbm>>
          %dma_wait3A_1142 = tpu.memref_slice %arg16[%multiple_of3A_1138] : memref<64000xf32, #tpu.memory_space<vmem>> -> memref<32xf32, #tpu.memory_space<vmem>>
          %dma_wait3A_1143 = tpu.memref_slice %arg7[%reduce_sum3A_481, %multiple_of3A_1133] : memref<64x160000xf32, #tpu.memory_space<hbm>> -> memref<1x32xf32, #tpu.memory_space<hbm>>
          %dma_wait3A_1144 = tpu.memref_squeeze %dma_wait3A_1143 : memref<1x32xf32, #tpu.memory_space<hbm>> -> memref<32xf32, #tpu.memory_space<hbm>>
          tpu.wait_dma2 semaphore(%arg22 : memref<!tpu.dma_semaphore, #tpu.memory_space<semaphore_mem>>) src(%dma_wait3A_1144 : memref<32xf32, #tpu.memory_space<hbm>>) dst(%dma_wait3A_1142 : memref<32xf32, #tpu.memory_space<vmem>>)
        } else {
        }
        %jit3A_1059 = arith.constant 32 : i32
        %jit3A_1060 = arith.constant 0 : i32
        %select_n3A_1061 = arith.select %eq3A_1055, %jit3A_1059, %jit3A_1060 : i32
        %add3A_1062 = arith.addi %add3A_1049, %select_n3A_1061 : i32
        %shift_right_arithmetic3A_1063 = arith.constant 4 : i32
        %shift_right_arithmetic3A_1064 = arith.shrsi %max3A_790, %shift_right_arithmetic3A_1063 : i32
        %and3A_1065 = arith.constant 1 : i32
        %and3A_1066 = arith.andi %shift_right_arithmetic3A_1064, %and3A_1065 : i32
        %eq3A_1067 = arith.constant 1 : i32
        %eq3A_1068 = arith.cmpi eq, %and3A_1066, %eq3A_1067 : i32
        %convert_element_type3A_1069 = arith.extui %eq3A_1068 : i1 to i32
        %cond3A_1070 = arith.constant 0 : i32
        %cond3A_1071 = arith.cmpi ne, %convert_element_type3A_1069, %cond3A_1070 : i32
        scf.if %cond3A_1071 {
          %multiple_of3A_1133 = tpu.assume_multiple %add3A_1062, 16 : i32
          %mul3A_1134 = arith.constant 32000 : i32
          %mul3A_1135 = arith.muli %rem3A_688, %mul3A_1134 : i32
          %add3A_1136 = arith.addi %mul3A_1135, %add3A_1062 : i32
          %sub3A_1137 = arith.subi %add3A_1136, %mul3A_686 : i32
          %multiple_of3A_1138 = tpu.assume_multiple %sub3A_1137, 16 : i32
          %dma_wait3A_1139 = tpu.memref_slice %arg16[%multiple_of3A_1138] : memref<64000xf32, #tpu.memory_space<vmem>> -> memref<16xf32, #tpu.memory_space<vmem>>
          %dma_wait3A_1140 = tpu.memref_slice %arg7[%reduce_sum3A_481, %multiple_of3A_1133] : memref<64x160000xf32, #tpu.memory_space<hbm>> -> memref<1x16xf32, #tpu.memory_space<hbm>>
          %dma_wait3A_1141 = tpu.memref_squeeze %dma_wait3A_1140 : memref<1x16xf32, #tpu.memory_space<hbm>> -> memref<16xf32, #tpu.memory_space<hbm>>
          %dma_wait3A_1142 = tpu.memref_slice %arg16[%multiple_of3A_1138] : memref<64000xf32, #tpu.memory_space<vmem>> -> memref<16xf32, #tpu.memory_space<vmem>>
          %dma_wait3A_1143 = tpu.memref_slice %arg7[%reduce_sum3A_481, %multiple_of3A_1133] : memref<64x160000xf32, #tpu.memory_space<hbm>> -> memref<1x16xf32, #tpu.memory_space<hbm>>
          %dma_wait3A_1144 = tpu.memref_squeeze %dma_wait3A_1143 : memref<1x16xf32, #tpu.memory_space<hbm>> -> memref<16xf32, #tpu.memory_space<hbm>>
          tpu.wait_dma2 semaphore(%arg22 : memref<!tpu.dma_semaphore, #tpu.memory_space<semaphore_mem>>) src(%dma_wait3A_1144 : memref<16xf32, #tpu.memory_space<hbm>>) dst(%dma_wait3A_1142 : memref<16xf32, #tpu.memory_space<vmem>>)
        } else {
        }
        %jit3A_1072 = arith.constant 16 : i32
        %jit3A_1073 = arith.constant 0 : i32
        %select_n3A_1074 = arith.select %eq3A_1068, %jit3A_1072, %jit3A_1073 : i32
        %add3A_1075 = arith.addi %add3A_1062, %select_n3A_1074 : i32
        %jit3A_1076 = arith.constant 16 : i32
        %div3A_1077 = arith.divsi %max3A, %jit3A_1076 : i32
        %sign3A_1078 = arith.constant 0 : i32
        %sign3A_1079 = arith.cmpi sgt, %max3A, %sign3A_1078 : i32
        %sign3A_1080 = arith.extui %sign3A_1079 : i1 to i32
        %sign3A_1081 = arith.constant 0 : i32
        %sign3A_1082 = arith.cmpi slt, %max3A, %sign3A_1081 : i32
        %sign3A_1083 = arith.extui %sign3A_1082 : i1 to i32
        %sign3A_1084 = arith.subi %sign3A_1080, %sign3A_1083 : i32
        %sign3A_1085 = arith.constant 0 : i32
        %sign3A_1086 = arith.cmpi sgt, %jit3A_1076, %sign3A_1085 : i32
        %sign3A_1087 = arith.extui %sign3A_1086 : i1 to i32
        %sign3A_1088 = arith.constant 0 : i32
        %sign3A_1089 = arith.cmpi slt, %jit3A_1076, %sign3A_1088 : i32
        %sign3A_1090 = arith.extui %sign3A_1089 : i1 to i32
        %sign3A_1091 = arith.subi %sign3A_1087, %sign3A_1090 : i32
        %ne3A_1092 = arith.cmpi ne, %sign3A_1084, %sign3A_1091 : i32
        %rem3A_1093 = arith.remsi %max3A, %jit3A_1076 : i32
        %ne3A_1094 = arith.constant 0 : i32
        %ne3A_1095 = arith.cmpi ne, %rem3A_1093, %ne3A_1094 : i32
        %and3A_1096 = arith.andi %ne3A_1092, %ne3A_1095 : i1
        %sub3A_1097 = arith.constant 1 : i32
        %sub3A_1098 = arith.subi %div3A_1077, %sub3A_1097 : i32
        %select_n3A_1099 = arith.select %and3A_1096, %sub3A_1098, %div3A_1077 : i32
        %sub3A_1100 = arith.constant 1 : i32
        %sub3A_1101 = arith.subi %min3A, %sub3A_1100 : i32
        %jit3A_1102 = arith.constant 16 : i32
        %div3A_1103 = arith.divsi %sub3A_1101, %jit3A_1102 : i32
        %sign3A_1104 = arith.constant 0 : i32
        %sign3A_1105 = arith.cmpi sgt, %sub3A_1101, %sign3A_1104 : i32
        %sign3A_1106 = arith.extui %sign3A_1105 : i1 to i32
        %sign3A_1107 = arith.constant 0 : i32
        %sign3A_1108 = arith.cmpi slt, %sub3A_1101, %sign3A_1107 : i32
        %sign3A_1109 = arith.extui %sign3A_1108 : i1 to i32
        %sign3A_1110 = arith.subi %sign3A_1106, %sign3A_1109 : i32
        %sign3A_1111 = arith.constant 0 : i32
        %sign3A_1112 = arith.cmpi sgt, %jit3A_1102, %sign3A_1111 : i32
        %sign3A_1113 = arith.extui %sign3A_1112 : i1 to i32
        %sign3A_1114 = arith.constant 0 : i32
        %sign3A_1115 = arith.cmpi slt, %jit3A_1102, %sign3A_1114 : i32
        %sign3A_1116 = arith.extui %sign3A_1115 : i1 to i32
        %sign3A_1117 = arith.subi %sign3A_1113, %sign3A_1116 : i32
        %ne3A_1118 = arith.cmpi ne, %sign3A_1110, %sign3A_1117 : i32
        %rem3A_1119 = arith.remsi %sub3A_1101, %jit3A_1102 : i32
        %ne3A_1120 = arith.constant 0 : i32
        %ne3A_1121 = arith.cmpi ne, %rem3A_1119, %ne3A_1120 : i32
        %and3A_1122 = arith.andi %ne3A_1118, %ne3A_1121 : i1
        %sub3A_1123 = arith.constant 1 : i32
        %sub3A_1124 = arith.subi %div3A_1103, %sub3A_1123 : i32
        %select_n3A_1125 = arith.select %and3A_1122, %sub3A_1124, %div3A_1103 : i32
        %convert_element_type3A_1126 = arith.extui %and3A_701 : i1 to i32
        %cond3A_1127 = arith.constant 0 : i32
        %cond3A_1128 = arith.cmpi ne, %convert_element_type3A_1126, %cond3A_1127 : i32
        scf.if %cond3A_1128 {
          %mul3A_1133 = arith.constant 16 : i32
          %mul3A_1134 = arith.muli %select_n3A_1099, %mul3A_1133 : i32
          %multiple_of3A_1135 = tpu.assume_multiple %mul3A_1134, 16 : i32
          "tpu.region"() ({
            %run_scoped3A = tpu.sem_alloc : memref<!tpu.dma_semaphore, #tpu.memory_space<semaphore_mem>>
            %dma_start3A_1158 = tpu.memref_slice %arg7[%reduce_sum3A_481, %multiple_of3A_1135] : memref<64x160000xf32, #tpu.memory_space<hbm>> -> memref<1x16xf32, #tpu.memory_space<hbm>>
            %dma_start3A_1159 = tpu.memref_squeeze %dma_start3A_1158 : memref<1x16xf32, #tpu.memory_space<hbm>> -> memref<16xf32, #tpu.memory_space<hbm>>
            %dma_start3A_1160 = tpu.memref_slice %arg7[%reduce_sum3A_481, %multiple_of3A_1135] : memref<64x160000xf32, #tpu.memory_space<hbm>> -> memref<1x16xf32, #tpu.memory_space<hbm>>
            %dma_start3A_1161 = tpu.memref_squeeze %dma_start3A_1160 : memref<1x16xf32, #tpu.memory_space<hbm>> -> memref<16xf32, #tpu.memory_space<hbm>>
            tpu.enqueue_dma source(%dma_start3A_1161 : memref<16xf32, #tpu.memory_space<hbm>>) target(%arg17 : memref<16xf32, #tpu.memory_space<vmem>>) target_semaphore(%run_scoped3A : memref<!tpu.dma_semaphore, #tpu.memory_space<semaphore_mem>>)
            %dma_wait3A_1162 = tpu.memref_slice %arg7[%reduce_sum3A_481, %multiple_of3A_1135] : memref<64x160000xf32, #tpu.memory_space<hbm>> -> memref<1x16xf32, #tpu.memory_space<hbm>>
            %dma_wait3A_1163 = tpu.memref_squeeze %dma_wait3A_1162 : memref<1x16xf32, #tpu.memory_space<hbm>> -> memref<16xf32, #tpu.memory_space<hbm>>
            %dma_wait3A_1164 = tpu.memref_slice %arg7[%reduce_sum3A_481, %multiple_of3A_1135] : memref<64x160000xf32, #tpu.memory_space<hbm>> -> memref<1x16xf32, #tpu.memory_space<hbm>>
            %dma_wait3A_1165 = tpu.memref_squeeze %dma_wait3A_1164 : memref<1x16xf32, #tpu.memory_space<hbm>> -> memref<16xf32, #tpu.memory_space<hbm>>
            tpu.wait_dma2 semaphore(%run_scoped3A : memref<!tpu.dma_semaphore, #tpu.memory_space<semaphore_mem>>) src(%dma_wait3A_1165 : memref<16xf32, #tpu.memory_space<hbm>>) dst(%arg17 : memref<16xf32, #tpu.memory_space<vmem>>)
            tpu.yield
          }) : () -> ()
          %mul3A_1136 = arith.constant 16 : i32
          %mul3A_1137 = arith.muli %select_n3A_1099, %mul3A_1136 : i32
          %add3A_1138 = vector.broadcast %mul3A_1137 : i32 to vector<16xi32>
          %add3A_1139 = arith.addi %iota3A, %add3A_1138 : vector<16xi32>
          %sub3A_1140 = vector.broadcast %reduce_sum3A_364 : i32 to vector<16xi32>
          %sub3A_1141 = arith.subi %add3A_1139, %sub3A_1140 : vector<16xi32>
          %lt3A_1142 = vector.broadcast %select_n3A_486 : i32 to vector<16xi32>
          %lt3A_1143 = arith.cmpi ult, %sub3A_1141, %lt3A_1142 : vector<16xi32>
          %mul3A_1144 = arith.constant 32000 : i32
          %mul3A_1145 = arith.muli %rem3A_688, %mul3A_1144 : i32
          %mul3A_1146 = arith.constant 16 : i32
          %mul3A_1147 = arith.muli %select_n3A_1099, %mul3A_1146 : i32
          %add3A_1148 = arith.addi %mul3A_1145, %mul3A_1147 : i32
          %sub3A_1149 = arith.subi %add3A_1148, %mul3A_686 : i32
          %multiple_of3A_1150 = tpu.assume_multiple %sub3A_1149, 16 : i32
          %get3A_1151 = arith.index_cast %multiple_of3A_1150 : i32 to index
          %get3A_1152 = tpu.vector_load %arg16[%get3A_1151] {strides = array<i32>} : memref<64000xf32, #tpu.memory_space<vmem>>, vector<16xf32>,
          %get3A_1153 = arith.constant 0 : index
          %get3A_1154 = tpu.vector_load %arg17[%get3A_1153] {strides = array<i32>} : memref<16xf32, #tpu.memory_space<vmem>>, vector<16xf32>,
          %select_n3A_1155 = arith.select %lt3A_1143, %get3A_1154, %get3A_1152 : vector<16xi1>, vector<16xf32>
          %multiple_of3A_1156 = tpu.assume_multiple %sub3A_1149, 16 : i32
          %swap3A = arith.index_cast %multiple_of3A_1156 : i32 to index
          %swap3A_1157 = tpu.vector_load %arg16[%swap3A] {strides = array<i32>} : memref<64000xf32, #tpu.memory_space<vmem>>, vector<16xf32>,
          tpu.vector_store %arg16[%swap3A], %select_n3A_1155 {strides = array<i32>} : memref<64000xf32, #tpu.memory_space<vmem>>, vector<16xf32>,
        } else {
        }
        %ne3A_1129 = arith.cmpi ne, %select_n3A_1125, %select_n3A_1099 : i32
        %convert_element_type3A_1130 = arith.extui %ne3A_1129 : i1 to i32
        %cond3A_1131 = arith.constant 0 : i32
        %cond3A_1132 = arith.cmpi ne, %convert_element_type3A_1130, %cond3A_1131 : i32
        scf.if %cond3A_1132 {
          %mul3A_1133 = arith.constant 16 : i32
          %mul3A_1134 = arith.muli %select_n3A_1125, %mul3A_1133 : i32
          %multiple_of3A_1135 = tpu.assume_multiple %mul3A_1134, 16 : i32
          "tpu.region"() ({
            %run_scoped3A = tpu.sem_alloc : memref<!tpu.dma_semaphore, #tpu.memory_space<semaphore_mem>>
            %dma_start3A_1158 = tpu.memref_slice %arg7[%reduce_sum3A_481, %multiple_of3A_1135] : memref<64x160000xf32, #tpu.memory_space<hbm>> -> memref<1x16xf32, #tpu.memory_space<hbm>>
            %dma_start3A_1159 = tpu.memref_squeeze %dma_start3A_1158 : memref<1x16xf32, #tpu.memory_space<hbm>> -> memref<16xf32, #tpu.memory_space<hbm>>
            %dma_start3A_1160 = tpu.memref_slice %arg7[%reduce_sum3A_481, %multiple_of3A_1135] : memref<64x160000xf32, #tpu.memory_space<hbm>> -> memref<1x16xf32, #tpu.memory_space<hbm>>
            %dma_start3A_1161 = tpu.memref_squeeze %dma_start3A_1160 : memref<1x16xf32, #tpu.memory_space<hbm>> -> memref<16xf32, #tpu.memory_space<hbm>>
            tpu.enqueue_dma source(%dma_start3A_1161 : memref<16xf32, #tpu.memory_space<hbm>>) target(%arg17 : memref<16xf32, #tpu.memory_space<vmem>>) target_semaphore(%run_scoped3A : memref<!tpu.dma_semaphore, #tpu.memory_space<semaphore_mem>>)
            %dma_wait3A_1162 = tpu.memref_slice %arg7[%reduce_sum3A_481, %multiple_of3A_1135] : memref<64x160000xf32, #tpu.memory_space<hbm>> -> memref<1x16xf32, #tpu.memory_space<hbm>>
            %dma_wait3A_1163 = tpu.memref_squeeze %dma_wait3A_1162 : memref<1x16xf32, #tpu.memory_space<hbm>> -> memref<16xf32, #tpu.memory_space<hbm>>
            %dma_wait3A_1164 = tpu.memref_slice %arg7[%reduce_sum3A_481, %multiple_of3A_1135] : memref<64x160000xf32, #tpu.memory_space<hbm>> -> memref<1x16xf32, #tpu.memory_space<hbm>>
            %dma_wait3A_1165 = tpu.memref_squeeze %dma_wait3A_1164 : memref<1x16xf32, #tpu.memory_space<hbm>> -> memref<16xf32, #tpu.memory_space<hbm>>
            tpu.wait_dma2 semaphore(%run_scoped3A : memref<!tpu.dma_semaphore, #tpu.memory_space<semaphore_mem>>) src(%dma_wait3A_1165 : memref<16xf32, #tpu.memory_space<hbm>>) dst(%arg17 : memref<16xf32, #tpu.memory_space<vmem>>)
            tpu.yield
          }) : () -> ()
          %mul3A_1136 = arith.constant 16 : i32
          %mul3A_1137 = arith.muli %select_n3A_1125, %mul3A_1136 : i32
          %add3A_1138 = vector.broadcast %mul3A_1137 : i32 to vector<16xi32>
          %add3A_1139 = arith.addi %iota3A, %add3A_1138 : vector<16xi32>
          %sub3A_1140 = vector.broadcast %reduce_sum3A_364 : i32 to vector<16xi32>
          %sub3A_1141 = arith.subi %add3A_1139, %sub3A_1140 : vector<16xi32>
          %lt3A_1142 = vector.broadcast %select_n3A_486 : i32 to vector<16xi32>
          %lt3A_1143 = arith.cmpi ult, %sub3A_1141, %lt3A_1142 : vector<16xi32>
          %mul3A_1144 = arith.constant 32000 : i32
          %mul3A_1145 = arith.muli %rem3A_688, %mul3A_1144 : i32
          %mul3A_1146 = arith.constant 16 : i32
          %mul3A_1147 = arith.muli %select_n3A_1125, %mul3A_1146 : i32
          %add3A_1148 = arith.addi %mul3A_1145, %mul3A_1147 : i32
          %sub3A_1149 = arith.subi %add3A_1148, %mul3A_686 : i32
          %multiple_of3A_1150 = tpu.assume_multiple %sub3A_1149, 16 : i32
          %get3A_1151 = arith.index_cast %multiple_of3A_1150 : i32 to index
          %get3A_1152 = tpu.vector_load %arg16[%get3A_1151] {strides = array<i32>} : memref<64000xf32, #tpu.memory_space<vmem>>, vector<16xf32>,
          %get3A_1153 = arith.constant 0 : index
          %get3A_1154 = tpu.vector_load %arg17[%get3A_1153] {strides = array<i32>} : memref<16xf32, #tpu.memory_space<vmem>>, vector<16xf32>,
          %select_n3A_1155 = arith.select %lt3A_1143, %get3A_1154, %get3A_1152 : vector<16xi1>, vector<16xf32>
          %multiple_of3A_1156 = tpu.assume_multiple %sub3A_1149, 16 : i32
          %swap3A = arith.index_cast %multiple_of3A_1156 : i32 to index
          %swap3A_1157 = tpu.vector_load %arg16[%swap3A] {strides = array<i32>} : memref<64000xf32, #tpu.memory_space<vmem>>, vector<16xf32>,
          tpu.vector_store %arg16[%swap3A], %select_n3A_1155 {strides = array<i32>} : memref<64000xf32, #tpu.memory_space<vmem>>, vector<16xf32>,
        } else {
        }
      } else {
      }
      %mul3A_703 = arith.constant 32000 : i32
      %mul3A_704 = arith.muli %scan3A_661, %mul3A_703 : i32
      %rem3A_705 = arith.constant 2 : i32
      %rem3A_706 = arith.remsi %scan3A_661, %rem3A_705 : i32
      %mul3A_707 = arith.constant 32000 : i32
      %mul3A_708 = arith.muli %rem3A_706, %mul3A_707 : i32
      %multiple_of3A_709 = tpu.assume_multiple %mul3A_708, 16 : i32
      %multiple_of3A_710 = tpu.assume_multiple %mul3A_704, 16 : i32
      %dma_start3A_711 = tpu.memref_slice %arg16[%multiple_of3A_709] : memref<64000xf32, #tpu.memory_space<vmem>> -> memref<32000xf32, #tpu.memory_space<vmem>>
      %dma_start3A_712 = tpu.memref_slice %arg9[%add3A_325, %multiple_of3A_710] : memref<64x160000xf32, #tpu.memory_space<hbm>> -> memref<1x32000xf32, #tpu.memory_space<hbm>>
      %dma_start3A_713 = tpu.memref_squeeze %dma_start3A_712 : memref<1x32000xf32, #tpu.memory_space<hbm>> -> memref<32000xf32, #tpu.memory_space<hbm>>
      %dma_start3A_714 = tpu.memref_slice %arg21[%rem3A_706] : memref<2x!tpu.dma_semaphore, #tpu.memory_space<semaphore_mem>> -> memref<1x!tpu.dma_semaphore, #tpu.memory_space<semaphore_mem>>
      %dma_start3A_715 = tpu.memref_squeeze %dma_start3A_714 : memref<1x!tpu.dma_semaphore, #tpu.memory_space<semaphore_mem>> -> memref<!tpu.dma_semaphore, #tpu.memory_space<semaphore_mem>>
      %dma_start3A_716 = tpu.memref_slice %arg9[%add3A_325, %multiple_of3A_710] : memref<64x160000xf32, #tpu.memory_space<hbm>> -> memref<1x32000xf32, #tpu.memory_space<hbm>>
      %dma_start3A_717 = tpu.memref_squeeze %dma_start3A_716 : memref<1x32000xf32, #tpu.memory_space<hbm>> -> memref<32000xf32, #tpu.memory_space<hbm>>
      %dma_start3A_718 = tpu.memref_slice %arg16[%multiple_of3A_709] : memref<64000xf32, #tpu.memory_space<vmem>> -> memref<32000xf32, #tpu.memory_space<vmem>>
      tpu.enqueue_dma source(%dma_start3A_718 : memref<32000xf32, #tpu.memory_space<vmem>>) target(%dma_start3A_717 : memref<32000xf32, #tpu.memory_space<hbm>>) target_semaphore(%dma_start3A_715 : memref<!tpu.dma_semaphore, #tpu.memory_space<semaphore_mem>>)
      %ge3A_719 = arith.constant 1 : i32
      %ge3A_720 = arith.cmpi sge, %scan3A_661, %ge3A_719 : i32
      %convert_element_type3A_721 = arith.extui %ge3A_720 : i1 to i32
      %cond3A_722 = arith.constant 0 : i32
      %cond3A_723 = arith.cmpi ne, %convert_element_type3A_721, %cond3A_722 : i32
      scf.if %cond3A_723 {
        %sub3A_732 = arith.constant 1 : i32
        %sub3A_733 = arith.subi %scan3A_661, %sub3A_732 : i32
        %mul3A_734 = arith.constant 32000 : i32
        %mul3A_735 = arith.muli %sub3A_733, %mul3A_734 : i32
        %rem3A_736 = arith.constant 2 : i32
        %rem3A_737 = arith.remsi %sub3A_733, %rem3A_736 : i32
        %mul3A_738 = arith.constant 32000 : i32
        %mul3A_739 = arith.muli %rem3A_737, %mul3A_738 : i32
        %multiple_of3A_740 = tpu.assume_multiple %mul3A_739, 16 : i32
        %multiple_of3A_741 = tpu.assume_multiple %mul3A_735, 16 : i32
        %dma_wait3A_742 = tpu.memref_slice %arg16[%multiple_of3A_740] : memref<64000xf32, #tpu.memory_space<vmem>> -> memref<32000xf32, #tpu.memory_space<vmem>>
        %dma_wait3A_743 = tpu.memref_slice %arg9[%add3A_325, %multiple_of3A_741] : memref<64x160000xf32, #tpu.memory_space<hbm>> -> memref<1x32000xf32, #tpu.memory_space<hbm>>
        %dma_wait3A_744 = tpu.memref_squeeze %dma_wait3A_743 : memref<1x32000xf32, #tpu.memory_space<hbm>> -> memref<32000xf32, #tpu.memory_space<hbm>>
        %dma_wait3A_745 = tpu.memref_slice %arg21[%rem3A_737] : memref<2x!tpu.dma_semaphore, #tpu.memory_space<semaphore_mem>> -> memref<1x!tpu.dma_semaphore, #tpu.memory_space<semaphore_mem>>
        %dma_wait3A_746 = tpu.memref_squeeze %dma_wait3A_745 : memref<1x!tpu.dma_semaphore, #tpu.memory_space<semaphore_mem>> -> memref<!tpu.dma_semaphore, #tpu.memory_space<semaphore_mem>>
        %dma_wait3A_747 = tpu.memref_slice %arg9[%add3A_325, %multiple_of3A_741] : memref<64x160000xf32, #tpu.memory_space<hbm>> -> memref<1x32000xf32, #tpu.memory_space<hbm>>
        %dma_wait3A_748 = tpu.memref_squeeze %dma_wait3A_747 : memref<1x32000xf32, #tpu.memory_space<hbm>> -> memref<32000xf32, #tpu.memory_space<hbm>>
        %dma_wait3A_749 = tpu.memref_slice %arg16[%multiple_of3A_740] : memref<64000xf32, #tpu.memory_space<vmem>> -> memref<32000xf32, #tpu.memory_space<vmem>>
        tpu.wait_dma2 semaphore(%dma_wait3A_746 : memref<!tpu.dma_semaphore, #tpu.memory_space<semaphore_mem>>) src(%dma_wait3A_749 : memref<32000xf32, #tpu.memory_space<vmem>>) dst(%dma_wait3A_748 : memref<32000xf32, #tpu.memory_space<hbm>>)
      } else {
      }
      %add3A_724 = arith.constant 1 : i32
      %add3A_725 = arith.addi %scan3A_661, %add3A_724 : i32
      %lt3A_726 = arith.constant 5 : i32
      %lt3A_727 = arith.cmpi slt, %add3A_725, %lt3A_726 : i32
      %convert_element_type3A_728 = arith.extui %lt3A_727 : i1 to i32
      %cond3A_729 = arith.constant 0 : i32
      %cond3A_730 = arith.cmpi ne, %convert_element_type3A_728, %cond3A_729 : i32
      scf.if %cond3A_730 {
        %add3A_732 = arith.constant 1 : i32
        %add3A_733 = arith.addi %scan3A_661, %add3A_732 : i32
        %mul3A_734 = arith.constant 32000 : i32
        %mul3A_735 = arith.muli %add3A_733, %mul3A_734 : i32
        %le3A_736 = arith.cmpi sle, %reduce_sum3A_364, %mul3A_735 : i32
        %add3A_737 = arith.constant 32000 : i32
        %add3A_738 = arith.addi %mul3A_735, %add3A_737 : i32
        %ge3A_739 = arith.cmpi sge, %add3A_487, %add3A_738 : i32
        %and3A_740 = arith.andi %le3A_736, %ge3A_739 : i1
        %select_n3A_741 = arith.select %and3A_740, %reduce_sum3A_481, %add3A_325 : i32
        %rem3A_742 = arith.constant 2 : i32
        %rem3A_743 = arith.remsi %add3A_733, %rem3A_742 : i32
        %multiple_of3A_744 = tpu.assume_multiple %mul3A_735, 16 : i32
        %mul3A_745 = arith.constant 32000 : i32
        %mul3A_746 = arith.muli %rem3A_743, %mul3A_745 : i32
        %multiple_of3A_747 = tpu.assume_multiple %mul3A_746, 16 : i32
        %dma_start3A_748 = tpu.memref_slice %arg16[%multiple_of3A_747] : memref<64000xf32, #tpu.memory_space<vmem>> -> memref<32000xf32, #tpu.memory_space<vmem>>
        %dma_start3A_749 = tpu.memref_slice %arg7[%select_n3A_741, %multiple_of3A_744] : memref<64x160000xf32, #tpu.memory_space<hbm>> -> memref<1x32000xf32, #tpu.memory_space<hbm>>
        %dma_start3A_750 = tpu.memref_squeeze %dma_start3A_749 : memref<1x32000xf32, #tpu.memory_space<hbm>> -> memref<32000xf32, #tpu.memory_space<hbm>>
        %dma_start3A_751 = tpu.memref_slice %arg20[%rem3A_743] : memref<2x!tpu.dma_semaphore, #tpu.memory_space<semaphore_mem>> -> memref<1x!tpu.dma_semaphore, #tpu.memory_space<semaphore_mem>>
        %dma_start3A_752 = tpu.memref_squeeze %dma_start3A_751 : memref<1x!tpu.dma_semaphore, #tpu.memory_space<semaphore_mem>> -> memref<!tpu.dma_semaphore, #tpu.memory_space<semaphore_mem>>
        %dma_start3A_753 = tpu.memref_slice %arg16[%multiple_of3A_747] : memref<64000xf32, #tpu.memory_space<vmem>> -> memref<32000xf32, #tpu.memory_space<vmem>>
        %dma_start3A_754 = tpu.memref_slice %arg7[%select_n3A_741, %multiple_of3A_744] : memref<64x160000xf32, #tpu.memory_space<hbm>> -> memref<1x32000xf32, #tpu.memory_space<hbm>>
        %dma_start3A_755 = tpu.memref_squeeze %dma_start3A_754 : memref<1x32000xf32, #tpu.memory_space<hbm>> -> memref<32000xf32, #tpu.memory_space<hbm>>
        tpu.enqueue_dma source(%dma_start3A_755 : memref<32000xf32, #tpu.memory_space<hbm>>) target(%dma_start3A_753 : memref<32000xf32, #tpu.memory_space<vmem>>) target_semaphore(%dma_start3A_752 : memref<!tpu.dma_semaphore, #tpu.memory_space<semaphore_mem>>)
      } else {
      }
      %scan3A_731 = arith.constant 0 : i32
      scf.yield %scan3A_731 : i32
    }
    %scan3A_644 = arith.constant 5 : i32
    %rem3A_645 = arith.constant 4 : i32
    %rem3A_646 = arith.constant 2 : i32
    %rem3A_647 = arith.remsi %rem3A_645, %rem3A_646 : i32
    %mul3A_648 = arith.constant 32000 : i32
    %mul3A_649 = arith.muli %rem3A_647, %mul3A_648 : i32
    %multiple_of3A_650 = tpu.assume_multiple %mul3A_649, 16 : i32
    %multiple_of3A_651 = arith.constant 128000 : i32
    %multiple_of3A_652 = tpu.assume_multiple %multiple_of3A_651, 16 : i32
    %dma_wait3A_653 = tpu.memref_slice %arg16[%multiple_of3A_650] : memref<64000xf32, #tpu.memory_space<vmem>> -> memref<32000xf32, #tpu.memory_space<vmem>>
    %dma_wait3A_654 = tpu.memref_slice %arg9[%add3A_325, %multiple_of3A_652] : memref<64x160000xf32, #tpu.memory_space<hbm>> -> memref<1x32000xf32, #tpu.memory_space<hbm>>
    %dma_wait3A_655 = tpu.memref_squeeze %dma_wait3A_654 : memref<1x32000xf32, #tpu.memory_space<hbm>> -> memref<32000xf32, #tpu.memory_space<hbm>>
    %dma_wait3A_656 = tpu.memref_slice %arg21[%rem3A_647] : memref<2x!tpu.dma_semaphore, #tpu.memory_space<semaphore_mem>> -> memref<1x!tpu.dma_semaphore, #tpu.memory_space<semaphore_mem>>
    %dma_wait3A_657 = tpu.memref_squeeze %dma_wait3A_656 : memref<1x!tpu.dma_semaphore, #tpu.memory_space<semaphore_mem>> -> memref<!tpu.dma_semaphore, #tpu.memory_space<semaphore_mem>>
    %dma_wait3A_658 = tpu.memref_slice %arg9[%add3A_325, %multiple_of3A_652] : memref<64x160000xf32, #tpu.memory_space<hbm>> -> memref<1x32000xf32, #tpu.memory_space<hbm>>
    %dma_wait3A_659 = tpu.memref_squeeze %dma_wait3A_658 : memref<1x32000xf32, #tpu.memory_space<hbm>> -> memref<32000xf32, #tpu.memory_space<hbm>>
    %dma_wait3A_660 = tpu.memref_slice %arg16[%multiple_of3A_650] : memref<64000xf32, #tpu.memory_space<vmem>> -> memref<32000xf32, #tpu.memory_space<vmem>>
    tpu.wait_dma2 semaphore(%dma_wait3A_657 : memref<!tpu.dma_semaphore, #tpu.memory_space<semaphore_mem>>) src(%dma_wait3A_660 : memref<32000xf32, #tpu.memory_space<vmem>>) dst(%dma_wait3A_659 : memref<32000xf32, #tpu.memory_space<hbm>>)
    return
  }
}

</mosaic_0001>

<sc_bundles>
// kernel: kernel.3.cloned.1.call-start
scs
__scs_entry_jumppad:
0x0: {  	(pc) =	sbr.rel $0x88, $3  }
0x1: {  	(tag) =	ssettag $0x0;
	lr =	simm.s32 $0x1  }
0x2: {  	[smem:$0x3F9B] =	sst lr;
	_ =	strace $0xD0000000  }
0x3: {  	_ = 	snop  }
0x4: {  	_ = 	snop  }
0x5: {  	_ = 	snop  }
0x6: {  	_ = 	snop  }
0x7: {  	_ = 	snop  }
__scs_overlays_trampoline_lowered:
0x8: {  	[smem:$0x3FAA] =	sst s0  }
0x9: {  	[smem:$0x3FAB] =	sst s1  }
0xa: {  	[smem:$0x3FAC] =	sst s2  }
0xb: {  	[smem:$0x3FAD] =	sst s3  }
0xc: {  	[smem:$0x3FAE] =	sst s4  }
0xd: {  	[smem:$0x3FAF] =	sst s5  }
0xe: {  	[smem:$0x3FB0] =	sst s6  }
0xf: {  	[smem:$0x3FB1] =	sst s7  }
0x10: {  	[smem:$0x3FB2] =	sst s8  }
0x11: {  	[smem:$0x3FB3] =	sst s9;
	s0 =	simm.s32 @!p0 $0x0  }
0x12: {  	s1 =	sld [smem:$0x3F99];
	s0 =	simm.s32 @p0 $0x1  }
0x13: {  	[smem:$0x3FB4] =	sst s0;
	s0 =	simm.s32 @!p1 $0x0  }
0x14: {  	s2 =	sld [smem:$0x3F98];
	s0 =	simm.s32 @p1 $0x1  }
0x15: {  	[smem:$0x3FB5] =	sst s0;
	s0 =	simm.s32 @!p2 $0x0  }
0x16: {  	s3 =	sld [smem:$0x3FDB];
	s0 =	simm.s32 @p2 $0x1  }
0x17: {  	s4 =	simm.s32 $0x1BF5;
	[smem:$0x3FB7] =	sst s0  }
0x18: {  	s0 =	sld [smem:$0x3F9A];
	_ =	swait.ge [sflag:s4], $0x0  }
0x19: {  	s7 =	sld [smem:$0x3F9B]  }
0x1a: {  	s8 =	sadd.s32 $0xFFFFE003, lr  }
0x1b: {  	s9 =	sadd.s32 $0xFFFFFEF7, lr;
	s5 =	simm.s32 $0xFFFFFFFF;
	p2 =	slt.u32 s8, $0xFFFFF086  }
0x1c: {  	p1 =	slt.u32 s9, $0xF7A;
	s5 =	simm.s32 @!p2 $0x0  }
0x1d: {  	s5 =	simm.s32 @p1 $0x1;
	p0 =	seq.s32 s7, s2  }
0x1e: {  	s7 =	smul.u32 @!p0 $0xF7A, s2;
	p2 =	seq.s32 @!p0 s5, $0x0  }
0x1f: {  	s9 =	smul.u32 $0xF7A, s1;
	s8 =	simm.s32 @!p0 $0x1BF5;
	p2 =	por !p2, p0  }
0x20: {  	[sflag:s8] =	ssyncset.s32 @!p0 $0xFFFFF086;
	s6 =	sadd.s32 @!p0 s3, s7;
	s7 =	simm.s32 @!p0 $0x108  }
0x21: {  	s3 =	sadd.s32 s3, s9;
	s6 =	sadd.s32 @!p0 $0x88, s6;
	s7 =	simm.s32 @p2 $0x1082  }
0x22: {  	[simem:s7], [sflag:s8] =	dma.local @!p0 [hbm:s6], $0xF7A  }
0x23: {  	s9 =	sor.u32 $0xD0000000, s2;
	s6 =	simm.s32 $0x108;
	_ =	swait.ge @!p0 [sflag:s8], $0x0  }
0x24: {  	s3 =	sadd.s32 $0x88, s3;
	s6 =	simm.s32 @!p1 $0x1082;
	[sflag:s4] =	ssyncset.s32 $0xFFFFF086  }
0x25: {  	[simem:s6], [sflag:s4] =	dma.local [hbm:s3], $0xF7A  }
0x26: {  	[smem:$0x3F9B] =	sst s1;
	(tag) =	ssettag s2;
	_ =	strace s9  }
0x27: {  	s1 =	sld [smem:$0x3FAB]  }
0x28: {  	s2 =	sld [smem:$0x3FAC]  }
0x29: {  	s4 =	sld [smem:$0x3FAE]  }
0x2a: {  	p0 =	seq.s32 s5, $0x0;
	s5 =	sld [smem:$0x3FAF]  }
0x2b: {  	s6 =	sld [smem:$0x3FB0]  }
0x2c: {  	s7 =	sld [smem:$0x3FB1]  }
0x2d: {  	s3 =	simm.s32 $0x108;
	s8 =	sld [smem:$0x3FB2]  }
0x2e: {  	s3 =	simm.s32 @!p0 $0x1082;
	s9 =	sld [smem:$0x3FB3]  }
0x2f: {  	lr =	sadd.s32 s0, s3;
	s0 =	sld [smem:$0x3FAA]  }
0x30: {  	s3 =	sld [smem:$0x3FAD]  }
0x31: {  	[smem:$0x3FB6] =	sst s10  }
0x32: {  	s10 =	sld [smem:$0x3FB4];
	_ =	sdelay $0x3  }
0x33: {  	p0 =	seq.s32 s10, $0x1;
	s10 =	sld [smem:$0x3FB6];
	_ =	sdelay $0x3  }
0x34: {  	[smem:$0x3FB6] =	sst s10  }
0x35: {  	s10 =	sld [smem:$0x3FB5];
	_ =	sdelay $0x3  }
0x36: {  	p1 =	seq.s32 s10, $0x1;
	s10 =	sld [smem:$0x3FB6];
	_ =	sdelay $0x3  }
0x37: {  	[smem:$0x3FB6] =	sst s10  }
0x38: {  	s10 =	sld [smem:$0x3FB7]  }
0x39: {  	_ = 	snop;
	(pc) =	sbr.ind lr, $3  }
0x3a: {  	_ = 	snop  }
0x3b: {  	_ = 	snop  }
0x3c: {  	p2 =	seq.s32 s10, $0x1;
	s10 =	sld [smem:$0x3FB6]  }
0x3d: {  	_ =	shalt  }
0x3e: {  	_ =	shalt  }
0x3f: {  	_ =	shalt  }
0x40: {  	_ =	shalt  }
0x41: {  	_ =	shalt  }
0x42: {  	_ =	shalt  }
0x43: {  	_ =	shalt  }
0x44: {  	_ =	shalt  }
0x45: {  	_ =	shalt  }
0x46: {  	_ =	shalt  }
0x47: {  	_ =	shalt  }
0x48: {  	_ =	shalt  }
0x49: {  	_ =	shalt  }
0x4a: {  	_ =	shalt  }
0x4b: {  	_ =	shalt  }
0x4c: {  	_ =	shalt  }
0x4d: {  	_ =	shalt  }
0x4e: {  	_ =	shalt  }
0x4f: {  	_ =	shalt  }
0x50: {  	_ =	shalt  }
0x51: {  	_ =	shalt  }
0x52: {  	_ =	shalt  }
0x53: {  	_ =	shalt  }
0x54: {  	_ =	shalt  }
0x55: {  	_ =	shalt  }
0x56: {  	_ =	shalt  }
0x57: {  	_ =	shalt  }
0x58: {  	_ =	shalt  }
0x59: {  	_ =	shalt  }
0x5a: {  	_ =	shalt  }
0x5b: {  	_ =	shalt  }
0x5c: {  	_ =	shalt  }
0x5d: {  	_ =	shalt  }
0x5e: {  	_ =	shalt  }
0x5f: {  	_ =	shalt  }
0x60: {  	_ =	shalt  }
0x61: {  	_ =	shalt  }
0x62: {  	_ =	shalt  }
0x63: {  	_ =	shalt  }
0x64: {  	_ =	shalt  }
0x65: {  	_ =	shalt  }
0x66: {  	_ =	shalt  }
0x67: {  	_ =	shalt  }
0x68: {  	_ =	shalt  }
0x69: {  	_ =	shalt  }
0x6a: {  	_ =	shalt  }
0x6b: {  	_ =	shalt  }
0x6c: {  	_ =	shalt  }
0x6d: {  	_ =	shalt  }
0x6e: {  	_ =	shalt  }
0x6f: {  	_ =	shalt  }
0x70: {  	_ =	shalt  }
0x71: {  	_ =	shalt  }
0x72: {  	_ =	shalt  }
0x73: {  	_ =	shalt  }
0x74: {  	_ =	shalt  }
0x75: {  	_ =	shalt  }
0x76: {  	_ =	shalt  }
0x77: {  	_ =	shalt  }
0x78: {  	_ =	shalt  }
0x79: {  	_ =	shalt  }
0x7a: {  	_ =	shalt  }
0x7b: {  	_ =	shalt  }
0x7c: {  	_ =	shalt  }
0x7d: {  	_ =	shalt  }
0x7e: {  	_ =	shalt  }
0x7f: {  	_ =	shalt  }
0x80: {  	_ =	shalt  }
0x81: {  	_ =	shalt  }
0x82: {  	_ =	shalt  }
0x83: {  	_ =	shalt  }
0x84: {  	_ =	shalt  }
0x85: {  	_ =	shalt  }
0x86: {  	_ =	shalt  }
0x87: {  	_ =	shalt  }
.Lfunc_end0:
.L_simem_size_0:
called_computation_lowered:
.L_overlay_start_0:
0x88: {  	s2 =	sld [smem:$0x3FD9]  }
0x89: {  	s3 =	sld [smem:$0x3FFE];
	_ =	sdelay $0x1  }
0x8a: {  	s1 =	srdreg.scid  }
0x8b: {  	s0 =	sand.u32 $0x1, s1  }
0x8c: {  	s14 =	sshll.u32 s0, $0xA;
	s2 =	sadd.s32 s3, s2  }
0x8d: {  	s2 =	sadd.s32 s2, s14  }
0x8e: {  	[smem:$0x3FC2] =	sst s2  }
0x8f: {  	_ = 	snop  }
0x90: {  	s2 =	sld [smem:$0x3FD0];
	_ =	sdelay $0x1  }
0x91: {  	s15 =	sld [smem:$0x3FC7]  }
0x92: {  	s5 =	simm.s32 $0xA;
	s6 =	simm.s32 $0x10;
	s4 =	sld [smem:$0x3FC5]  }
0x93: {  	[smem:s6], [sflag:s5] =	dma.local [hbm:s2], $0x1  }
0x94: {  	_ =	swait.eq [sflag:s5], $0x1  }
0x95: {  	[sflag:s5] =	ssyncset.done $0x0  }
0x96: {  	s16 =	sld [smem:$0x10];
	[sflag:s5] =	ssyncadd.s32 $0xFFFFFFFF  }
0x97: {  	s17 =	sld [smem:$0x11];
	(tm) =	ssettm $0x1  }
0x98: {  	s18 =	sld [smem:$0x3FFB];
	_ =	sdelay $0x3  }
0x99: {  	_ =	strace s18  }
0x9a: {  	s6 =	sld [smem:$0x3FFC];
	_ =	sdelay $0x3  }
0x9b: {  	_ =	strace s6  }
0x9c: {  	s6 =	sld [smem:$0x3FFD];
	_ =	sdelay $0x3  }
0x9d: {  	_ =	strace s6  }
0x9e: {  	_ =	strace $0x8FFFFFFF  }
0x9f: {  	s19 =	sld [smem:$0x3FDB];
	_ =	sdelay $0x1  }
0xa0: {  	s7 =	simm.s32 $_scs_section_size  }
0xa1: {  	s8 =	simm.s32 $_size__tile_overlayer_lowered;
	s9 =	simm.s32 $_tile_overlayer_lowered  }
0xa2: {  	s22 =	simm.s32 $0x1BFF;
	s21 =	sshll.u32 s9, $0x1;
	s6 =	sadd.s32 s7, s19  }
0xa3: {  	s10 =	simm.s32 $0x0;
	s20 =	sshll.u32 s8, $0x1;
	s8 =	sadd.s32 s21, s6  }
0xa4: {  	[timem:s10], [sflag:s22] =	dma.local [hbm:s8], s20  }
0xa5: {  	_ =	swait.ge [sflag:s22], s20  }
0xa6: {  	s7 =	ssub.s32 $0x0, s20;
	[sflag:s22] =	ssyncset.done $0x0  }
0xa7: {  	[sflag:s22] =	ssyncadd.s32 s7;
	_ =	sdelay $0x1  }
0xa8: {  	s23 =	simm.s32 $0x1B8B  }
0xa9: {  	_ =	swait.ge [sflag:s23], $0x1  }
0xaa: {  	[sflag:s23] =	ssyncset.done $0x0  }
0xab: {  	s25 =	simm.s32 $0x1B8E;
	s24 =	sld [smem:$0x3FFE];
	[sflag:s23] =	ssyncadd.s32 $0xFFFFFFFF  }
0xac: {  	s26 =	simm.s32 $execute0_lowered;
	[smem:$0x3FD2] =	sst s25  }
0xad: {  	s8 =	sshll.u32 s26, $0x1;
	_ =	strace $0x80000046;
	[dreg:$0x1] =	wrdreg $0xFFFFFFFF  }
0xae: {  	s28 =	simm.s32 $_size_execute0_lowered;
	s6 =	sadd.s32 s6, s8;
	[dreg:$0x0] =	wrdreg $0x0  }
0xaf: {  	s8 =	sshll.u32 s28, $0x1;
	[dreg:$0x2] =	wrdreg s6  }
0xb0: {  	[dreg:$0x3] =	wrdreg s8  }
0xb1: {  	[dreg:$0x4] =	wrdreg $0xC0  }
0xb2: {  	_ =	task [dreg:s10], $0x5FFFF  }
0xb3: {  	[dreg:$0x1] =	wrdreg $0xFFFFFFFF  }
0xb4: {  	[dreg:$0x0] =	wrdreg $0x60  }
0xb5: {  	[dreg:$0x2] =	wrdreg s24  }
0xb6: {  	[dreg:$0x3] =	wrdreg s4  }
0xb7: {  	[dreg:$0x4] =	wrdreg s15  }
0xb8: {  	[dreg:$0x5] =	wrdreg s16  }
0xb9: {  	[dreg:$0x6] =	wrdreg s17  }
0xba: {  	[dreg:$0x7] =	wrdreg $0x9  }
0xbb: {  	_ =	task.clear_ibuf [dreg:s10], $0x8FFFF;
	_ =	strace $0x90000046  }
0xbc: {  	s29 =	simm.s32 $0x9;
	_ =	strace $0x80000048  }
0xbd: {  	_ =	swait.ge [sflag:s29], $0x1  }
0xbe: {  	[sflag:s29] =	ssyncadd.s32 $0xFFFFFFFF  }
0xbf: {  	_ =	strace $0x90000048  }
0xc0: {  	_ =	sfence  }
0xc1: {  	s30 =	sld [smem:$0x0];
	_ =	sdelay $0x2  }
0xc2: {  	s31 =	sshll.u32 s1, $0xD;
	s1 =	sshrl.u32 s1, $0x2  }
0xc3: {  	s3 =	sand.u32 $0x4000, s31;
	s1 =	sadd.s32 s1, s30  }
0xc4: {  	s0 =	sor.u32 s3, s0;
	s1 =	sshll.u32 s1, $0x11  }
0xc5: {  	s0 =	sor.u32 s1, s0  }
0xc6: {  	s0 =	sadd.s32 $0x8F2B, s0  }
0xc7: {  	[sflag:s0] =	ssyncadd.remote.s32 $0x1  }
0xc8: {  	_ =	sfence.sel $0xFFFF  }
0xc9: {  	[dreg:$0x0] =	wrdreg $0xFFFFFFFF;
	(pc) =	sbr.abs _section_cstart, $3  }
0xca: {  	[dreg:$0x1] =	wrdreg $0xFFFFFFFF  }
0xcb: {  	_ =	task.clear_ibuf [dreg:s10], $0x2FFFF;
	_ =	strace $0x9FFFFFFF  }
0xcc: {  	(tm) =	ssettm $0x7FFFFFFF  }
0xcd: {  	_ =	shalt  }
tec
execute0_lowered:
.L_overlay_start_1:
0x0: {  	(tag) =	ssettag $0x1  }
0x1: {  	s0 =	rddreg [dreg:$0x0]  }
0x2: {  	s3 =	rddreg [dreg:$0x3]  }
0x3: {  	s10 =	rddreg [dreg:$0x4];
	s17 =	simm.s32 $0x0;
	s20 =	srdreg.scid  }
0x4: {  	s5 =	stileid.u32;
	[smem:$0x7FF] =	sst s17  }
0x5: {  	s1 =	sadd.s32 $0x1400, s0;
	s2 =	sadd.s32 $0x1200, s0;
	s21 =	sadd.s32 $0x1000, s0  }
0x6: {  	s22 =	sadd.s32 $0x1600, s0;
	_ =	strace $0x80000047;
	[dreg:$0x6] =	wrdreg s1  }
0x7: {  	s7 =	sshll.u32 s5, $0x2;
	s0 =	sadd.s32 $0x139E00, s0;
	[dreg:$0x7] =	wrdreg s2  }
0x8: {  	s24 =	smul.u32 $0x9C400, s5;
	[dreg:$0x8] =	wrdreg s21;
	s1 =	sand.u32 $0x1, s20  }
0x9: {  	s11 =	sand.u32 $0x30, s7;
	s4 =	ssub.s32 $0x2, s1;
	s8 =	sshll.u32 s1, $0x1  }
0xa: {  	s1 =	smul.u32 $0x4E200, s1;
	s6 =	sshrl.u32 s4, $0x1;
	s9 =	sor.u32 s8, s7  }
0xb: {  	[dreg:$0xa] =	wrdreg s11;
	s4 =	ssub.s32 s4, s6;
	s23 =	sand.u32 $0xE, s9  }
0xc: {  	s8 =	sshll.u32 s9, $0x7;
	[dreg:$0x9] =	wrdreg s9;
	s12 =	sor.u32 $0x1, s9  }
0xd: {  	s1 =	sadd.s32 s1, s24;
	s25 =	sadd.s32 s10, s8;
	s26 =	sadd.s32 s0, s8  }
0xe: {  	s28 =	sshll.u32 s12, $0x7;
	s9 =	ssub.s32 s12, s11;
	[dreg:$0xb] =	wrdreg s25  }
0xf: {  	s30 =	sshrl.u32 s1, $0x3;
	s4 =	smax.u32 s4, $0x1;
	[dreg:$0xc] =	wrdreg s26  }
.Ltmp0:
0x10: {  	s29 =	sadd.s32 s10, s28;
	[dreg:$0xf] =	wrdreg s4;
	(pc) =	sbr.rel .LBB2_1-.Ltmp0, $4  }
0x11: {  	s1 =	sadd.s32 $0x27100, s1;
	s0 =	sadd.s32 s0, s28;
	[dreg:$0xd] =	wrdreg s29  }
0x12: {  	s31 =	sshrl.u32 s1, $0x3;
	[dreg:$0xe] =	wrdreg s0;
	s0 =	sadd.s32 s30, s22  }
0x13: {  	v0 =	vlaneseq.u32;
	s20 =	simm.s32 $0x6;
	v1 =	vmov s23;
	v2 =	vmov s9;
	[dreg:$0x10] =	wrdreg s0;
	s0 =	sadd.s32 s31, s22  }
0x14: {  	s2 =	simm.s32 $0x0;
	s9 =	simm.s32 $0xFB50;
	vm0 =	veq.s32 v1, v0;
	vm1 =	veq.s32 v2, v0;
	[dreg:$0x11] =	wrdreg s0  }
.LBB2_13:
0x15: {  	s1 =	simm.s32 $0x3  }
0x16: {  	_ =	swait.ge [sflag:s1], $0x7D00  }
0x17: {  	s2 =	rddreg [dreg:$0x12]  }
0x18: {  	s0 =	rddreg [dreg:$0xf];
	s2 =	sadd.s32 $0x1, s2  }
0x19: {  	p0 =	sne.s32 s2, s0  }
.Ltmp1:
0x1a: {  	_ = 	snop;
	(pc) =	sbr.rel @!p0 .LBB2_14-.Ltmp1, $4  }
0x1b: {  	_ = 	snop  }
0x1c: {  	[sflag:s1] =	ssyncset.done $0x0  }
0x1d: {  	[sflag:s1] =	ssyncadd.s32 $0xFFFF8300  }
0x1e: {  	s9 =	simm.s32 $0xFB50;
	s10 =	rddreg [dreg:$0x4]  }
.LBB2_1:
0x1f: {  	[dreg:$0x12] =	wrdreg s2  }
0x20: {  	s0 =	rddreg [dreg:$0x6]  }
0x21: {  	[tilespmem:s17], [sflag:$0x6] =	stream.linear.gather [hbm4b:s0+s17], $0x40, $0x38;
	[tilespmem:$0x10350] =	vst v63  }
0x22: {  	_ =	swait.ge [sflag:s20], $0x40  }
0x23: {  	[sflag:s20] =	ssyncset.done $0x0  }
0x24: {  	s1 =	simm.s32 $0x40;
	s14 =	rddreg [dreg:$0x7];
	[sflag:s20] =	ssyncadd.s32 $0xFFFFFFC0  }
0x25: {  	[tilespmem:s1], [sflag:$0x6] =	stream.linear.gather [hbm4b:s14+s17], $0x40, $0x38;
	[tilespmem:$0x10350] =	vst v63  }
0x26: {  	_ =	swait.ge [sflag:s20], $0x40  }
0x27: {  	[sflag:s20] =	ssyncset.done $0x0  }
0x28: {  	s16 =	simm.s32 $0x80;
	s15 =	rddreg [dreg:$0x8];
	[sflag:s20] =	ssyncadd.s32 $0xFFFFFFC0  }
0x29: {  	[tilespmem:s16], [sflag:$0x6] =	stream.linear.gather [hbm4b:s15+s17], $0x40, $0x38;
	[tilespmem:$0x10350] =	vst v63  }
0x2a: {  	_ =	swait.ge [sflag:s20], $0x40  }
0x2b: {  	[sflag:s20] =	ssyncset.done $0x0  }
0x2c: {  	[sflag:s20] =	ssyncadd.s32 $0xFFFFFFC0  }
0x2d: {  	s19 =	simm.s32 $0xC0;
	s18 =	rddreg [dreg:$0x1]  }
0x2e: {  	[tilespmem:s19], [sflag:$0x6] =	stream.linear.gather [hbm4b:s18+s17], $0x40, $0x38;
	[tilespmem:$0x10350] =	vst v63  }
0x2f: {  	_ =	swait.ge [sflag:s20], $0x40  }
0x30: {  	[sflag:s20] =	ssyncset.done $0x0  }
0x31: {  	[sflag:s20] =	ssyncadd.s32 $0xFFFFFFC0  }
0x32: {  	s22 =	simm.s32 $0x100;
	s21 =	rddreg [dreg:$0x2]  }
0x33: {  	[tilespmem:s22], [sflag:$0x6] =	stream.linear.gather [hbm4b:s21+s17], $0x40, $0x38;
	[tilespmem:$0x10350] =	vst v63  }
0x34: {  	_ =	swait.ge [sflag:s20], $0x40  }
0x35: {  	[sflag:s20] =	ssyncset.done $0x0  }
0x36: {  	s5 =	rddreg [dreg:$0xa];
	[sflag:s20] =	ssyncadd.s32 $0xFFFFFFC0  }
0x37: {  	v1 =	vld [tilespmem:s5+$0x0]  }
0x38: {  	v2 =	vld [tilespmem:s5+$0x40];
	_ =	sdelay $0x1  }
0x39: {  	v3 =	vld [tilespmem:s5+$0x80];
	_ =	sdelay $0x1  }
0x3a: {  	v1 =	vnsel vm0, $0x0, v1  }
0x3b: {  	(xrf0) =	vadd.scan.msk.s32 $0xffff, v1;
	v1 =	vnsel vm0, $0x0, v2;
	v2 =	vld [tilespmem:s5+$0xC0];
	_ =	sdelay $0x1  }
0x3c: {  	(xrf0) =	vadd.scan.msk.s32 $0xffff, v1;
	v1 =	vnsel vm0, $0x0, v3  }
0x3d: {  	(xrf0) =	vadd.scan.msk.s32 $0xffff, v1;
	_ =	sdelay $0x1  }
0x3e: {  	v2 =	vnsel vm0, $0x0, v2;
	_ =	sdelay $0x1  }
0x3f: {  	v1, _, _ =	vpop (xrf0);
	(xrf0) =	vadd.scan.msk.s32 $0xffff, v2  }
0x40: {  	(v2sf) =	vpush v1, $0xF;
	v2, _, _ =	vpop (xrf0)  }
0x41: {  	(v2sf) =	vpush v2, $0xF;
	v2, _, _ =	vpop (xrf0)  }
0x42: {  	(v2sf) =	vpush v2, $0xF;
	_ =	sdelay $0x2  }
0x43: {  	v2, _, _ =	vpop (xrf0)  }
0x44: {  	(v2sf) =	vpush v2, $0xF;
	_ =	sdelay $0x8  }
0x45: {  	s0 =	spop (v2sf)  }
0x46: {  	s23 =	spop (v2sf)  }
0x47: {  	s24 =	spop (v2sf)  }
0x48: {  	s4 =	ssub.s32 s23, s0;
	p0 =	seq.s32 s24, $0x1  }
0x49: {  	s4 =	simm.s32 @!p0 $0x0  }
0x4a: {  	s7 =	rddreg [dreg:$0x9];
	s1 =	sadd.s32 s0, s4  }
0x4b: {  	s6 =	smov.u32 s7;
	s2 =	spop (v2sf);
	p0 =	sgt.s32 s1, $0x7CFF  }
0x4c: {  	p1 =	slt.s32 s0, $0x1;
	s6 =	smov.u32 @p0 s2  }
0x4d: {  	s7 =	smov.u32 @p1 s6  }
0x4e: {  	s6 =	smul.u32 $0x27100, s7;
	_ =	sdelay $0x1  }
0x4f: {  	s6 =	sshrl.u32 s6, $0x3  }
0x50: {  	s25 =	simm.s32 $0x140;
	s6 =	sadd.s32 s3, s6  }
0x51: {  	[tilespmem:s25], [sflag:$0x1] =	stream.linear.gather [hbm4b:s6+s17], $0x7D00, $0x38;
	[tilespmem:$0x10350] =	vst v63  }
0x52: {  	v2 =	vld [tilespmem:s5+$0x100];
	_ =	sdelay $0x1  }
0x53: {  	v3 =	vld [tilespmem:s5+$0xC0]  }
0x54: {  	v4 =	vld [tilespmem:s5+$0x80];
	_ =	sdelay $0x1  }
0x55: {  	v2 =	vnsel vm0, $0x0, v2  }
0x56: {  	(xrf2) =	vadd.scan.msk.f32 $0xffff, v2  }
0x57: {  	v2 =	vnsel vm0, $0x0, v3  }
0x58: {  	(xrf0) =	vadd.scan.msk.s32 $0xffff, v2;
	v2 =	vnsel vm0, $0x0, v4  }
0x59: {  	(xrf0) =	vadd.scan.msk.s32 $0xffff, v2;
	_ =	sdelay $0x4  }
0x5a: {  	v2, _, _ =	vpop (xrf0)  }
0x5b: {  	(v2sf) =	vpush v2, $0xF;
	v2, _, _ =	vpop (xrf0)  }
0x5c: {  	(v2sf) =	vpush v2, $0xF;
	v2, _, _ =	vpop (xrf2)  }
0x5d: {  	(v2sf) =	vpush v2, $0xF;
	_ =	sdelay $0xa  }
0x5e: {  	s29 =	rddreg [dreg:$0xb]  }
0x5f: {  	[tilespmem:s9], [sflag:$0x6] =	stream.linear.gather [hbm4b:s29+s17], $0x400, $0x38;
	[tilespmem:$0x10350] =	vst v63  }
0x60: {  	s26 =	spop (v2sf)  }
0x61: {  	s28 =	spop (v2sf)  }
0x62: {  	s8 =	spop (v2sf)  }
0x63: {  	s6 =	sshll.u32 s26, $0x7;
	_ =	swait.ge [sflag:s20], $0x400  }
0x64: {  	s30 =	simm.s32 $0xFF50;
	s6 =	sand.u32 $0x1FFFFF80, s6;
	[sflag:s20] =	ssyncset.done $0x0  }
0x65: {  	p0 =	seq.s32 s28, $0x1;
	s6 =	sadd.s32 s10, s6;
	[sflag:s20] =	ssyncadd.s32 $0xFFFFFC00  }
0x66: {  	[tilespmem:s30], [sflag:$0x6] =	stream.linear.gather [hbm4b:s6+s17], $0x400, $0x38;
	[tilespmem:$0x10350] =	vst v63  }
0x67: {  	s8 =	simm.s32 @!p0 $0x3F800000;
	_ =	swait.ge [sflag:s20], $0x400  }
0x68: {  	s31 =	ssub.f32 $1.000000000e+00, s8;
	[sflag:s20] =	ssyncset.done $0x0  }
0x69: {  	s6 =	simm.s32 $0x0;
	[sflag:s20] =	ssyncadd.s32 $0xFFFFFC00  }
0x6a: {  	s7 =	simm.s32 $0x40;
	v2 =	vmov s8;
	v3 =	vmov s31;
	v4 =	vld [tilespmem:s6+$0xFF50]  }
.LBB2_2:
0x6b: {  	p0 =	sne.s32 s7, $0xFC0;
	v5 =	vld [tilespmem:s6+$0xFB50];
	_ =	sdelay $0x4  }
.Ltmp2:
0x6c: {  	v4 =	vmul.f32 v4, v3;
	v5 =	vmul.f32 v5, v2;
	(pc) =	sbr.rel @p0 .LBB2_2-.Ltmp2, $4  }
0x6d: {  	_ = 	snop  }
0x6e: {  	v5 =	vadd.f32 v4, v5  }
0x6f: {  	s8 =	sshra.s32 s7, $0x2  }
0x70: {  	s7 =	sadd.s32 $0x40, s7;
	v4 =	vld [tilespmem:s8+$0xFF50];
	[tilespmem:s6+$0xFB50] =	vst v5;
	s6 =	smov.u32 s8  }
0x71: {  	v5 =	vld [tilespmem:s6+$0xFB50];
	_ =	sdelay $0x4  }
0x72: {  	v3 =	vmul.f32 v4, v3;
	v2 =	vmul.f32 v5, v2;
	_ =	sdelay $0x1  }
0x73: {  	s23 =	simm.s32 $0x0;
	s5 =	rddreg [dreg:$0xc];
	v2 =	vadd.f32 v3, v2  }
0x74: {  	s7 =	smul.u32 $0x27100, s2;
	s21 =	simm.s32 $0x140;
	p0 =	slt.s32 s4, $0x1  }
.Ltmp3:
0x75: {  	s22 =	simm.s32 $0x7D00;
	[tilespmem:s6+$0xFB50] =	vst v2;
	v2 =	vmov s4;
	s4 =	simm.s32 @!p0 $0x0;
	(pc) =	sbr.rel .LBB2_4-.Ltmp3, $4  }
0x76: {  	v1 =	vsub.s32 $0x0, v1;
	[hbm4b:s5+s23] =	stream.linear.scatter [tilespmem:s9], [sflag:$0x6], $0x400, $0x38;
	[tilespmem:$0x10350] =	vst v63  }
0x77: {  	p5 =	por $0x0, $0x0;
	v1 =	vbroadcast v1, $0xF;
	s4 =	simm.s32 @p0 $0x1;
	_ =	swait.ge [sflag:s20], $0x400  }
0x78: {  	s8 =	simm.s32 $0x0;
	[sflag:s20] =	ssyncset.done $0x0;
	[smem:$0x7FD] =	sst s4  }
0x79: {  	v1 =	vadd.s32 v0, v1;
	s6 =	simm.s32 $0x0;
	s19 =	rddreg [dreg:$0x10];
	[sflag:s20] =	ssyncadd.s32 $0xFFFFFC00  }
.LBB2_6:
0x7a: {  	s4 =	smul.u32 $0x7D00, s9;
	p1 =	seq.s32 s6, $0x0  }
0x7b: {  	p0 =	seq.s32 @!p1 s6, $0xFFFE0C00  }
0x7c: {  	s5 =	sadd.s32 $0x3, s9;
	s4 =	sadd.s32 $0x140, s4;
	p0 =	por p1, !p0  }
0x7d: {  	[hbm4b:s19+s17] =	stream.linear.scatter [tilespmem:s4], [sflag:s5], $0x7D00, $0x38;
	[tilespmem:$0x10350] =	vst v63  }
0x7e: {  	s4 =	sadd.s32 @p0 $0xFA00, s23  }
0x7f: {  	s23 =	sadd.s32 @p0 $0x7D00, s23;
	s5 =	rddreg [dreg:$0x9];
	p2 =	sge.s32 @p0 s1, s4  }
0x80: {  	p3 =	sle.s32 @p0 s0, s23;
	s4 =	smov.u32 s2;
	p2 =	por !p2, !p0  }
0x81: {  	s4 =	smov.u32 @p2 s5;
	p2 =	por !p3, !p0  }
0x82: {  	s4 =	smov.u32 @p2 s5;
	s5 =	sxor.u32 @!p1 $0x1, s9  }
0x83: {  	s5 =	sadd.s32 @!p1 $0x3, s5  }
0x84: {  	s8 =	sadd.s32 @p0 $0x1, s8;
	_ =	swait.ge @!p1 [sflag:s5], $0x7D00  }
0x85: {  	s9 =	sand.u32 @p0 $0x1, s8;
	[sflag:s5] =	ssyncset.done @!p1 $0x0  }
0x86: {  	s4 =	smul.u32 @p0 $0x27100, s4;
	[sflag:s5] =	ssyncadd.s32 @!p1 $0xFFFF8300;
	p1 =	slt.u32 @p0 s8, $0x5  }
0x87: {  	s6 =	sadd.s32 @p0 $0xFFFF8300, s6;
	s11 =	smul.u32 @p0 $0x1F400, s9;
	p1 =	por !p0, !p1  }
.Ltmp4:
0x88: {  	s21 =	sadd.s32 @p0 $0xFFFF8300, s21;
	s22 =	sadd.s32 @p0 $0x7D00, s22;
	(pc) =	sbr.rel @p1 .LBB2_7-.Ltmp4, $4  }
0x89: {  	p5 =	por @p0 !p5, !p5;
	s19 =	sadd.s32 @p0 $0xFA0, s19;
	s4 =	sadd.s32 @p0 s4, s23  }
0x8a: {  	s9 =	sadd.s32 @p0 $0x1, s9;
	s11 =	sshrl.u32 @p0 s11, $0x2;
	s4 =	sshrl.u32 @p0 s4, $0x3  }
0x8b: {  	s5 =	sadd.s32 @p0 $0x140, s11;
	s11 =	simm.s32 @p0 $0x0;
	s4 =	sadd.s32 @p0 s3, s4  }
0x8c: {  	[tilespmem:s5], [sflag:s9] =	stream.linear.gather @p0 [hbm4b:s4+s11], $0x7D00, $0x38;
	[tilespmem:$0x10350] =	vst v63  }
.LBB2_4:
0x8d: {  	s4 =	sld [smem:$0x7FD];
	_ =	sdelay $0x2  }
0x8e: {  	p2 =	seq.s32 s4, $0x1  }
0x8f: {  	p1 =	sle.s32 @!p2 s1, s23  }
0x90: {  	s4 =	sadd.s32 $0x7D00, s23;
	p1 =	por p2, p1  }
0x91: {  	p0 =	sgt.s32 s0, s23;
	p6 =	slt.s32 s1, s4;
	p3 =	sge.s32 @!p1 s0, s4  }
0x92: {  	p2 =	por p0, p6;
	p1 =	por p1, p3  }
0x93: {  	p1 =	por p1, !p2  }
.Ltmp5:
0x94: {  	s9 =	sand.u32 $0x1, s8;
	(pc) =	sbr.rel @p1 .LBB2_6-.Ltmp5, $4  }
0x95: {  	s13 =	sadd.s32 $0x1, s9  }
0x96: {  	_ =	swait.ge [sflag:s13], $0x7D00  }
0x97: {  	[sflag:s13] =	ssyncset.done $0x0  }
0x98: {  	[sflag:s13] =	ssyncadd.s32 $0xFFFF8300  }
0x99: {  	s14 =	smov.u32 s23  }
0x9a: {  	s14 =	smov.u32 @p0 s0  }
0x9b: {  	s18 =	sadd.s32 $0xF, s14  }
0x9c: {  	s15 =	smin.u32 s1, s4;
	s17 =	simm.s32 $0x1;
	s28 =	sand.u32 $0x7FFFFFF0, s18  }
0x9d: {  	s13 =	smin.u32 s22, s1;
	s17 =	simm.s32 @!p5 $0x0;
	s16 =	ssub.s32 s15, s28  }
0x9e: {  	s4 =	smul.u32 $0x1F400, s17;
	s25 =	ssub.s32 s13, s28;
	p0 =	sgt.s32 s16, $0x0  }
0x9f: {  	s18 =	sshll.u32 s18, $0x2;
	p1 =	sgt.s32 s25, $0x0;
	s16 =	simm.s32 @!p0 $0x0  }
0xa0: {  	s18 =	sand.u32 $0xFFFFFFC0, s18;
	s25 =	simm.s32 @!p1 $0x0;
	s24 =	sand.u32 $0x4000, s16  }
0xa1: {  	s30 =	sshra.s32 s18, $0x2;
	s26 =	sshrl.u32 s25, $0xE;
	p0 =	seq.s32 s24, $0x0  }
0xa2: {  	s30 =	sadd.s32 s30, s21;
	s26 =	sand.u32 $0x1, s26;
	s31 =	sadd.s32 @!p0 s7, s28  }
0xa3: {  	s24 =	sadd.s32 s28, s24;
	s11 =	sshrl.u32 @!p0 s4, $0x2;
	s31 =	sshrl.u32 @!p0 s31, $0x3  }
0xa4: {  	s11 =	sadd.s32 @!p0 s11, s30;
	s30 =	sadd.s32 @!p0 s3, s31;
	s31 =	simm.s32 @!p0 $0x0  }
0xa5: {  	[tilespmem:s11], [sflag:$0x5] =	stream.linear.gather @!p0 [hbm4b:s30+s31], $0x4000, $0x38;
	[tilespmem:$0x10350] =	vst v63  }
0xa6: {  	s5 =	simm.s32 @!p0 $0x0;
	s11 =	sshll.u32 s26, $0x10;
	s30 =	sand.u32 $0x2000, s16  }
0xa7: {  	s5 =	simm.s32 @p0 $0x1;
	s29 =	sadd.s32 s18, s11;
	p0 =	seq.s32 s30, $0x0  }
0xa8: {  	[smem:$0x7F7] =	sst s5;
	s5 =	simm.s32 @!p0 $0x0;
	s31 =	sshra.s32 s29, $0x2  }
0xa9: {  	s29 =	sadd.s32 @!p0 s7, s24;
	s5 =	simm.s32 @p0 $0x1;
	s31 =	sadd.s32 s31, s21  }
0xaa: {  	s29 =	sshrl.u32 @!p0 s29, $0x3;
	[smem:$0x7F8] =	sst s5;
	s5 =	sshrl.u32 @!p0 s4, $0x2  }
0xab: {  	s29 =	sadd.s32 @!p0 s3, s29;
	s5 =	sadd.s32 @!p0 s5, s31;
	s31 =	simm.s32 @!p0 $0x0  }
0xac: {  	[tilespmem:s5], [sflag:$0x5] =	stream.linear.gather @!p0 [hbm4b:s29+s31], $0x2000, $0x38;
	[tilespmem:$0x10350] =	vst v63  }
0xad: {  	s29 =	sshrl.u32 s25, $0xD  }
0xae: {  	s5 =	sand.u32 $0x1, s29  }
0xaf: {  	s29 =	sand.u32 $0x1000, s16;
	s31 =	sshll.u32 s5, $0xF  }
0xb0: {  	p0 =	seq.s32 s29, $0x0;
	s11 =	sor.u32 s31, s11  }
0xb1: {  	s11 =	sadd.s32 s18, s11;
	s18 =	sadd.s32 s30, s24;
	s24 =	simm.s32 @!p0 $0x0  }
0xb2: {  	s24 =	simm.s32 @p0 $0x1  }
0xb3: {  	s31 =	sshra.s32 s11, $0x2;
	s30 =	sadd.s32 @!p0 s7, s18;
	[smem:$0x7F9] =	sst s24  }
0xb4: {  	s24 =	sadd.s32 s31, s21;
	s31 =	sshrl.u32 @!p0 s4, $0x2;
	s30 =	sshrl.u32 @!p0 s30, $0x3  }
0xb5: {  	s24 =	sadd.s32 @!p0 s31, s24;
	s30 =	sadd.s32 @!p0 s3, s30;
	s31 =	simm.s32 @!p0 $0x0  }
0xb6: {  	[tilespmem:s24], [sflag:$0x5] =	stream.linear.gather @!p0 [hbm4b:s30+s31], $0x1000, $0x38;
	[tilespmem:$0x10350] =	vst v63  }
0xb7: {  	s31 =	sshrl.u32 s25, $0xC  }
0xb8: {  	s24 =	sand.u32 $0x1, s31;
	s31 =	sand.u32 $0x800, s16  }
0xb9: {  	p0 =	seq.s32 s31, $0x0  }
0xba: {  	s18 =	sadd.s32 s29, s18;
	s30 =	sshll.u32 s24, $0xE;
	s29 =	simm.s32 @!p0 $0x0  }
0xbb: {  	s11 =	sadd.s32 s30, s11;
	s29 =	simm.s32 @p0 $0x1  }
0xbc: {  	s11 =	sshra.s32 s11, $0x2;
	[smem:$0x7FA] =	sst s29;
	s29 =	sadd.s32 @!p0 s7, s18  }
0xbd: {  	s30 =	sshrl.u32 @!p0 s4, $0x2;
	s11 =	sadd.s32 s11, s21;
	s29 =	sshrl.u32 @!p0 s29, $0x3  }
0xbe: {  	s11 =	sadd.s32 @!p0 s30, s11;
	s30 =	simm.s32 @!p0 $0x0;
	s29 =	sadd.s32 @!p0 s3, s29  }
0xbf: {  	[tilespmem:s11], [sflag:$0x5] =	stream.linear.gather @!p0 [hbm4b:s29+s30], $0x800, $0x38;
	[tilespmem:$0x10350] =	vst v63  }
0xc0: {  	s5 =	sshll.u32 s5, $0xD;
	s24 =	sshll.u32 s24, $0xC;
	s29 =	smul.u32 $0x7D00, s17  }
0xc1: {  	s30 =	sshll.u32 s26, $0xE;
	s26 =	sand.u32 $0x800, s25;
	s17 =	sand.u32 $0x400, s16  }
0xc2: {  	p0 =	seq.s32 s17, $0x0;
	s11 =	sadd.s32 s30, s29;
	s29 =	sand.u32 $0x200, s16  }
0xc3: {  	s30 =	sand.u32 $0x400, s25;
	s5 =	sadd.s32 s5, s11;
	s11 =	sadd.s32 s31, s18  }
0xc4: {  	s18 =	simm.s32 @!p0 $0x0;
	p6 =	seq.s32 s29, $0x0;
	s5 =	sadd.s32 s24, s5  }
0xc5: {  	s31 =	sand.u32 $0x100, s16;
	s18 =	simm.s32 @p0 $0x1;
	s5 =	sadd.s32 s26, s5  }
0xc6: {  	[smem:$0x7FB] =	sst s18;
	s18 =	sadd.s32 @!p0 s7, s11;
	s26 =	simm.s32 @!p0 $0x0  }
0xc7: {  	s11 =	sadd.s32 s17, s11;
	s5 =	sadd.s32 s28, s5;
	s18 =	sshrl.u32 @!p0 s18, $0x3  }
0xc8: {  	s17 =	sadd.s32 @!p6 s7, s11;
	s28 =	sand.u32 $0x200, s25;
	s11 =	sadd.s32 s29, s11  }
0xc9: {  	s29 =	sand.u32 $0x80, s16;
	s24 =	sadd.s32 @!p0 s5, s6;
	s18 =	sadd.s32 @!p0 s3, s18  }
0xca: {  	s5 =	sadd.s32 s30, s5;
	s17 =	sshrl.u32 @!p6 s17, $0x3;
	s30 =	sand.u32 $0x100, s25  }
0xcb: {  	p4 =	seq.s32 s29, $0x0;
	s24 =	sadd.s32 @!p0 $0x140, s24;
	s17 =	sadd.s32 @!p6 s3, s17  }
0xcc: {  	[tilespmem:s24], [sflag:$0x5] =	stream.linear.gather @!p0 [hbm4b:s18+s26], $0x400, $0x38;
	[tilespmem:$0x10350] =	vst v63  }
0xcd: {  	s24 =	sadd.s32 @!p6 s5, s6;
	s26 =	simm.s32 @!p6 $0x0;
	s18 =	simm.s32 @!p5 $0x0  }
0xce: {  	s5 =	sadd.s32 s28, s5;
	s24 =	sadd.s32 @!p6 $0x140, s24;
	s18 =	simm.s32 @p5 $0x1  }
0xcf: {  	[tilespmem:s24], [sflag:$0x5] =	stream.linear.gather @!p6 [hbm4b:s17+s26], $0x200, $0x38;
	[tilespmem:$0x10350] =	vst v63  }
0xd0: {  	s28 =	sand.u32 $0x40, s25;
	p5 =	seq.s32 s31, $0x0;
	[smem:$0x7FC] =	sst s18  }
0xd1: {  	s18 =	sadd.s32 @!p5 s7, s11;
	s24 =	sadd.s32 @!p5 s5, s6;
	s26 =	simm.s32 @!p5 $0x0  }
0xd2: {  	s11 =	sadd.s32 s31, s11;
	s5 =	sadd.s32 s30, s5;
	s18 =	sshrl.u32 @!p5 s18, $0x3  }
0xd3: {  	s24 =	sadd.s32 @!p5 $0x140, s24;
	s17 =	sadd.s32 @!p4 s7, s11;
	s18 =	sadd.s32 @!p5 s3, s18  }
0xd4: {  	[tilespmem:s24], [sflag:$0x5] =	stream.linear.gather @!p5 [hbm4b:s18+s26], $0x100, $0x38;
	[tilespmem:$0x10350] =	vst v63  }
0xd5: {  	s31 =	sand.u32 $0x40, s16;
	s17 =	sshrl.u32 @!p4 s17, $0x3;
	s24 =	sadd.s32 @!p4 s5, s6  }
0xd6: {  	s17 =	sadd.s32 @!p4 s3, s17;
	s26 =	simm.s32 @!p4 $0x0;
	s24 =	sadd.s32 @!p4 $0x140, s24  }
0xd7: {  	[tilespmem:s24], [sflag:$0x5] =	stream.linear.gather @!p4 [hbm4b:s17+s26], $0x80, $0x38;
	[tilespmem:$0x10350] =	vst v63  }
0xd8: {  	s11 =	sadd.s32 s29, s11;
	p3 =	seq.s32 s31, $0x0;
	s26 =	sand.u32 $0x80, s25  }
0xd9: {  	s30 =	sld [smem:$0x7F7];
	s18 =	sadd.s32 @!p3 s7, s11;
	s5 =	sadd.s32 s26, s5  }
0xda: {  	s29 =	sand.u32 $0x20, s25;
	s18 =	sshrl.u32 @!p3 s18, $0x3;
	s24 =	sadd.s32 @!p3 s5, s6  }
0xdb: {  	s18 =	sadd.s32 @!p3 s3, s18;
	s26 =	simm.s32 @!p3 $0x0;
	s24 =	sadd.s32 @!p3 $0x140, s24  }
0xdc: {  	[tilespmem:s24], [sflag:$0x5] =	stream.linear.gather @!p3 [hbm4b:s18+s26], $0x40, $0x38;
	[tilespmem:$0x10350] =	vst v63  }
0xdd: {  	s11 =	sadd.s32 s31, s11;
	p0 =	seq.s32 s30, $0x1;
	s18 =	sand.u32 $0x20, s16  }
0xde: {  	s5 =	sadd.s32 s28, s5;
	s16 =	sand.u32 $0x10, s16;
	p2 =	seq.s32 s18, $0x0  }
0xdf: {  	p1 =	seq.s32 s16, $0x0;
	s17 =	sadd.s32 @!p2 s7, s11;
	s24 =	sadd.s32 @!p2 s5, s6  }
0xe0: {  	s26 =	simm.s32 @!p2 $0x0;
	s11 =	sadd.s32 @!p1 s18, s11;
	s5 =	sadd.s32 s29, s5  }
0xe1: {  	s17 =	sshrl.u32 @!p2 s17, $0x3;
	s24 =	sadd.s32 @!p2 $0x140, s24;
	s11 =	sadd.s32 @!p1 s7, s11  }
0xe2: {  	s5 =	sadd.s32 @!p1 s5, s6;
	s17 =	sadd.s32 @!p2 s3, s17;
	s11 =	sshrl.u32 @!p1 s11, $0x3  }
0xe3: {  	[tilespmem:s24], [sflag:$0x5] =	stream.linear.gather @!p2 [hbm4b:s17+s26], $0x20, $0x38;
	[tilespmem:$0x10350] =	vst v63  }
0xe4: {  	s16 =	simm.s32 @!p1 $0x0;
	s5 =	sadd.s32 @!p1 $0x140, s5;
	s11 =	sadd.s32 @!p1 s3, s11  }
0xe5: {  	[tilespmem:s5], [sflag:$0x5] =	stream.linear.gather @!p1 [hbm4b:s11+s16], $0x10, $0x38;
	[tilespmem:$0x10350] =	vst v63  }
0xe6: {  	s5 =	simm.s32 @!p0 $0x5  }
0xe7: {  	_ =	swait.ge @!p0 [sflag:s5], $0x4000  }
0xe8: {  	s31 =	sld [smem:$0x7F8];
	_ =	sdelay $0x1  }
0xe9: {  	[sflag:s5] =	ssyncset.done @!p0 $0x0  }
0xea: {  	[sflag:s5] =	ssyncadd.s32 @!p0 $0xFFFFC000;
	p0 =	seq.s32 s31, $0x1  }
0xeb: {  	s5 =	simm.s32 @!p0 $0x5  }
0xec: {  	_ =	swait.ge @!p0 [sflag:s5], $0x2000  }
0xed: {  	s11 =	sld [smem:$0x7F9];
	_ =	sdelay $0x1  }
0xee: {  	[sflag:s5] =	ssyncset.done @!p0 $0x0  }
0xef: {  	[sflag:s5] =	ssyncadd.s32 @!p0 $0xFFFFE000;
	p0 =	seq.s32 s11, $0x1  }
0xf0: {  	s5 =	simm.s32 @!p0 $0x5  }
0xf1: {  	_ =	swait.ge @!p0 [sflag:s5], $0x1000  }
0xf2: {  	s16 =	sld [smem:$0x7FA];
	_ =	sdelay $0x1  }
0xf3: {  	[sflag:s5] =	ssyncset.done @!p0 $0x0  }
0xf4: {  	[sflag:s5] =	ssyncadd.s32 @!p0 $0xFFFFF000;
	p0 =	seq.s32 s16, $0x1  }
0xf5: {  	s5 =	simm.s32 @!p0 $0x5  }
0xf6: {  	_ =	swait.ge @!p0 [sflag:s5], $0x800  }
0xf7: {  	s17 =	sld [smem:$0x7FB];
	_ =	sdelay $0x1  }
0xf8: {  	[sflag:s5] =	ssyncset.done @!p0 $0x0  }
0xf9: {  	[sflag:s5] =	ssyncadd.s32 @!p0 $0xFFFFF800;
	p0 =	seq.s32 s17, $0x1  }
0xfa: {  	s5 =	simm.s32 @!p0 $0x5  }
0xfb: {  	_ =	swait.ge @!p0 [sflag:s5], $0x400  }
0xfc: {  	[sflag:s5] =	ssyncset.done @!p0 $0x0  }
0xfd: {  	[sflag:s5] =	ssyncadd.s32 @!p0 $0xFFFFFC00;
	s5 =	simm.s32 @!p6 $0x5  }
0xfe: {  	_ =	swait.ge @!p6 [sflag:s5], $0x200  }
0xff: {  	[sflag:s5] =	ssyncset.done @!p6 $0x0  }
0x100: {  	[sflag:s5] =	ssyncadd.s32 @!p6 $0xFFFFFE00;
	s5 =	simm.s32 @!p5 $0x5  }
0x101: {  	_ =	swait.ge @!p5 [sflag:s5], $0x100  }
0x102: {  	[sflag:s5] =	ssyncset.done @!p5 $0x0  }
0x103: {  	[sflag:s5] =	ssyncadd.s32 @!p5 $0xFFFFFF00;
	s5 =	simm.s32 @!p4 $0x5  }
0x104: {  	s18 =	sld [smem:$0x7FC];
	_ =	swait.ge @!p4 [sflag:s5], $0x80  }
0x105: {  	[sflag:s5] =	ssyncset.done @!p4 $0x0  }
0x106: {  	[sflag:s5] =	ssyncadd.s32 @!p4 $0xFFFFFF80;
	s5 =	simm.s32 @!p3 $0x5  }
0x107: {  	_ =	swait.ge @!p3 [sflag:s5], $0x40  }
0x108: {  	[sflag:s5] =	ssyncset.done @!p3 $0x0  }
0x109: {  	[sflag:s5] =	ssyncadd.s32 @!p3 $0xFFFFFFC0;
	s5 =	simm.s32 @!p2 $0x5  }
0x10a: {  	_ =	swait.ge @!p2 [sflag:s5], $0x20  }
0x10b: {  	s29 =	simm.s32 $0xFB40;
	[sflag:s5] =	ssyncset.done @!p2 $0x0  }
0x10c: {  	s24 =	sand.u32 $0x7FFFFFF0, s14;
	[sflag:s5] =	ssyncadd.s32 @!p2 $0xFFFFFFE0;
	s5 =	simm.s32 @!p1 $0x5  }
0x10d: {  	s26 =	sshll.u32 s14, $0x2;
	s25 =	sadd.s32 s7, s24;
	_ =	swait.ge @!p1 [sflag:s5], $0x10  }
0x10e: {  	s28 =	sshra.s32 s26, $0x2;
	s16 =	sshrl.u32 s25, $0x3;
	[sflag:s5] =	ssyncset.done @!p1 $0x0  }
0x10f: {  	s16 =	sadd.s32 s3, s16;
	s17 =	simm.s32 $0x0;
	[sflag:s5] =	ssyncadd.s32 @!p1 $0xFFFFFFF0  }
0x110: {  	[tilespmem:s29], [sflag:$0x6] =	stream.linear.gather [hbm4b:s16+s17], $0x10, $0x38;
	[tilespmem:$0x10350] =	vst v63  }
0x111: {  	s5 =	sand.u32 $0xFFFFFFF0, s28;
	_ =	swait.ge [sflag:s20], $0x10  }
0x112: {  	s30 =	sshrl.u32 s4, $0x2;
	s5 =	sadd.s32 s5, s21;
	[sflag:s20] =	ssyncset.done $0x0  }
0x113: {  	s5 =	sadd.s32 s30, s5;
	[sflag:s20] =	ssyncadd.s32 $0xFFFFFFF0  }
0x114: {  	v3 =	vld [tilespmem:s5+$0x0]  }
0x115: {  	s15 =	sadd.s32 $0xFFFFFFFF, s15;
	v4 =	vld [tilespmem:$0xFB40]  }
0x116: {  	s14 =	sxor.u32 s14, s15  }
0x117: {  	p0 =	slt.u32 s14, $0x10  }
0x118: {  	v5 =	vadd.s32 s24, v1;
	s11 =	sand.u32 @!p0 $0xFFFFFFF0, s15  }
0x119: {  	vm2 =	vlt.u32 v5, v2;
	s14 =	sadd.s32 @!p0 s7, s11  }
0x11a: {  	s31 =	sshll.u32 s13, $0x2;
	s14 =	sshrl.u32 @!p0 s14, $0x3;
	v3 =	vsel vm2, v4, v3  }
0x11b: {  	s15 =	simm.s32 @!p0 $0xFB40;
	[tilespmem:s5+$0x0] =	vst v3;
	s5 =	sadd.s32 @!p0 s3, s14;
	s14 =	simm.s32 @!p0 $0x0  }
0x11c: {  	[tilespmem:s15], [sflag:$0x6] =	stream.linear.gather @!p0 [hbm4b:s5+s14], $0x10, $0x38;
	[tilespmem:$0x10350] =	vst v63  }
0x11d: {  	s13 =	simm.s32 @!p0 $0x6;
	s5 =	sadd.s32 $0xFFFFFFFC, s31  }
0x11e: {  	s5 =	sand.u32 $0xFFFFFFC0, s5;
	_ =	swait.ge @!p0 [sflag:s13], $0x10  }
0x11f: {  	s5 =	sshra.s32 s5, $0x2;
	[sflag:s13] =	ssyncset.done @!p0 $0x0  }
0x120: {  	s4 =	sshrl.u32 @!p0 s4, $0x2;
	s5 =	sadd.s32 s5, s21;
	[sflag:s13] =	ssyncadd.s32 @!p0 $0xFFFFFFF0  }
0x121: {  	s4 =	sadd.s32 @!p0 s4, s5;
	v4 =	vld @!p0 [tilespmem:$0xFB40]  }
0x122: {  	v3 =	vld @!p0 [tilespmem:s4+$0x0];
	_ =	sdelay $0x1  }
.Ltmp6:
0x123: {  	_ = 	snop;
	(pc) =	sbr.rel .LBB2_6-.Ltmp6, $4  }
0x124: {  	v5 =	vadd.s32 @!p0 s11, v1  }
0x125: {  	vm2 =	vlt.u32 @!p0 v5, v2  }
0x126: {  	v3 =	vsel @!p0 vm2, v4, v3  }
0x127: {  	p5 =	seq.s32 s18, $0x1;
	[tilespmem:s4+$0x0] =	vst @!p0 v3  }
.LBB2_7:
0x128: {  	s0 =	simm.s32 $0x3  }
0x129: {  	_ =	swait.ge [sflag:s0], $0x7D00  }
0x12a: {  	[sflag:s0] =	ssyncset.done $0x0  }
0x12b: {  	s6 =	rddreg [dreg:$0xa];
	[sflag:s0] =	ssyncadd.s32 $0xFFFF8300  }
0x12c: {  	v1 =	vld [tilespmem:s6+$0x0]  }
0x12d: {  	v2 =	vld [tilespmem:s6+$0x40];
	_ =	sdelay $0x1  }
0x12e: {  	v3 =	vld [tilespmem:s6+$0x80];
	_ =	sdelay $0x1  }
0x12f: {  	v1 =	vnsel vm1, $0x0, v1  }
0x130: {  	(xrf0) =	vadd.scan.msk.s32 $0xffff, v1;
	v1 =	vnsel vm1, $0x0, v2;
	v2 =	vld [tilespmem:s6+$0xC0];
	_ =	sdelay $0x1  }
0x131: {  	(xrf0) =	vadd.scan.msk.s32 $0xffff, v1;
	v1 =	vnsel vm1, $0x0, v3  }
0x132: {  	(xrf0) =	vadd.scan.msk.s32 $0xffff, v1;
	_ =	sdelay $0x1  }
0x133: {  	v2 =	vnsel vm1, $0x0, v2;
	_ =	sdelay $0x1  }
0x134: {  	v1, _, _ =	vpop (xrf0);
	(xrf0) =	vadd.scan.msk.s32 $0xffff, v2  }
0x135: {  	(v2sf) =	vpush v1, $0xF;
	v2, _, _ =	vpop (xrf0)  }
0x136: {  	(v2sf) =	vpush v2, $0xF;
	v2, _, _ =	vpop (xrf0)  }
0x137: {  	(v2sf) =	vpush v2, $0xF;
	_ =	sdelay $0x2  }
0x138: {  	v2, _, _ =	vpop (xrf0)  }
0x139: {  	(v2sf) =	vpush v2, $0xF;
	_ =	sdelay $0x8  }
0x13a: {  	s0 =	spop (v2sf)  }
0x13b: {  	s1 =	spop (v2sf)  }
0x13c: {  	s2 =	spop (v2sf)  }
0x13d: {  	s7 =	ssub.s32 s1, s0;
	p0 =	seq.s32 s2, $0x1  }
0x13e: {  	s7 =	simm.s32 @!p0 $0x0  }
0x13f: {  	s1 =	sadd.s32 s0, s7  }
0x140: {  	s4 =	smov.u32 s12;
	s2 =	spop (v2sf);
	p0 =	sgt.s32 s1, $0x7CFF  }
0x141: {  	s5 =	smov.u32 s12;
	p1 =	slt.s32 s0, $0x1;
	s4 =	smov.u32 @p0 s2  }
0x142: {  	s5 =	smov.u32 @p1 s4  }
0x143: {  	s4 =	smul.u32 $0x27100, s5;
	_ =	sdelay $0x1  }
0x144: {  	s4 =	sshrl.u32 s4, $0x3  }
0x145: {  	s26 =	simm.s32 $0x0;
	s8 =	simm.s32 $0x140;
	s4 =	sadd.s32 s3, s4  }
0x146: {  	[tilespmem:s8], [sflag:$0x1] =	stream.linear.gather [hbm4b:s4+s26], $0x7D00, $0x38;
	[tilespmem:$0x10350] =	vst v63  }
0x147: {  	v2 =	vld [tilespmem:s6+$0x100];
	_ =	sdelay $0x1  }
0x148: {  	v3 =	vld [tilespmem:s6+$0xC0]  }
0x149: {  	v4 =	vld [tilespmem:s6+$0x80];
	_ =	sdelay $0x1  }
0x14a: {  	v2 =	vnsel vm1, $0x0, v2  }
0x14b: {  	(xrf2) =	vadd.scan.msk.f32 $0xffff, v2  }
0x14c: {  	v2 =	vnsel vm1, $0x0, v3  }
0x14d: {  	(xrf0) =	vadd.scan.msk.s32 $0xffff, v2;
	v2 =	vnsel vm1, $0x0, v4  }
0x14e: {  	(xrf0) =	vadd.scan.msk.s32 $0xffff, v2;
	_ =	sdelay $0x4  }
0x14f: {  	v2, _, _ =	vpop (xrf0)  }
0x150: {  	(v2sf) =	vpush v2, $0xF;
	v2, _, _ =	vpop (xrf0)  }
0x151: {  	(v2sf) =	vpush v2, $0xF;
	v2, _, _ =	vpop (xrf2)  }
0x152: {  	(v2sf) =	vpush v2, $0xF;
	_ =	sdelay $0xa  }
0x153: {  	s11 =	simm.s32 $0xFB50;
	s9 =	rddreg [dreg:$0xd]  }
0x154: {  	[tilespmem:s11], [sflag:$0x6] =	stream.linear.gather [hbm4b:s9+s26], $0x400, $0x38;
	[tilespmem:$0x10350] =	vst v63  }
0x155: {  	s28 =	spop (v2sf)  }
0x156: {  	s29 =	spop (v2sf)  }
0x157: {  	s8 =	spop (v2sf)  }
0x158: {  	s4 =	sshll.u32 s28, $0x7;
	_ =	swait.ge [sflag:s20], $0x400  }
0x159: {  	s30 =	simm.s32 $0xFF50;
	s4 =	sand.u32 $0x1FFFFF80, s4;
	[sflag:s20] =	ssyncset.done $0x0  }
0x15a: {  	p0 =	seq.s32 s29, $0x1;
	s4 =	sadd.s32 s10, s4;
	[sflag:s20] =	ssyncadd.s32 $0xFFFFFC00  }
0x15b: {  	[tilespmem:s30], [sflag:$0x6] =	stream.linear.gather [hbm4b:s4+s26], $0x400, $0x38;
	[tilespmem:$0x10350] =	vst v63  }
0x15c: {  	s8 =	simm.s32 @!p0 $0x3F800000;
	_ =	swait.ge [sflag:s20], $0x400  }
0x15d: {  	s31 =	ssub.f32 $1.000000000e+00, s8;
	[sflag:s20] =	ssyncset.done $0x0  }
0x15e: {  	s4 =	simm.s32 $0x0;
	[sflag:s20] =	ssyncadd.s32 $0xFFFFFC00  }
0x15f: {  	s6 =	simm.s32 $0x40;
	v2 =	vmov s8;
	v3 =	vmov s31;
	v4 =	vld [tilespmem:s4+$0xFF50]  }
.LBB2_8:
0x160: {  	p0 =	sne.s32 s6, $0xFC0;
	v5 =	vld [tilespmem:s4+$0xFB50];
	_ =	sdelay $0x4  }
.Ltmp7:
0x161: {  	v4 =	vmul.f32 v4, v3;
	v5 =	vmul.f32 v5, v2;
	(pc) =	sbr.rel @p0 .LBB2_8-.Ltmp7, $4  }
0x162: {  	_ = 	snop  }
0x163: {  	v5 =	vadd.f32 v4, v5  }
0x164: {  	s5 =	sshra.s32 s6, $0x2  }
0x165: {  	s6 =	sadd.s32 $0x40, s6;
	v4 =	vld [tilespmem:s5+$0xFF50];
	[tilespmem:s4+$0xFB50] =	vst v5;
	s4 =	smov.u32 s5  }
0x166: {  	v5 =	vld [tilespmem:s4+$0xFB50];
	_ =	sdelay $0x4  }
0x167: {  	v3 =	vmul.f32 v4, v3;
	v2 =	vmul.f32 v5, v2;
	_ =	sdelay $0x1  }
0x168: {  	v2 =	vadd.f32 v3, v2  }
0x169: {  	s21 =	smul.u32 $0x27100, s2  }
.Ltmp8:
0x16a: {  	s9 =	simm.s32 $0x0;
	s31 =	rddreg [dreg:$0xe];
	[tilespmem:s4+$0xFB50] =	vst v2;
	(pc) =	sbr.rel .LBB2_10-.Ltmp8, $4  }
0x16b: {  	v1 =	vsub.s32 $0x0, v1;
	[hbm4b:s31+s9] =	stream.linear.scatter [tilespmem:s11], [sflag:$0x6], $0x400, $0x38;
	[tilespmem:$0x10350] =	vst v63  }
0x16c: {  	s22 =	simm.s32 $0x140;
	s23 =	simm.s32 $0x7D00;
	v1 =	vbroadcast v1, $0xF;
	_ =	swait.ge [sflag:s20], $0x400  }
0x16d: {  	p5 =	por $0x0, $0x0;
	s6 =	simm.s32 $0x0;
	[sflag:s20] =	ssyncset.done $0x0  }
0x16e: {  	s8 =	simm.s32 $0x0;
	v1 =	vadd.s32 v0, v1;
	v2 =	vmov s7;
	s19 =	rddreg [dreg:$0x11];
	[sflag:s20] =	ssyncadd.s32 $0xFFFFFC00  }
.LBB2_12:
0x16f: {  	s5 =	smul.u32 $0x7D00, s4;
	p1 =	seq.s32 s6, $0x0  }
0x170: {  	s10 =	sadd.s32 $0x3, s4;
	p0 =	seq.s32 @!p1 s6, $0xFFFE0C00  }
0x171: {  	s4 =	sxor.u32 @!p1 $0x1, s4;
	s5 =	sadd.s32 $0x140, s5;
	p0 =	por p1, !p0  }
0x172: {  	[hbm4b:s19+s17] =	stream.linear.scatter [tilespmem:s5], [sflag:s10], $0x7D00, $0x38;
	[tilespmem:$0x10350] =	vst v63  }
0x173: {  	s4 =	sadd.s32 @!p1 $0x3, s4;
	s5 =	sadd.s32 @p0 $0xFA00, s9  }
0x174: {  	s9 =	sadd.s32 @p0 $0x7D00, s9;
	s8 =	sadd.s32 @p0 $0x1, s8;
	p2 =	sge.s32 @p0 s1, s5  }
0x175: {  	p3 =	sle.s32 @p0 s0, s9;
	s5 =	smov.u32 s2;
	s10 =	sand.u32 @p0 $0x1, s8  }
0x176: {  	_ =	swait.ge @!p1 [sflag:s4], $0x7D00;
	p2 =	por !p2, !p0;
	s11 =	smul.u32 @p0 $0x1F400, s10  }
0x177: {  	[sflag:s4] =	ssyncset.done @!p1 $0x0;
	s5 =	smov.u32 @p2 s12;
	p2 =	por !p3, !p0  }
0x178: {  	[sflag:s4] =	ssyncadd.s32 @!p1 $0xFFFF8300;
	p1 =	slt.u32 @p0 s8, $0x5;
	s5 =	smov.u32 @p2 s12  }
0x179: {  	s6 =	sadd.s32 @p0 $0xFFFF8300, s6;
	p1 =	por !p0, !p1;
	s5 =	smul.u32 @p0 $0x27100, s5  }
.Ltmp9:
0x17a: {  	s22 =	sadd.s32 @p0 $0xFFFF8300, s22;
	s23 =	sadd.s32 @p0 $0x7D00, s23;
	(pc) =	sbr.rel @p1 .LBB2_13-.Ltmp9, $4  }
0x17b: {  	p5 =	por @p0 !p5, !p5;
	s19 =	sadd.s32 @p0 $0xFA0, s19;
	s5 =	sadd.s32 @p0 s5, s9  }
0x17c: {  	s10 =	sadd.s32 @p0 $0x1, s10;
	s11 =	sshrl.u32 @p0 s11, $0x2;
	s5 =	sshrl.u32 @p0 s5, $0x3  }
0x17d: {  	s4 =	sadd.s32 @p0 $0x140, s11;
	s11 =	simm.s32 @p0 $0x0;
	s5 =	sadd.s32 @p0 s3, s5  }
0x17e: {  	[tilespmem:s4], [sflag:s10] =	stream.linear.gather @p0 [hbm4b:s5+s11], $0x7D00, $0x38;
	[tilespmem:$0x10350] =	vst v63  }
.LBB2_10:
0x17f: {  	p1 =	slt.s32 s7, $0x1  }
0x180: {  	p2 =	sle.s32 @!p1 s1, s9  }
0x181: {  	s13 =	sadd.s32 $0x7D00, s9;
	p1 =	por p1, p2  }
0x182: {  	p0 =	sgt.s32 s0, s9;
	p6 =	slt.s32 s1, s13;
	p3 =	sge.s32 @!p1 s0, s13  }
0x183: {  	p2 =	por p0, p6;
	p1 =	por p1, p3  }
0x184: {  	p1 =	por p1, !p2  }
.Ltmp10:
0x185: {  	s4 =	sand.u32 $0x1, s8;
	(pc) =	sbr.rel @p1 .LBB2_12-.Ltmp10, $4  }
0x186: {  	s5 =	sadd.s32 $0x1, s4  }
0x187: {  	_ =	swait.ge [sflag:s5], $0x7D00  }
0x188: {  	[sflag:s5] =	ssyncset.done $0x0  }
0x189: {  	[sflag:s5] =	ssyncadd.s32 $0xFFFF8300  }
0x18a: {  	s15 =	smov.u32 s9  }
0x18b: {  	s15 =	smov.u32 @p0 s0  }
0x18c: {  	s5 =	sadd.s32 $0xF, s15  }
0x18d: {  	s16 =	smin.u32 s1, s13;
	s18 =	simm.s32 $0x1;
	s17 =	sand.u32 $0x7FFFFFF0, s5  }
0x18e: {  	s14 =	smin.u32 s23, s1;
	s18 =	simm.s32 @!p5 $0x0;
	s25 =	ssub.s32 s16, s17  }
0x18f: {  	s13 =	smul.u32 $0x1F400, s18;
	s28 =	ssub.s32 s14, s17;
	p0 =	sgt.s32 s25, $0x0  }
0x190: {  	s5 =	sshll.u32 s5, $0x2;
	p1 =	sgt.s32 s28, $0x0;
	s25 =	simm.s32 @!p0 $0x0  }
0x191: {  	s5 =	sand.u32 $0xFFFFFFC0, s5;
	s28 =	simm.s32 @!p1 $0x0;
	s11 =	sand.u32 $0x4000, s25  }
0x192: {  	s26 =	sshra.s32 s5, $0x2;
	s24 =	sshrl.u32 s28, $0xE;
	p0 =	seq.s32 s11, $0x0  }
0x193: {  	s26 =	sadd.s32 s26, s22;
	s24 =	sand.u32 $0x1, s24;
	s29 =	sadd.s32 @!p0 s21, s17  }
0x194: {  	s11 =	sadd.s32 s17, s11;
	s30 =	sshrl.u32 @!p0 s13, $0x2;
	s29 =	sshrl.u32 @!p0 s29, $0x3  }
0x195: {  	s26 =	sadd.s32 @!p0 s30, s26;
	s30 =	simm.s32 @!p0 $0x0;
	s29 =	sadd.s32 @!p0 s3, s29  }
0x196: {  	[tilespmem:s26], [sflag:$0x5] =	stream.linear.gather @!p0 [hbm4b:s29+s30], $0x4000, $0x38;
	[tilespmem:$0x10350] =	vst v63  }
0x197: {  	s10 =	simm.s32 @!p0 $0x0;
	s26 =	sshll.u32 s24, $0x10;
	s29 =	sand.u32 $0x2000, s25  }
0x198: {  	s10 =	simm.s32 @p0 $0x1;
	s31 =	sadd.s32 s5, s26;
	p0 =	seq.s32 s29, $0x0  }
0x199: {  	[smem:$0x7F1] =	sst s10;
	s10 =	simm.s32 @!p0 $0x0;
	s30 =	sshra.s32 s31, $0x2  }
0x19a: {  	s31 =	sadd.s32 @!p0 s21, s11;
	s10 =	simm.s32 @p0 $0x1;
	s30 =	sadd.s32 s30, s22  }
0x19b: {  	s31 =	sshrl.u32 @!p0 s31, $0x3;
	[smem:$0x7F2] =	sst s10;
	s10 =	sshrl.u32 @!p0 s13, $0x2  }
0x19c: {  	s10 =	sadd.s32 @!p0 s10, s30;
	s30 =	sadd.s32 @!p0 s3, s31;
	s31 =	simm.s32 @!p0 $0x0  }
0x19d: {  	[tilespmem:s10], [sflag:$0x5] =	stream.linear.gather @!p0 [hbm4b:s30+s31], $0x2000, $0x38;
	[tilespmem:$0x10350] =	vst v63  }
0x19e: {  	s30 =	sshrl.u32 s28, $0xD  }
0x19f: {  	s10 =	sand.u32 $0x1, s30  }
0x1a0: {  	s30 =	sand.u32 $0x1000, s25;
	s31 =	sshll.u32 s10, $0xF  }
0x1a1: {  	s11 =	sadd.s32 s29, s11;
	p0 =	seq.s32 s30, $0x0;
	s26 =	sor.u32 s31, s26  }
0x1a2: {  	s29 =	sadd.s32 @!p0 s21, s11;
	s5 =	sadd.s32 s5, s26;
	s26 =	simm.s32 @!p0 $0x0  }
0x1a3: {  	s29 =	sshrl.u32 @!p0 s29, $0x3;
	s26 =	simm.s32 @p0 $0x1;
	s31 =	sshra.s32 s5, $0x2  }
0x1a4: {  	[smem:$0x7F3] =	sst s26;
	s26 =	sadd.s32 s31, s22;
	s31 =	sshrl.u32 @!p0 s13, $0x2  }
0x1a5: {  	s29 =	sadd.s32 @!p0 s3, s29;
	s26 =	sadd.s32 @!p0 s31, s26;
	s31 =	simm.s32 @!p0 $0x0  }
0x1a6: {  	[tilespmem:s26], [sflag:$0x5] =	stream.linear.gather @!p0 [hbm4b:s29+s31], $0x1000, $0x38;
	[tilespmem:$0x10350] =	vst v63  }
0x1a7: {  	s31 =	sshrl.u32 s28, $0xC  }
0x1a8: {  	s26 =	sand.u32 $0x1, s31;
	s31 =	sand.u32 $0x800, s25  }
0x1a9: {  	s29 =	sshll.u32 s26, $0xE;
	p0 =	seq.s32 s31, $0x0  }
0x1aa: {  	s5 =	sadd.s32 s29, s5;
	s29 =	simm.s32 @!p0 $0x0  }
0x1ab: {  	s11 =	sadd.s32 s30, s11;
	s29 =	simm.s32 @p0 $0x1  }
0x1ac: {  	s5 =	sshra.s32 s5, $0x2;
	[smem:$0x7F4] =	sst s29;
	s29 =	sadd.s32 @!p0 s21, s11  }
0x1ad: {  	s30 =	sshrl.u32 @!p0 s13, $0x2;
	s5 =	sadd.s32 s5, s22;
	s29 =	sshrl.u32 @!p0 s29, $0x3  }
0x1ae: {  	s5 =	sadd.s32 @!p0 s30, s5;
	s30 =	simm.s32 @!p0 $0x0;
	s29 =	sadd.s32 @!p0 s3, s29  }
0x1af: {  	[tilespmem:s5], [sflag:$0x5] =	stream.linear.gather @!p0 [hbm4b:s29+s30], $0x800, $0x38;
	[tilespmem:$0x10350] =	vst v63  }
0x1b0: {  	s10 =	sshll.u32 s10, $0xD;
	s29 =	smul.u32 $0x7D00, s18;
	s30 =	sshll.u32 s24, $0xE  }
0x1b1: {  	s18 =	sshll.u32 s26, $0xC;
	s24 =	sand.u32 $0x800, s28;
	s26 =	sand.u32 $0x400, s25  }
0x1b2: {  	p0 =	seq.s32 s26, $0x0;
	s5 =	sadd.s32 s30, s29;
	s29 =	sand.u32 $0x200, s25  }
0x1b3: {  	s30 =	sand.u32 $0x400, s28;
	s5 =	sadd.s32 s10, s5;
	s10 =	sadd.s32 s31, s11  }
0x1b4: {  	s11 =	simm.s32 @!p0 $0x0;
	p6 =	seq.s32 s29, $0x0;
	s5 =	sadd.s32 s18, s5  }
0x1b5: {  	s31 =	sand.u32 $0x100, s25;
	s11 =	simm.s32 @p0 $0x1;
	s5 =	sadd.s32 s24, s5  }
0x1b6: {  	[smem:$0x7F5] =	sst s11;
	s11 =	sadd.s32 @!p0 s21, s10;
	s24 =	simm.s32 @!p0 $0x0  }
0x1b7: {  	s10 =	sadd.s32 s26, s10;
	s26 =	sand.u32 $0x80, s25;
	s5 =	sadd.s32 s17, s5  }
0x1b8: {  	s11 =	sshrl.u32 @!p0 s11, $0x3;
	p4 =	seq.s32 s26, $0x0;
	s17 =	sadd.s32 @!p0 s5, s6  }
0x1b9: {  	s11 =	sadd.s32 @!p0 s3, s11;
	s5 =	sadd.s32 s30, s5;
	s30 =	sand.u32 $0x40, s25  }
0x1ba: {  	s17 =	sadd.s32 @!p0 $0x140, s17;
	s18 =	sadd.s32 @!p6 s5, s6;
	p3 =	seq.s32 s30, $0x0  }
0x1bb: {  	[tilespmem:s17], [sflag:$0x5] =	stream.linear.gather @!p0 [hbm4b:s11+s24], $0x400, $0x38;
	[tilespmem:$0x10350] =	vst v63  }
0x1bc: {  	s17 =	sadd.s32 @!p6 s21, s10;
	s18 =	sadd.s32 @!p6 $0x140, s18;
	s24 =	simm.s32 @!p6 $0x0  }
0x1bd: {  	s10 =	sadd.s32 s29, s10;
	s11 =	simm.s32 @!p5 $0x0;
	s29 =	sand.u32 $0x100, s28  }
0x1be: {  	s17 =	sshrl.u32 @!p6 s17, $0x3;
	s11 =	simm.s32 @p5 $0x1;
	p5 =	seq.s32 s31, $0x0  }
0x1bf: {  	s17 =	sadd.s32 @!p6 s3, s17;
	[smem:$0x7F6] =	sst s11;
	s11 =	sadd.s32 @!p5 s21, s10  }
0x1c0: {  	[tilespmem:s18], [sflag:$0x5] =	stream.linear.gather @!p6 [hbm4b:s17+s24], $0x200, $0x38;
	[tilespmem:$0x10350] =	vst v63  }
0x1c1: {  	s10 =	sadd.s32 s31, s10;
	s31 =	sand.u32 $0x80, s28;
	s24 =	sand.u32 $0x200, s28  }
0x1c2: {  	s11 =	sshrl.u32 @!p5 s11, $0x3;
	s17 =	sadd.s32 @!p4 s21, s10;
	s10 =	sadd.s32 s26, s10  }
0x1c3: {  	s26 =	sand.u32 $0x10, s25;
	s5 =	sadd.s32 s24, s5;
	s11 =	sadd.s32 @!p5 s3, s11  }
0x1c4: {  	s24 =	simm.s32 @!p5 $0x0;
	s17 =	sshrl.u32 @!p4 s17, $0x3;
	s18 =	sadd.s32 @!p5 s5, s6  }
0x1c5: {  	s5 =	sadd.s32 s29, s5;
	s17 =	sadd.s32 @!p4 s3, s17;
	s18 =	sadd.s32 @!p5 $0x140, s18  }
0x1c6: {  	[tilespmem:s18], [sflag:$0x5] =	stream.linear.gather @!p5 [hbm4b:s11+s24], $0x100, $0x38;
	[tilespmem:$0x10350] =	vst v63  }
0x1c7: {  	s18 =	sadd.s32 @!p4 s5, s6;
	s24 =	simm.s32 @!p4 $0x0;
	s5 =	sadd.s32 s31, s5  }
0x1c8: {  	s11 =	sadd.s32 @!p3 s21, s10;
	s10 =	sadd.s32 s30, s10;
	s18 =	sadd.s32 @!p4 $0x140, s18  }
0x1c9: {  	[tilespmem:s18], [sflag:$0x5] =	stream.linear.gather @!p4 [hbm4b:s17+s24], $0x80, $0x38;
	[tilespmem:$0x10350] =	vst v63  }
0x1ca: {  	s30 =	sld [smem:$0x7F1];
	s11 =	sshrl.u32 @!p3 s11, $0x3;
	s18 =	sadd.s32 @!p3 s5, s6  }
0x1cb: {  	s11 =	sadd.s32 @!p3 s3, s11;
	s24 =	simm.s32 @!p3 $0x0;
	s18 =	sadd.s32 @!p3 $0x140, s18  }
0x1cc: {  	[tilespmem:s18], [sflag:$0x5] =	stream.linear.gather @!p3 [hbm4b:s11+s24], $0x40, $0x38;
	[tilespmem:$0x10350] =	vst v63  }
0x1cd: {  	p1 =	seq.s32 s26, $0x0;
	s11 =	sand.u32 $0x20, s25;
	s24 =	sand.u32 $0x40, s28  }
0x1ce: {  	s29 =	sand.u32 $0x20, s28;
	p2 =	seq.s32 s11, $0x0;
	s5 =	sadd.s32 s24, s5  }
0x1cf: {  	p0 =	seq.s32 s30, $0x1;
	s17 =	sadd.s32 @!p2 s21, s10;
	s18 =	sadd.s32 @!p2 s5, s6  }
0x1d0: {  	s24 =	simm.s32 @!p2 $0x0;
	s10 =	sadd.s32 @!p1 s11, s10;
	s5 =	sadd.s32 s29, s5  }
0x1d1: {  	s17 =	sshrl.u32 @!p2 s17, $0x3;
	s18 =	sadd.s32 @!p2 $0x140, s18;
	s10 =	sadd.s32 @!p1 s21, s10  }
0x1d2: {  	s5 =	sadd.s32 @!p1 s5, s6;
	s17 =	sadd.s32 @!p2 s3, s17;
	s10 =	sshrl.u32 @!p1 s10, $0x3  }
0x1d3: {  	[tilespmem:s18], [sflag:$0x5] =	stream.linear.gather @!p2 [hbm4b:s17+s24], $0x20, $0x38;
	[tilespmem:$0x10350] =	vst v63  }
0x1d4: {  	s11 =	simm.s32 @!p1 $0x0;
	s5 =	sadd.s32 @!p1 $0x140, s5;
	s10 =	sadd.s32 @!p1 s3, s10  }
0x1d5: {  	[tilespmem:s5], [sflag:$0x5] =	stream.linear.gather @!p1 [hbm4b:s10+s11], $0x10, $0x38;
	[tilespmem:$0x10350] =	vst v63  }
0x1d6: {  	s5 =	simm.s32 @!p0 $0x5  }
0x1d7: {  	_ =	swait.ge @!p0 [sflag:s5], $0x4000  }
0x1d8: {  	s31 =	sld [smem:$0x7F2];
	_ =	sdelay $0x1  }
0x1d9: {  	[sflag:s5] =	ssyncset.done @!p0 $0x0  }
0x1da: {  	[sflag:s5] =	ssyncadd.s32 @!p0 $0xFFFFC000;
	p0 =	seq.s32 s31, $0x1  }
0x1db: {  	s5 =	simm.s32 @!p0 $0x5  }
0x1dc: {  	_ =	swait.ge @!p0 [sflag:s5], $0x2000  }
0x1dd: {  	s10 =	sld [smem:$0x7F3];
	_ =	sdelay $0x1  }
0x1de: {  	[sflag:s5] =	ssyncset.done @!p0 $0x0  }
0x1df: {  	[sflag:s5] =	ssyncadd.s32 @!p0 $0xFFFFE000;
	p0 =	seq.s32 s10, $0x1  }
0x1e0: {  	s5 =	simm.s32 @!p0 $0x5  }
0x1e1: {  	_ =	swait.ge @!p0 [sflag:s5], $0x1000  }
0x1e2: {  	s11 =	sld [smem:$0x7F4];
	_ =	sdelay $0x1  }
0x1e3: {  	[sflag:s5] =	ssyncset.done @!p0 $0x0  }
0x1e4: {  	[sflag:s5] =	ssyncadd.s32 @!p0 $0xFFFFF000;
	p0 =	seq.s32 s11, $0x1  }
0x1e5: {  	s5 =	simm.s32 @!p0 $0x5  }
0x1e6: {  	_ =	swait.ge @!p0 [sflag:s5], $0x800  }
0x1e7: {  	s17 =	sld [smem:$0x7F5];
	_ =	sdelay $0x1  }
0x1e8: {  	[sflag:s5] =	ssyncset.done @!p0 $0x0  }
0x1e9: {  	[sflag:s5] =	ssyncadd.s32 @!p0 $0xFFFFF800;
	p0 =	seq.s32 s17, $0x1  }
0x1ea: {  	s5 =	simm.s32 @!p0 $0x5  }
0x1eb: {  	_ =	swait.ge @!p0 [sflag:s5], $0x400  }
0x1ec: {  	[sflag:s5] =	ssyncset.done @!p0 $0x0  }
0x1ed: {  	[sflag:s5] =	ssyncadd.s32 @!p0 $0xFFFFFC00;
	s5 =	simm.s32 @!p6 $0x5  }
0x1ee: {  	_ =	swait.ge @!p6 [sflag:s5], $0x200  }
0x1ef: {  	[sflag:s5] =	ssyncset.done @!p6 $0x0  }
0x1f0: {  	[sflag:s5] =	ssyncadd.s32 @!p6 $0xFFFFFE00;
	s5 =	simm.s32 @!p5 $0x5  }
0x1f1: {  	_ =	swait.ge @!p5 [sflag:s5], $0x100  }
0x1f2: {  	[sflag:s5] =	ssyncset.done @!p5 $0x0  }
0x1f3: {  	[sflag:s5] =	ssyncadd.s32 @!p5 $0xFFFFFF00;
	s5 =	simm.s32 @!p4 $0x5  }
0x1f4: {  	s18 =	sld [smem:$0x7F6];
	_ =	swait.ge @!p4 [sflag:s5], $0x80  }
0x1f5: {  	[sflag:s5] =	ssyncset.done @!p4 $0x0  }
0x1f6: {  	[sflag:s5] =	ssyncadd.s32 @!p4 $0xFFFFFF80;
	s5 =	simm.s32 @!p3 $0x5  }
0x1f7: {  	_ =	swait.ge @!p3 [sflag:s5], $0x40  }
0x1f8: {  	[sflag:s5] =	ssyncset.done @!p3 $0x0  }
0x1f9: {  	[sflag:s5] =	ssyncadd.s32 @!p3 $0xFFFFFFC0;
	s5 =	simm.s32 @!p2 $0x5  }
0x1fa: {  	_ =	swait.ge @!p2 [sflag:s5], $0x20  }
0x1fb: {  	s26 =	sshll.u32 s15, $0x2;
	[sflag:s5] =	ssyncset.done @!p2 $0x0  }
0x1fc: {  	s24 =	sand.u32 $0x7FFFFFF0, s15;
	[sflag:s5] =	ssyncadd.s32 @!p2 $0xFFFFFFE0;
	s5 =	simm.s32 @!p1 $0x5  }
0x1fd: {  	s28 =	sshra.s32 s26, $0x2;
	s25 =	sadd.s32 s21, s24;
	_ =	swait.ge @!p1 [sflag:s5], $0x10  }
0x1fe: {  	s29 =	simm.s32 $0xFB40;
	s11 =	sshrl.u32 s25, $0x3;
	[sflag:s5] =	ssyncset.done @!p1 $0x0  }
0x1ff: {  	s11 =	sadd.s32 s3, s11;
	s17 =	simm.s32 $0x0;
	[sflag:s5] =	ssyncadd.s32 @!p1 $0xFFFFFFF0  }
0x200: {  	[tilespmem:s29], [sflag:$0x6] =	stream.linear.gather [hbm4b:s11+s17], $0x10, $0x38;
	[tilespmem:$0x10350] =	vst v63  }
0x201: {  	s5 =	sand.u32 $0xFFFFFFF0, s28;
	_ =	swait.ge [sflag:s20], $0x10  }
0x202: {  	s30 =	sshrl.u32 s13, $0x2;
	s5 =	sadd.s32 s5, s22;
	[sflag:s20] =	ssyncset.done $0x0  }
0x203: {  	s5 =	sadd.s32 s30, s5;
	[sflag:s20] =	ssyncadd.s32 $0xFFFFFFF0  }
0x204: {  	v3 =	vld [tilespmem:s5+$0x0]  }
0x205: {  	s11 =	sadd.s32 $0xFFFFFFFF, s16;
	v4 =	vld [tilespmem:$0xFB40]  }
0x206: {  	s15 =	sxor.u32 s15, s11  }
0x207: {  	p0 =	slt.u32 s15, $0x10  }
0x208: {  	v5 =	vadd.s32 s24, v1;
	s10 =	sand.u32 @!p0 $0xFFFFFFF0, s11  }
0x209: {  	vm2 =	vlt.u32 v5, v2;
	s11 =	sadd.s32 @!p0 s21, s10  }
0x20a: {  	s31 =	sshll.u32 s14, $0x2;
	s11 =	sshrl.u32 @!p0 s11, $0x3;
	v3 =	vsel vm2, v4, v3  }
0x20b: {  	s15 =	simm.s32 @!p0 $0xFB40;
	[tilespmem:s5+$0x0] =	vst v3;
	s5 =	sadd.s32 @!p0 s3, s11;
	s11 =	simm.s32 @!p0 $0x0  }
0x20c: {  	[tilespmem:s15], [sflag:$0x6] =	stream.linear.gather @!p0 [hbm4b:s5+s11], $0x10, $0x38;
	[tilespmem:$0x10350] =	vst v63  }
0x20d: {  	s5 =	sadd.s32 $0xFFFFFFFC, s31;
	s11 =	simm.s32 @!p0 $0x6  }
0x20e: {  	s5 =	sand.u32 $0xFFFFFFC0, s5;
	_ =	swait.ge @!p0 [sflag:s11], $0x10  }
0x20f: {  	s5 =	sshra.s32 s5, $0x2;
	[sflag:s11] =	ssyncset.done @!p0 $0x0  }
0x210: {  	s13 =	sshrl.u32 @!p0 s13, $0x2;
	s5 =	sadd.s32 s5, s22;
	[sflag:s11] =	ssyncadd.s32 @!p0 $0xFFFFFFF0  }
0x211: {  	s5 =	sadd.s32 @!p0 s13, s5;
	v4 =	vld @!p0 [tilespmem:$0xFB40]  }
0x212: {  	v3 =	vld @!p0 [tilespmem:s5+$0x0];
	_ =	sdelay $0x1  }
.Ltmp11:
0x213: {  	_ = 	snop;
	(pc) =	sbr.rel .LBB2_12-.Ltmp11, $4  }
0x214: {  	v5 =	vadd.s32 @!p0 s10, v1  }
0x215: {  	vm2 =	vlt.u32 @!p0 v5, v2  }
0x216: {  	v3 =	vsel @!p0 vm2, v4, v3  }
0x217: {  	p5 =	seq.s32 s18, $0x1;
	[tilespmem:s5+$0x0] =	vst @!p0 v3  }
.LBB2_14:
0x218: {  	_ =	sfence.sel $0x180000  }
0x219: {  	[bflag:$0x0] =	sbarrier.arrive $0xFFFF  }
0x21a: {  	_ =	strace $0x90000047  }
0x21b: {  	s0 =	stileid.u32;
	[bflag:$0x2] =	sbarrier.arrive $0xFFFF  }
0x21c: {  	p0 =	sne.s32 s0, $0x0;
	s0 =	rddreg [dreg:$0x5]  }
0x21d: {  	s0 =	sadd.s32 @!p0 $0x100000, s0  }
0x21e: {  	[sflag:s0] =	ssyncadd.tile.s32 @!p0 $0x1;
	_ =	shalt  }
.Lfunc_end2:
_tile_overlayer_lowered:
.L_overlay_start_2:
0x21f: {  	(tag) =	ssettag $0x2  }
0x220: {  	s0 =	rddreg [dreg:$0x0];
	s2 =	stileid.u32  }
0x221: {  	s1 =	rddreg [dreg:$0x1];
	p0 =	sne.s32 s2, $0x0  }
0x222: {  	s3 =	rddreg [dreg:$0x2];
	[bflag:$0x3] =	sbarrier.arrive $0xFFFF;
	s2 =	simm.s32 @!p0 $0x1C06  }
0x223: {  	[timem:s3], [sflag:s2] =	dma.local @!p0 [hbm:s0], s1  }
0x224: {  	s0 =	simm.s32 @!p0 $0x6  }
0x225: {  	_ =	swait.ge @!p0 [sflag:s0], s1  }
0x226: {  	s1 =	ssub.s32 @!p0 $0x0, s1;
	[sflag:s0] =	ssyncset.done @!p0 $0x0  }
0x227: {  	[sflag:s0] =	ssyncadd.s32 @!p0 s1  }
0x228: {  	[bflag:$0x3] =	sbarrier.arrive $0xFFFF  }
0x229: {  	_ =	shalt  }

</sc_bundles>
